<compile_context>
chip_gen: v7x
topology: tpu7x:2x2x1
jax: 0.10.2.dev20260603
libtpu: 0.0.44.dev20260713+nightly
codegen_flags: <defaults>
</compile_context>

<pallas_src>
import dataclasses
import functools

import jax
import jax.numpy as jnp
from jax import lax
from jax.experimental import pallas as pl
from jax.experimental.pallas import tpu as pltpu
from jax.experimental.pallas import tpu_sc as plsc

N = 10000
D = 128
E = 320000
NC = 2
NS = 16
NW = NC * NS
CHUNK = 128
CPT = 80
HCPT = 16
E_PAD = NW * CPT * CHUNK
ROWS = 10240
RPT = ROWS // NS
TCB = 1000


def _sc_mesh():
    return plsc.VectorSubcoreMesh(core_axis_name="c", subcore_axis_name="s")


def _sc_params():
    cp = pltpu.CompilerParams()
    if "needs_layout_passes" in pltpu.CompilerParams.__dataclass_fields__:
        cp = dataclasses.replace(cp, needs_layout_passes=False)
    return cp


def _deg_partials(col_flat):

    @functools.partial(
        pl.kernel,
        out_type=jax.ShapeDtypeStruct((NW, ROWS), jnp.float32),
        mesh=_sc_mesh(),
        compiler_params=_sc_params(),
        scratch_types=[
            pltpu.VMEM((CPT * CHUNK,), jnp.int32),
            pltpu.VMEM((ROWS,), jnp.float32),
            pltpu.SemaphoreType.DMA,
        ],
    )
    def k(col_hbm, out_hbm, colv, hist, sem):
        wid = lax.axis_index("s") * NC + lax.axis_index("c")
        pltpu.async_copy(col_hbm.at[wid], colv, sem).wait()
        zero = jnp.zeros((16,), jnp.float32)
        ones = jnp.ones((16,), jnp.float32)

        @pl.loop(0, ROWS // 16)
        def _(i):
            hist[pl.ds(i * 16, 16)] = zero

        @pl.loop(0, (CPT * CHUNK) // 16)
        def _(i):
            idx = colv[pl.ds(i * 16, 16)]
            plsc.addupdate_scatter(hist, [idx], ones)

        pltpu.async_copy(hist, out_hbm.at[wid], sem).wait()

    return k(col_flat)


def _matmul(x, W):
    def body(xr, wr, outr):
        outr[...] = lax.dot_general(
            xr[...], wr[...], (((1,), (0,)), ((), ())),
            precision=lax.Precision.HIGHEST,
            preferred_element_type=jnp.float32,
        )

    return pl.pallas_call(
        body,
        grid=(N // TCB,),
        in_specs=[
            pl.BlockSpec((TCB, D), lambda i: (i, 0)),
            pl.BlockSpec((D, D), lambda i: (0, 0)),
        ],
        out_specs=pl.BlockSpec((TCB, D), lambda i: (i, 0)),
        out_shape=jax.ShapeDtypeStruct((N, D), jnp.float32),
    )(x, W)


def _dis(deg_partials):

    def body(dr, outr):
        deg = jnp.sum(dr[...], axis=0) + 1.0
        outr[...] = lax.rsqrt(deg)[:, None]

    return pl.pallas_call(
        body,
        out_shape=jax.ShapeDtypeStruct((ROWS, 1), jnp.float32),
    )(deg_partials)


def _scale(h, dis):
    def body(hr, dr, outr):
        outr[...] = jnp.broadcast_to((hr[...] * dr[...])[None], (NC, TCB, D))

    return pl.pallas_call(
        body,
        grid=(N // TCB,),
        in_specs=[
            pl.BlockSpec((TCB, D), lambda i: (i, 0)),
            pl.BlockSpec((TCB, 1), lambda i: (i, 0)),
        ],
        out_specs=pl.BlockSpec((NC, TCB, D), lambda i: (0, i, 0)),
        out_shape=jax.ShapeDtypeStruct((NC, N, D), jnp.float32),
    )(h, dis)


def _edge_aggregate(hprime, row_idx, col_idx):

    @functools.partial(
        pl.kernel,
        out_type=jax.ShapeDtypeStruct((NC, ROWS, D), jnp.float32),
        mesh=_sc_mesh(),
        compiler_params=_sc_params(),
        scratch_types=[
            pltpu.VMEM((HCPT, CHUNK), jnp.int32),
            pltpu.VMEM((HCPT, CHUNK), jnp.int32),
            pltpu.VMEM((CHUNK, D), jnp.float32),
            pltpu.VMEM((CHUNK, D), jnp.float32),
            pltpu.VMEM_SHARED((ROWS, D), jnp.float32),
            pltpu.SemaphoreType.DMA,
            pltpu.SemaphoreType.DMA,
            pltpu.SemaphoreType.DMA,
            pltpu.SemaphoreType.DMA,
            pltpu.SemaphoreType.DMA,
        ],
    )
    def k(h_hbm, row_hbm, col_hbm, out_hbm, rowv, colv,
          gb0, gb1, acc, gs0, gs1, ss0, ss1, sem):
        cid = lax.axis_index("c")
        sid = lax.axis_index("s")
        wid = sid * NC + cid

        def buf(b):
            return gb0 if b == 0 else gb1

        gs = (gs0, gs1)
        ss = (ss0, ss1)

        zero = jnp.zeros((16,), jnp.float32)

        @pl.loop(0, CHUNK)
        def _(r):
            @pl.loop(0, D // 16)
            def _(l):
                gb0[r, pl.ds(l * 16, 16)] = zero

        for t in range(RPT // CHUNK):
            pltpu.async_copy(
                gb0, acc.at[pl.ds(sid * RPT + t * CHUNK, CHUNK)], sem
            )
        for t in range(RPT // CHUNK):
            pltpu.make_async_copy(
                gb0, acc.at[pl.ds(sid * RPT + t * CHUNK, CHUNK)], sem
            ).wait()

        def start_g(b, j):
            pltpu.async_copy(h_hbm.at[cid].at[rowv.at[j]], buf(b), gs[b])

        def wait_g(b):
            pltpu.make_async_copy(
                h_hbm.at[cid].at[rowv.at[0]], buf(b), gs[b]
            ).wait()

        def start_s(b, j):
            pltpu.async_copy(buf(b), acc.at[colv.at[j]], ss[b], add=True)

        def wait_s(b):
            pltpu.make_async_copy(buf(b), acc.at[colv.at[0]], ss[b]).wait()

        plsc.subcore_barrier()

        def run_block(w):
            for half in range(CPT // HCPT):
                pltpu.async_copy(
                    row_hbm.at[w].at[pl.ds(half * HCPT, HCPT)], rowv, sem
                )
                pltpu.async_copy(
                    col_hbm.at[w].at[pl.ds(half * HCPT, HCPT)], colv, sem
                )
                pltpu.make_async_copy(
                    row_hbm.at[w].at[pl.ds(half * HCPT, HCPT)], rowv, sem
                ).wait()
                pltpu.make_async_copy(
                    col_hbm.at[w].at[pl.ds(half * HCPT, HCPT)], colv, sem
                ).wait()
                start_g(0, 0)

                @pl.loop(0, HCPT // 2)
                def _(t):
                    j = 2 * t
                    wait_g(0)

                    @pl.when(t > 0)
                    def _():
                        wait_s(1)

                    start_g(1, j + 1)
                    start_s(0, j)
                    wait_g(1)
                    wait_s(0)

                    @pl.when(t < HCPT // 2 - 1)
                    def _():
                        start_g(0, j + 2)

                    start_s(1, j + 1)

                wait_s(1)

        run_block(wid)
        plsc.subcore_barrier()

        pltpu.async_copy(
            acc.at[pl.ds(sid * RPT, RPT)],
            out_hbm.at[cid].at[pl.ds(sid * RPT, RPT)],
            sem,
        ).wait()

    return k(hprime, row_idx, col_idx)


def _finalize(acc2, hprime, dis, b2, alpha2):
    def body(ar, hr, dr, br, alr, outr):
        s = ar[0] + ar[1] + hr[0]
        out = dr[...] * s + br[...]
        outr[...] = jnp.where(out > 0, out, alr[...] * out)

    return pl.pallas_call(
        body,
        grid=(N // TCB,),
        in_specs=[
            pl.BlockSpec((NC, TCB, D), lambda i: (0, i, 0)),
            pl.BlockSpec((1, TCB, D), lambda i: (0, i, 0)),
            pl.BlockSpec((TCB, 1), lambda i: (i, 0)),
            pl.BlockSpec((1, D), lambda i: (0, 0)),
            pl.BlockSpec((1, D), lambda i: (0, 0)),
        ],
        out_specs=pl.BlockSpec((TCB, D), lambda i: (i, 0)),
        out_shape=jax.ShapeDtypeStruct((N, D), jnp.float32),
    )(acc2, hprime, dis, b2, alpha2)


def kernel(x, edge_index, k_centers, W, b, alpha):
    pad = E_PAD - E
    row = jnp.concatenate([edge_index[0], jnp.zeros((pad,), jnp.int32)])
    col = jnp.concatenate([edge_index[1], jnp.full((pad,), N, jnp.int32)])
    row3 = row.reshape(NW, CPT, CHUNK)
    col3 = col.reshape(NW, CPT, CHUNK)
    col_flat = col.reshape(NW, CPT * CHUNK)

    degp = _deg_partials(col_flat)
    h = _matmul(x, W)
    dis = _dis(degp)
    hp = _scale(h, dis)
    acc2 = _edge_aggregate(hp, row3, col3)
    return _finalize(acc2, hp, dis, b.reshape(1, D), alpha.reshape(1, D))

# --- scband reference (transcript-rebuilt; emitter-appended) ---
"""Pipeline reference for scband-encoder-74277164417194 (READ-ONLY COPY).

The authoritative reference and input builder live on the scoring server;
editing this copy changes nothing except your own understanding.
"""

import jax, jax.numpy as jnp
import numpy as np

N_NODES = 10000
N_EDGES = 320000
D_IN = 128
D_HID = 128


def setup_inputs(seed: int = 0) -> dict:
    key = jax.random.key(seed)
    k1, k2, k3, k4 = jax.random.split(key, 4)
    x = jax.random.normal(k1, (N_NODES, D_IN), dtype=jnp.float32)
    edge_index = jax.random.randint(k2, (2, N_EDGES), 0, N_NODES, dtype=jnp.int32)
    # GCNConv learned parameters (glorot-ish init)
    W = jax.random.normal(k3, (D_IN, D_HID), dtype=jnp.float32) * (1.0 / np.sqrt(D_IN))
    b = jnp.zeros((D_HID,), dtype=jnp.float32)
    # PReLU per-channel weight, torch default init = 0.25
    alpha = jnp.full((D_HID,), 0.25, dtype=jnp.float32)
    k_centers = 10  # unused by forward, kept for signature fidelity
    return {"x": x, "edge_index": edge_index, "k_centers": k_centers, "W": W, "b": b, "alpha": alpha}


def reference(x, edge_index, k_centers, W, b, alpha):
    # GCNConv: out = D^{-1/2} (A + I) D^{-1/2} X W + b
    n = x.shape[0]
    h = x @ W  # linear transform first (standard GCNConv order)
    # add self loops
    loop = jnp.arange(n, dtype=edge_index.dtype)
    row = jnp.concatenate([edge_index[0], loop])  # source
    col = jnp.concatenate([edge_index[1], loop])  # destination
    # symmetric degree normalization (degree counted on dst, incl. self loops)
    deg = jnp.zeros((n,), dtype=h.dtype).at[col].add(1.0)
    deg_inv_sqrt = jnp.where(deg > 0, deg ** -0.5, 0.0)
    norm = deg_inv_sqrt[row] * deg_inv_sqrt[col]
    # gather source features, scale, scatter-add to destinations
    msgs = norm[:, None] * jnp.take(h, row, axis=0)
    out = jax.ops.segment_sum(msgs, col, num_segments=n) + b
    # PReLU with per-channel weight
    out = jnp.where(out > 0, out, alpha * out)
    return out

if __name__ == "__main__":
    import jax
    _d = setup_inputs()
    print(jax.jit(kernel)(*tuple(_d.values())))

</pallas_src>

<mosaic_0001>
#map = affine_map<(d0, d1) -> (0, 0)>
module attributes {stable_mosaic.version = 14 : i64} {
  func.func @k(%arg0: i32, %arg1: i32, %arg2: memref<32x10240xi32, #tpu.memory_space<hbm>>, %arg3: memref<32x10240xf32, #tpu.memory_space<hbm>>, %arg4: memref<10240xi32, #tpu.memory_space<vmem>>, %arg5: memref<10240xf32, #tpu.memory_space<vmem>>, %arg6: memref<!tpu.dma_semaphore, #tpu.memory_space<semaphore_mem>>) attributes {dimension_semantics = [#tpu.dimension_semantics<core_parallel>, #tpu.dimension_semantics<subcore_parallel>], iteration_bounds = array<i64: 2, 16>, scalar_prefetch = 0 : i64, scratch_operands = 3 : i64, tpu.core_type = #tpu.core_type<sc_vector_subcore>, window_params = [{transform_indices = #map}, {transform_indices = #map}]} {
    %mul3A = arith.constant 2 : i32
    %mul3A_0 = arith.muli %arg1, %mul3A : i32
    %add3A = arith.addi %mul3A_0, %arg0 : i32
    %dma_start3A = arith.constant 0 : i32
    %dma_start3A_1 = tpu.memref_slice %arg2[%add3A, %dma_start3A] : memref<32x10240xi32, #tpu.memory_space<hbm>> -> memref<1x10240xi32, #tpu.memory_space<hbm>>
    %dma_start3A_2 = tpu.memref_squeeze %dma_start3A_1 : memref<1x10240xi32, #tpu.memory_space<hbm>> -> memref<10240xi32, #tpu.memory_space<hbm>>
    %dma_start3A_3 = arith.constant 0 : i32
    %dma_start3A_4 = tpu.memref_slice %arg2[%add3A, %dma_start3A_3] : memref<32x10240xi32, #tpu.memory_space<hbm>> -> memref<1x10240xi32, #tpu.memory_space<hbm>>
    %dma_start3A_5 = tpu.memref_squeeze %dma_start3A_4 : memref<1x10240xi32, #tpu.memory_space<hbm>> -> memref<10240xi32, #tpu.memory_space<hbm>>
    tpu.enqueue_dma source(%dma_start3A_5 : memref<10240xi32, #tpu.memory_space<hbm>>) target(%arg4 : memref<10240xi32, #tpu.memory_space<vmem>>) target_semaphore(%arg6 : memref<!tpu.dma_semaphore, #tpu.memory_space<semaphore_mem>>)
    %dma_wait3A = arith.constant 0 : i32
    %dma_wait3A_6 = tpu.memref_slice %arg2[%add3A, %dma_wait3A] : memref<32x10240xi32, #tpu.memory_space<hbm>> -> memref<1x10240xi32, #tpu.memory_space<hbm>>
    %dma_wait3A_7 = tpu.memref_squeeze %dma_wait3A_6 : memref<1x10240xi32, #tpu.memory_space<hbm>> -> memref<10240xi32, #tpu.memory_space<hbm>>
    %dma_wait3A_8 = arith.constant 0 : i32
    %dma_wait3A_9 = tpu.memref_slice %arg2[%add3A, %dma_wait3A_8] : memref<32x10240xi32, #tpu.memory_space<hbm>> -> memref<1x10240xi32, #tpu.memory_space<hbm>>
    %dma_wait3A_10 = tpu.memref_squeeze %dma_wait3A_9 : memref<1x10240xi32, #tpu.memory_space<hbm>> -> memref<10240xi32, #tpu.memory_space<hbm>>
    tpu.wait_dma2 semaphore(%arg6 : memref<!tpu.dma_semaphore, #tpu.memory_space<semaphore_mem>>) src(%dma_wait3A_10 : memref<10240xi32, #tpu.memory_space<hbm>>) dst(%arg4 : memref<10240xi32, #tpu.memory_space<vmem>>)
    %broadcast_in_dim3A = arith.constant 0.000000e+00 : f32
    %broadcast_in_dim3A_11 = vector.broadcast %broadcast_in_dim3A : f32 to vector<16xf32>
    %broadcast_in_dim3A_12 = arith.constant 1.000000e+00 : f32
    %broadcast_in_dim3A_13 = vector.broadcast %broadcast_in_dim3A_12 : f32 to vector<16xf32>
    %scan3A = arith.constant 0 : i32
    %scan3A_14 = arith.constant 640 : i32
    %scan3A_15 = arith.addi %scan3A, %scan3A_14 : i32
    %scan3A_16 = arith.constant 1 : i32
    scf.for %scan3A_35 = %scan3A to %scan3A_15 step %scan3A_16  : i32 {
      %mul3A_36 = arith.constant 1 : i32
      %mul3A_37 = arith.muli %scan3A_35, %mul3A_36 : i32
      %add3A_38 = arith.constant 0 : i32
      %add3A_39 = arith.addi %add3A_38, %mul3A_37 : i32
      %mul3A_40 = arith.constant 16 : i32
      %mul3A_41 = arith.muli %add3A_39, %mul3A_40 : i32
      %swap3A = arith.index_cast %mul3A_41 : i32 to index
      %swap3A_42 = tpu.vector_load %arg5[%swap3A] {strides = array<i32>} : memref<10240xf32, #tpu.memory_space<vmem>>, vector<16xf32>,
      tpu.vector_store %arg5[%swap3A], %broadcast_in_dim3A_11 {strides = array<i32>} : memref<10240xf32, #tpu.memory_space<vmem>>, vector<16xf32>,
    }
    %scan3A_17 = arith.constant 640 : i32
    %scan3A_18 = arith.constant 0 : i32
    %scan3A_19 = arith.constant 640 : i32
    %scan3A_20 = arith.addi %scan3A_18, %scan3A_19 : i32
    %scan3A_21 = arith.constant 1 : i32
    scf.for %scan3A_35 = %scan3A_18 to %scan3A_20 step %scan3A_21  : i32 {
      %mul3A_36 = arith.constant 1 : i32
      %mul3A_37 = arith.muli %scan3A_35, %mul3A_36 : i32
      %add3A_38 = arith.constant 0 : i32
      %add3A_39 = arith.addi %add3A_38, %mul3A_37 : i32
      %mul3A_40 = arith.constant 16 : i32
      %mul3A_41 = arith.muli %add3A_39, %mul3A_40 : i32
      %get3A = arith.index_cast %mul3A_41 : i32 to index
      %get3A_42 = tpu.vector_load %arg4[%get3A] {strides = array<i32>} : memref<10240xi32, #tpu.memory_space<vmem>>, vector<16xi32>,
      tpu.vector_store_idx %arg5[%get3A_42], %broadcast_in_dim3A_13 {add = true} : memref<10240xf32, #tpu.memory_space<vmem>>[vector<16xi32>], vector<16xf32>,
    }
    %scan3A_22 = arith.constant 640 : i32
    %dma_start3A_23 = arith.constant 0 : i32
    %dma_start3A_24 = tpu.memref_slice %arg3[%add3A, %dma_start3A_23] : memref<32x10240xf32, #tpu.memory_space<hbm>> -> memref<1x10240xf32, #tpu.memory_space<hbm>>
    %dma_start3A_25 = tpu.memref_squeeze %dma_start3A_24 : memref<1x10240xf32, #tpu.memory_space<hbm>> -> memref<10240xf32, #tpu.memory_space<hbm>>
    %dma_start3A_26 = arith.constant 0 : i32
    %dma_start3A_27 = tpu.memref_slice %arg3[%add3A, %dma_start3A_26] : memref<32x10240xf32, #tpu.memory_space<hbm>> -> memref<1x10240xf32, #tpu.memory_space<hbm>>
    %dma_start3A_28 = tpu.memref_squeeze %dma_start3A_27 : memref<1x10240xf32, #tpu.memory_space<hbm>> -> memref<10240xf32, #tpu.memory_space<hbm>>
    tpu.enqueue_dma source(%arg5 : memref<10240xf32, #tpu.memory_space<vmem>>) target(%dma_start3A_28 : memref<10240xf32, #tpu.memory_space<hbm>>) target_semaphore(%arg6 : memref<!tpu.dma_semaphore, #tpu.memory_space<semaphore_mem>>)
    %dma_wait3A_29 = arith.constant 0 : i32
    %dma_wait3A_30 = tpu.memref_slice %arg3[%add3A, %dma_wait3A_29] : memref<32x10240xf32, #tpu.memory_space<hbm>> -> memref<1x10240xf32, #tpu.memory_space<hbm>>
    %dma_wait3A_31 = tpu.memref_squeeze %dma_wait3A_30 : memref<1x10240xf32, #tpu.memory_space<hbm>> -> memref<10240xf32, #tpu.memory_space<hbm>>
    %dma_wait3A_32 = arith.constant 0 : i32
    %dma_wait3A_33 = tpu.memref_slice %arg3[%add3A, %dma_wait3A_32] : memref<32x10240xf32, #tpu.memory_space<hbm>> -> memref<1x10240xf32, #tpu.memory_space<hbm>>
    %dma_wait3A_34 = tpu.memref_squeeze %dma_wait3A_33 : memref<1x10240xf32, #tpu.memory_space<hbm>> -> memref<10240xf32, #tpu.memory_space<hbm>>
    tpu.wait_dma2 semaphore(%arg6 : memref<!tpu.dma_semaphore, #tpu.memory_space<semaphore_mem>>) src(%arg5 : memref<10240xf32, #tpu.memory_space<vmem>>) dst(%dma_wait3A_34 : memref<10240xf32, #tpu.memory_space<hbm>>)
    return
  }
}

#map = affine_map<(d0, d1) -> (0, 0, 0)>
module attributes {stable_mosaic.version = 14 : i64} {
  func.func @k(%arg0: i32, %arg1: i32, %arg2: memref<2x10000x128xf32, #tpu.memory_space<hbm>>, %arg3: memref<32x80x128xi32, #tpu.memory_space<hbm>>, %arg4: memref<32x80x128xi32, #tpu.memory_space<hbm>>, %arg5: memref<2x10240x128xf32, #tpu.memory_space<hbm>>, %arg6: memref<16x128xi32, #tpu.memory_space<vmem>>, %arg7: memref<16x128xi32, #tpu.memory_space<vmem>>, %arg8: memref<128x128xf32, #tpu.memory_space<vmem>>, %arg9: memref<128x128xf32, #tpu.memory_space<vmem>>, %arg10: memref<10240x128xf32, #tpu.memory_space<vmem_shared>>, %arg11: memref<!tpu.dma_semaphore, #tpu.memory_space<semaphore_mem>>, %arg12: memref<!tpu.dma_semaphore, #tpu.memory_space<semaphore_mem>>, %arg13: memref<!tpu.dma_semaphore, #tpu.memory_space<semaphore_mem>>, %arg14: memref<!tpu.dma_semaphore, #tpu.memory_space<semaphore_mem>>, %arg15: memref<!tpu.dma_semaphore, #tpu.memory_space<semaphore_mem>>) attributes {dimension_semantics = [#tpu.dimension_semantics<core_parallel>, #tpu.dimension_semantics<subcore_parallel>], iteration_bounds = array<i64: 2, 16>, scalar_prefetch = 0 : i64, scratch_operands = 10 : i64, tpu.core_type = #tpu.core_type<sc_vector_subcore>, window_params = [{transform_indices = #map}, {transform_indices = #map}, {transform_indices = #map}, {transform_indices = #map}]} {
    %mul3A = arith.constant 2 : i32
    %mul3A_0 = arith.muli %arg1, %mul3A : i32
    %add3A = arith.addi %mul3A_0, %arg0 : i32
    %broadcast_in_dim3A = arith.constant 0.000000e+00 : f32
    %broadcast_in_dim3A_1 = vector.broadcast %broadcast_in_dim3A : f32 to vector<16xf32>
    %scan3A = arith.constant 0 : i32
    %scan3A_2 = arith.constant 128 : i32
    %scan3A_3 = arith.addi %scan3A, %scan3A_2 : i32
    %scan3A_4 = arith.constant 1 : i32
    scf.for %scan3A_500 = %scan3A to %scan3A_3 step %scan3A_4  : i32 {
      %mul3A_501 = arith.constant 1 : i32
      %mul3A_502 = arith.muli %scan3A_500, %mul3A_501 : i32
      %add3A_503 = arith.constant 0 : i32
      %add3A_504 = arith.addi %add3A_503, %mul3A_502 : i32
      %scan3A_505 = arith.constant 0 : i32
      %scan3A_506 = arith.constant 8 : i32
      %scan3A_507 = arith.addi %scan3A_505, %scan3A_506 : i32
      %scan3A_508 = arith.constant 1 : i32
      scf.for %scan3A_510 = %scan3A_505 to %scan3A_507 step %scan3A_508  : i32 {
        %mul3A_511 = arith.constant 1 : i32
        %mul3A_512 = arith.muli %scan3A_510, %mul3A_511 : i32
        %add3A_513 = arith.constant 0 : i32
        %add3A_514 = arith.addi %add3A_513, %mul3A_512 : i32
        %mul3A_515 = arith.constant 16 : i32
        %mul3A_516 = arith.muli %add3A_514, %mul3A_515 : i32
        %swap3A = arith.index_cast %add3A_504 : i32 to index
        %swap3A_517 = arith.index_cast %mul3A_516 : i32 to index
        %swap3A_518 = tpu.vector_load %arg8[%swap3A, %swap3A_517] {strides = array<i32>} : memref<128x128xf32, #tpu.memory_space<vmem>>, vector<16xf32>,
        tpu.vector_store %arg8[%swap3A, %swap3A_517], %broadcast_in_dim3A_1 {strides = array<i32>} : memref<128x128xf32, #tpu.memory_space<vmem>>, vector<16xf32>,
      }
      %scan3A_509 = arith.constant 8 : i32
    }
    %scan3A_5 = arith.constant 128 : i32
    %mul3A_6 = arith.constant 640 : i32
    %mul3A_7 = arith.muli %arg1, %mul3A_6 : i32
    %add3A_8 = arith.constant 0 : i32
    %add3A_9 = arith.addi %mul3A_7, %add3A_8 : i32
    %dma_start3A = arith.constant 0 : i32
    %dma_start3A_10 = tpu.memref_slice %arg10[%add3A_9, %dma_start3A] : memref<10240x128xf32, #tpu.memory_space<vmem_shared>> -> memref<128x128xf32, #tpu.memory_space<vmem_shared>>
    %dma_start3A_11 = arith.constant 0 : i32
    %dma_start3A_12 = tpu.memref_slice %arg10[%add3A_9, %dma_start3A_11] : memref<10240x128xf32, #tpu.memory_space<vmem_shared>> -> memref<128x128xf32, #tpu.memory_space<vmem_shared>>
    tpu.enqueue_dma source(%arg8 : memref<128x128xf32, #tpu.memory_space<vmem>>) target(%dma_start3A_12 : memref<128x128xf32, #tpu.memory_space<vmem_shared>>) target_semaphore(%arg15 : memref<!tpu.dma_semaphore, #tpu.memory_space<semaphore_mem>>)
    %mul3A_13 = arith.constant 640 : i32
    %mul3A_14 = arith.muli %arg1, %mul3A_13 : i32
    %add3A_15 = arith.constant 128 : i32
    %add3A_16 = arith.addi %mul3A_14, %add3A_15 : i32
    %dma_start3A_17 = arith.constant 0 : i32
    %dma_start3A_18 = tpu.memref_slice %arg10[%add3A_16, %dma_start3A_17] : memref<10240x128xf32, #tpu.memory_space<vmem_shared>> -> memref<128x128xf32, #tpu.memory_space<vmem_shared>>
    %dma_start3A_19 = arith.constant 0 : i32
    %dma_start3A_20 = tpu.memref_slice %arg10[%add3A_16, %dma_start3A_19] : memref<10240x128xf32, #tpu.memory_space<vmem_shared>> -> memref<128x128xf32, #tpu.memory_space<vmem_shared>>
    tpu.enqueue_dma source(%arg8 : memref<128x128xf32, #tpu.memory_space<vmem>>) target(%dma_start3A_20 : memref<128x128xf32, #tpu.memory_space<vmem_shared>>) target_semaphore(%arg15 : memref<!tpu.dma_semaphore, #tpu.memory_space<semaphore_mem>>)
    %mul3A_21 = arith.constant 640 : i32
    %mul3A_22 = arith.muli %arg1, %mul3A_21 : i32
    %add3A_23 = arith.constant 256 : i32
    %add3A_24 = arith.addi %mul3A_22, %add3A_23 : i32
    %dma_start3A_25 = arith.constant 0 : i32
    %dma_start3A_26 = tpu.memref_slice %arg10[%add3A_24, %dma_start3A_25] : memref<10240x128xf32, #tpu.memory_space<vmem_shared>> -> memref<128x128xf32, #tpu.memory_space<vmem_shared>>
    %dma_start3A_27 = arith.constant 0 : i32
    %dma_start3A_28 = tpu.memref_slice %arg10[%add3A_24, %dma_start3A_27] : memref<10240x128xf32, #tpu.memory_space<vmem_shared>> -> memref<128x128xf32, #tpu.memory_space<vmem_shared>>
    tpu.enqueue_dma source(%arg8 : memref<128x128xf32, #tpu.memory_space<vmem>>) target(%dma_start3A_28 : memref<128x128xf32, #tpu.memory_space<vmem_shared>>) target_semaphore(%arg15 : memref<!tpu.dma_semaphore, #tpu.memory_space<semaphore_mem>>)
    %mul3A_29 = arith.constant 640 : i32
    %mul3A_30 = arith.muli %arg1, %mul3A_29 : i32
    %add3A_31 = arith.constant 384 : i32
    %add3A_32 = arith.addi %mul3A_30, %add3A_31 : i32
    %dma_start3A_33 = arith.constant 0 : i32
    %dma_start3A_34 = tpu.memref_slice %arg10[%add3A_32, %dma_start3A_33] : memref<10240x128xf32, #tpu.memory_space<vmem_shared>> -> memref<128x128xf32, #tpu.memory_space<vmem_shared>>
    %dma_start3A_35 = arith.constant 0 : i32
    %dma_start3A_36 = tpu.memref_slice %arg10[%add3A_32, %dma_start3A_35] : memref<10240x128xf32, #tpu.memory_space<vmem_shared>> -> memref<128x128xf32, #tpu.memory_space<vmem_shared>>
    tpu.enqueue_dma source(%arg8 : memref<128x128xf32, #tpu.memory_space<vmem>>) target(%dma_start3A_36 : memref<128x128xf32, #tpu.memory_space<vmem_shared>>) target_semaphore(%arg15 : memref<!tpu.dma_semaphore, #tpu.memory_space<semaphore_mem>>)
    %mul3A_37 = arith.constant 640 : i32
    %mul3A_38 = arith.muli %arg1, %mul3A_37 : i32
    %add3A_39 = arith.constant 512 : i32
    %add3A_40 = arith.addi %mul3A_38, %add3A_39 : i32
    %dma_start3A_41 = arith.constant 0 : i32
    %dma_start3A_42 = tpu.memref_slice %arg10[%add3A_40, %dma_start3A_41] : memref<10240x128xf32, #tpu.memory_space<vmem_shared>> -> memref<128x128xf32, #tpu.memory_space<vmem_shared>>
    %dma_start3A_43 = arith.constant 0 : i32
    %dma_start3A_44 = tpu.memref_slice %arg10[%add3A_40, %dma_start3A_43] : memref<10240x128xf32, #tpu.memory_space<vmem_shared>> -> memref<128x128xf32, #tpu.memory_space<vmem_shared>>
    tpu.enqueue_dma source(%arg8 : memref<128x128xf32, #tpu.memory_space<vmem>>) target(%dma_start3A_44 : memref<128x128xf32, #tpu.memory_space<vmem_shared>>) target_semaphore(%arg15 : memref<!tpu.dma_semaphore, #tpu.memory_space<semaphore_mem>>)
    %mul3A_45 = arith.constant 640 : i32
    %mul3A_46 = arith.muli %arg1, %mul3A_45 : i32
    %add3A_47 = arith.constant 0 : i32
    %add3A_48 = arith.addi %mul3A_46, %add3A_47 : i32
    %dma_wait3A = arith.constant 0 : i32
    %dma_wait3A_49 = tpu.memref_slice %arg10[%add3A_48, %dma_wait3A] : memref<10240x128xf32, #tpu.memory_space<vmem_shared>> -> memref<128x128xf32, #tpu.memory_space<vmem_shared>>
    %dma_wait3A_50 = arith.constant 0 : i32
    %dma_wait3A_51 = tpu.memref_slice %arg10[%add3A_48, %dma_wait3A_50] : memref<10240x128xf32, #tpu.memory_space<vmem_shared>> -> memref<128x128xf32, #tpu.memory_space<vmem_shared>>
    tpu.wait_dma2 semaphore(%arg15 : memref<!tpu.dma_semaphore, #tpu.memory_space<semaphore_mem>>) src(%arg8 : memref<128x128xf32, #tpu.memory_space<vmem>>) dst(%dma_wait3A_51 : memref<128x128xf32, #tpu.memory_space<vmem_shared>>)
    %mul3A_52 = arith.constant 640 : i32
    %mul3A_53 = arith.muli %arg1, %mul3A_52 : i32
    %add3A_54 = arith.constant 128 : i32
    %add3A_55 = arith.addi %mul3A_53, %add3A_54 : i32
    %dma_wait3A_56 = arith.constant 0 : i32
    %dma_wait3A_57 = tpu.memref_slice %arg10[%add3A_55, %dma_wait3A_56] : memref<10240x128xf32, #tpu.memory_space<vmem_shared>> -> memref<128x128xf32, #tpu.memory_space<vmem_shared>>
    %dma_wait3A_58 = arith.constant 0 : i32
    %dma_wait3A_59 = tpu.memref_slice %arg10[%add3A_55, %dma_wait3A_58] : memref<10240x128xf32, #tpu.memory_space<vmem_shared>> -> memref<128x128xf32, #tpu.memory_space<vmem_shared>>
    tpu.wait_dma2 semaphore(%arg15 : memref<!tpu.dma_semaphore, #tpu.memory_space<semaphore_mem>>) src(%arg8 : memref<128x128xf32, #tpu.memory_space<vmem>>) dst(%dma_wait3A_59 : memref<128x128xf32, #tpu.memory_space<vmem_shared>>)
    %mul3A_60 = arith.constant 640 : i32
    %mul3A_61 = arith.muli %arg1, %mul3A_60 : i32
    %add3A_62 = arith.constant 256 : i32
    %add3A_63 = arith.addi %mul3A_61, %add3A_62 : i32
    %dma_wait3A_64 = arith.constant 0 : i32
    %dma_wait3A_65 = tpu.memref_slice %arg10[%add3A_63, %dma_wait3A_64] : memref<10240x128xf32, #tpu.memory_space<vmem_shared>> -> memref<128x128xf32, #tpu.memory_space<vmem_shared>>
    %dma_wait3A_66 = arith.constant 0 : i32
    %dma_wait3A_67 = tpu.memref_slice %arg10[%add3A_63, %dma_wait3A_66] : memref<10240x128xf32, #tpu.memory_space<vmem_shared>> -> memref<128x128xf32, #tpu.memory_space<vmem_shared>>
    tpu.wait_dma2 semaphore(%arg15 : memref<!tpu.dma_semaphore, #tpu.memory_space<semaphore_mem>>) src(%arg8 : memref<128x128xf32, #tpu.memory_space<vmem>>) dst(%dma_wait3A_67 : memref<128x128xf32, #tpu.memory_space<vmem_shared>>)
    %mul3A_68 = arith.constant 640 : i32
    %mul3A_69 = arith.muli %arg1, %mul3A_68 : i32
    %add3A_70 = arith.constant 384 : i32
    %add3A_71 = arith.addi %mul3A_69, %add3A_70 : i32
    %dma_wait3A_72 = arith.constant 0 : i32
    %dma_wait3A_73 = tpu.memref_slice %arg10[%add3A_71, %dma_wait3A_72] : memref<10240x128xf32, #tpu.memory_space<vmem_shared>> -> memref<128x128xf32, #tpu.memory_space<vmem_shared>>
    %dma_wait3A_74 = arith.constant 0 : i32
    %dma_wait3A_75 = tpu.memref_slice %arg10[%add3A_71, %dma_wait3A_74] : memref<10240x128xf32, #tpu.memory_space<vmem_shared>> -> memref<128x128xf32, #tpu.memory_space<vmem_shared>>
    tpu.wait_dma2 semaphore(%arg15 : memref<!tpu.dma_semaphore, #tpu.memory_space<semaphore_mem>>) src(%arg8 : memref<128x128xf32, #tpu.memory_space<vmem>>) dst(%dma_wait3A_75 : memref<128x128xf32, #tpu.memory_space<vmem_shared>>)
    %mul3A_76 = arith.constant 640 : i32
    %mul3A_77 = arith.muli %arg1, %mul3A_76 : i32
    %add3A_78 = arith.constant 512 : i32
    %add3A_79 = arith.addi %mul3A_77, %add3A_78 : i32
    %dma_wait3A_80 = arith.constant 0 : i32
    %dma_wait3A_81 = tpu.memref_slice %arg10[%add3A_79, %dma_wait3A_80] : memref<10240x128xf32, #tpu.memory_space<vmem_shared>> -> memref<128x128xf32, #tpu.memory_space<vmem_shared>>
    %dma_wait3A_82 = arith.constant 0 : i32
    %dma_wait3A_83 = tpu.memref_slice %arg10[%add3A_79, %dma_wait3A_82] : memref<10240x128xf32, #tpu.memory_space<vmem_shared>> -> memref<128x128xf32, #tpu.memory_space<vmem_shared>>
    tpu.wait_dma2 semaphore(%arg15 : memref<!tpu.dma_semaphore, #tpu.memory_space<semaphore_mem>>) src(%arg8 : memref<128x128xf32, #tpu.memory_space<vmem>>) dst(%dma_wait3A_83 : memref<128x128xf32, #tpu.memory_space<vmem_shared>>)
    %barrier3A = arith.constant 0 : index
    tpu.barrier barrier_id(%barrier3A)
    %dma_start3A_84 = arith.constant 0 : i32
    %dma_start3A_85 = arith.constant 0 : i32
    %dma_start3A_86 = tpu.memref_slice %arg3[%add3A, %dma_start3A_84, %dma_start3A_85] : memref<32x80x128xi32, #tpu.memory_space<hbm>> -> memref<1x80x128xi32, #tpu.memory_space<hbm>>
    %dma_start3A_87 = tpu.memref_squeeze %dma_start3A_86 : memref<1x80x128xi32, #tpu.memory_space<hbm>> -> memref<80x128xi32, #tpu.memory_space<hbm>>
    %dma_start3A_88 = arith.constant 0 : i32
    %dma_start3A_89 = arith.constant 0 : i32
    %dma_start3A_90 = tpu.memref_slice %dma_start3A_87[%dma_start3A_88, %dma_start3A_89] : memref<80x128xi32, #tpu.memory_space<hbm>> -> memref<16x128xi32, #tpu.memory_space<hbm>>
    %dma_start3A_91 = arith.constant 0 : i32
    %dma_start3A_92 = arith.constant 0 : i32
    %dma_start3A_93 = tpu.memref_slice %arg3[%add3A, %dma_start3A_91, %dma_start3A_92] : memref<32x80x128xi32, #tpu.memory_space<hbm>> -> memref<1x80x128xi32, #tpu.memory_space<hbm>>
    %dma_start3A_94 = tpu.memref_squeeze %dma_start3A_93 : memref<1x80x128xi32, #tpu.memory_space<hbm>> -> memref<80x128xi32, #tpu.memory_space<hbm>>
    %dma_start3A_95 = arith.constant 0 : i32
    %dma_start3A_96 = arith.constant 0 : i32
    %dma_start3A_97 = tpu.memref_slice %dma_start3A_94[%dma_start3A_95, %dma_start3A_96] : memref<80x128xi32, #tpu.memory_space<hbm>> -> memref<16x128xi32, #tpu.memory_space<hbm>>
    tpu.enqueue_dma source(%dma_start3A_97 : memref<16x128xi32, #tpu.memory_space<hbm>>) target(%arg6 : memref<16x128xi32, #tpu.memory_space<vmem>>) target_semaphore(%arg15 : memref<!tpu.dma_semaphore, #tpu.memory_space<semaphore_mem>>)
    %dma_start3A_98 = arith.constant 0 : i32
    %dma_start3A_99 = arith.constant 0 : i32
    %dma_start3A_100 = tpu.memref_slice %arg4[%add3A, %dma_start3A_98, %dma_start3A_99] : memref<32x80x128xi32, #tpu.memory_space<hbm>> -> memref<1x80x128xi32, #tpu.memory_space<hbm>>
    %dma_start3A_101 = tpu.memref_squeeze %dma_start3A_100 : memref<1x80x128xi32, #tpu.memory_space<hbm>> -> memref<80x128xi32, #tpu.memory_space<hbm>>
    %dma_start3A_102 = arith.constant 0 : i32
    %dma_start3A_103 = arith.constant 0 : i32
    %dma_start3A_104 = tpu.memref_slice %dma_start3A_101[%dma_start3A_102, %dma_start3A_103] : memref<80x128xi32, #tpu.memory_space<hbm>> -> memref<16x128xi32, #tpu.memory_space<hbm>>
    %dma_start3A_105 = arith.constant 0 : i32
    %dma_start3A_106 = arith.constant 0 : i32
    %dma_start3A_107 = tpu.memref_slice %arg4[%add3A, %dma_start3A_105, %dma_start3A_106] : memref<32x80x128xi32, #tpu.memory_space<hbm>> -> memref<1x80x128xi32, #tpu.memory_space<hbm>>
    %dma_start3A_108 = tpu.memref_squeeze %dma_start3A_107 : memref<1x80x128xi32, #tpu.memory_space<hbm>> -> memref<80x128xi32, #tpu.memory_space<hbm>>
    %dma_start3A_109 = arith.constant 0 : i32
    %dma_start3A_110 = arith.constant 0 : i32
    %dma_start3A_111 = tpu.memref_slice %dma_start3A_108[%dma_start3A_109, %dma_start3A_110] : memref<80x128xi32, #tpu.memory_space<hbm>> -> memref<16x128xi32, #tpu.memory_space<hbm>>
    tpu.enqueue_dma source(%dma_start3A_111 : memref<16x128xi32, #tpu.memory_space<hbm>>) target(%arg7 : memref<16x128xi32, #tpu.memory_space<vmem>>) target_semaphore(%arg15 : memref<!tpu.dma_semaphore, #tpu.memory_space<semaphore_mem>>)
    %dma_wait3A_112 = arith.constant 0 : i32
    %dma_wait3A_113 = arith.constant 0 : i32
    %dma_wait3A_114 = tpu.memref_slice %arg3[%add3A, %dma_wait3A_112, %dma_wait3A_113] : memref<32x80x128xi32, #tpu.memory_space<hbm>> -> memref<1x80x128xi32, #tpu.memory_space<hbm>>
    %dma_wait3A_115 = tpu.memref_squeeze %dma_wait3A_114 : memref<1x80x128xi32, #tpu.memory_space<hbm>> -> memref<80x128xi32, #tpu.memory_space<hbm>>
    %dma_wait3A_116 = arith.constant 0 : i32
    %dma_wait3A_117 = arith.constant 0 : i32
    %dma_wait3A_118 = tpu.memref_slice %dma_wait3A_115[%dma_wait3A_116, %dma_wait3A_117] : memref<80x128xi32, #tpu.memory_space<hbm>> -> memref<16x128xi32, #tpu.memory_space<hbm>>
    %dma_wait3A_119 = arith.constant 0 : i32
    %dma_wait3A_120 = arith.constant 0 : i32
    %dma_wait3A_121 = tpu.memref_slice %arg3[%add3A, %dma_wait3A_119, %dma_wait3A_120] : memref<32x80x128xi32, #tpu.memory_space<hbm>> -> memref<1x80x128xi32, #tpu.memory_space<hbm>>
    %dma_wait3A_122 = tpu.memref_squeeze %dma_wait3A_121 : memref<1x80x128xi32, #tpu.memory_space<hbm>> -> memref<80x128xi32, #tpu.memory_space<hbm>>
    %dma_wait3A_123 = arith.constant 0 : i32
    %dma_wait3A_124 = arith.constant 0 : i32
    %dma_wait3A_125 = tpu.memref_slice %dma_wait3A_122[%dma_wait3A_123, %dma_wait3A_124] : memref<80x128xi32, #tpu.memory_space<hbm>> -> memref<16x128xi32, #tpu.memory_space<hbm>>
    tpu.wait_dma2 semaphore(%arg15 : memref<!tpu.dma_semaphore, #tpu.memory_space<semaphore_mem>>) src(%dma_wait3A_125 : memref<16x128xi32, #tpu.memory_space<hbm>>) dst(%arg6 : memref<16x128xi32, #tpu.memory_space<vmem>>)
    %dma_wait3A_126 = arith.constant 0 : i32
    %dma_wait3A_127 = arith.constant 0 : i32
    %dma_wait3A_128 = tpu.memref_slice %arg4[%add3A, %dma_wait3A_126, %dma_wait3A_127] : memref<32x80x128xi32, #tpu.memory_space<hbm>> -> memref<1x80x128xi32, #tpu.memory_space<hbm>>
    %dma_wait3A_129 = tpu.memref_squeeze %dma_wait3A_128 : memref<1x80x128xi32, #tpu.memory_space<hbm>> -> memref<80x128xi32, #tpu.memory_space<hbm>>
    %dma_wait3A_130 = arith.constant 0 : i32
    %dma_wait3A_131 = arith.constant 0 : i32
    %dma_wait3A_132 = tpu.memref_slice %dma_wait3A_129[%dma_wait3A_130, %dma_wait3A_131] : memref<80x128xi32, #tpu.memory_space<hbm>> -> memref<16x128xi32, #tpu.memory_space<hbm>>
    %dma_wait3A_133 = arith.constant 0 : i32
    %dma_wait3A_134 = arith.constant 0 : i32
    %dma_wait3A_135 = tpu.memref_slice %arg4[%add3A, %dma_wait3A_133, %dma_wait3A_134] : memref<32x80x128xi32, #tpu.memory_space<hbm>> -> memref<1x80x128xi32, #tpu.memory_space<hbm>>
    %dma_wait3A_136 = tpu.memref_squeeze %dma_wait3A_135 : memref<1x80x128xi32, #tpu.memory_space<hbm>> -> memref<80x128xi32, #tpu.memory_space<hbm>>
    %dma_wait3A_137 = arith.constant 0 : i32
    %dma_wait3A_138 = arith.constant 0 : i32
    %dma_wait3A_139 = tpu.memref_slice %dma_wait3A_136[%dma_wait3A_137, %dma_wait3A_138] : memref<80x128xi32, #tpu.memory_space<hbm>> -> memref<16x128xi32, #tpu.memory_space<hbm>>
    tpu.wait_dma2 semaphore(%arg15 : memref<!tpu.dma_semaphore, #tpu.memory_space<semaphore_mem>>) src(%dma_wait3A_139 : memref<16x128xi32, #tpu.memory_space<hbm>>) dst(%arg7 : memref<16x128xi32, #tpu.memory_space<vmem>>)
    %dma_start3A_140 = arith.constant 0 : i32
    %dma_start3A_141 = arith.constant 0 : i32
    %dma_start3A_142 = tpu.memref_slice %arg6[%dma_start3A_140, %dma_start3A_141] : memref<16x128xi32, #tpu.memory_space<vmem>> -> memref<1x128xi32, #tpu.memory_space<vmem>>
    %dma_start3A_143 = tpu.memref_squeeze %dma_start3A_142 : memref<1x128xi32, #tpu.memory_space<vmem>> -> memref<128xi32, #tpu.memory_space<vmem>>
    %dma_start3A_144 = arith.constant 0 : i32
    %dma_start3A_145 = arith.constant 0 : i32
    %dma_start3A_146 = tpu.memref_slice %arg2[%arg0, %dma_start3A_144, %dma_start3A_145] : memref<2x10000x128xf32, #tpu.memory_space<hbm>> -> memref<1x10000x128xf32, #tpu.memory_space<hbm>>
    %dma_start3A_147 = tpu.memref_squeeze %dma_start3A_146 : memref<1x10000x128xf32, #tpu.memory_space<hbm>> -> memref<10000x128xf32, #tpu.memory_space<hbm>>
    %dma_start3A_148 = arith.constant 0 : i32
    %dma_start3A_149 = arith.constant 0 : i32
    %dma_start3A_150 = tpu.memref_slice %dma_start3A_147[%dma_start3A_148, %dma_start3A_149] : memref<10000x128xf32, #tpu.memory_space<hbm>> -> memref<10000x128xf32, #tpu.memory_space<hbm>>
    tpu.enqueue_indirect_dma source(%dma_start3A_150 : memref<10000x128xf32, #tpu.memory_space<hbm>>) target(%arg8 : memref<128x128xf32, #tpu.memory_space<vmem>>) offsets(%dma_start3A_143 : memref<128xi32, #tpu.memory_space<vmem>>) semaphore(%arg11 : memref<!tpu.dma_semaphore, #tpu.memory_space<semaphore_mem>>)
    %scan3A_151 = arith.constant 0 : i32
    %scan3A_152 = arith.constant 8 : i32
    %scan3A_153 = arith.addi %scan3A_151, %scan3A_152 : i32
    %scan3A_154 = arith.constant 1 : i32
    scf.for %scan3A_500 = %scan3A_151 to %scan3A_153 step %scan3A_154  : i32 {
      %mul3A_501 = arith.constant 1 : i32
      %mul3A_502 = arith.muli %scan3A_500, %mul3A_501 : i32
      %add3A_503 = arith.constant 0 : i32
      %add3A_504 = arith.addi %add3A_503, %mul3A_502 : i32
      %mul3A_505 = arith.constant 2 : i32
      %mul3A_506 = arith.muli %mul3A_505, %add3A_504 : i32
      %dma_wait3A_507 = arith.constant 0 : i32
      %dma_wait3A_508 = arith.constant 0 : i32
      %dma_wait3A_509 = tpu.memref_slice %arg6[%dma_wait3A_507, %dma_wait3A_508] : memref<16x128xi32, #tpu.memory_space<vmem>> -> memref<1x128xi32, #tpu.memory_space<vmem>>
      %dma_wait3A_510 = tpu.memref_squeeze %dma_wait3A_509 : memref<1x128xi32, #tpu.memory_space<vmem>> -> memref<128xi32, #tpu.memory_space<vmem>>
      %dma_wait3A_511 = arith.constant 0 : i32
      %dma_wait3A_512 = arith.constant 0 : i32
      %dma_wait3A_513 = tpu.memref_slice %arg2[%arg0, %dma_wait3A_511, %dma_wait3A_512] : memref<2x10000x128xf32, #tpu.memory_space<hbm>> -> memref<1x10000x128xf32, #tpu.memory_space<hbm>>
      %dma_wait3A_514 = tpu.memref_squeeze %dma_wait3A_513 : memref<1x10000x128xf32, #tpu.memory_space<hbm>> -> memref<10000x128xf32, #tpu.memory_space<hbm>>
      %dma_wait3A_515 = arith.constant 0 : i32
      %dma_wait3A_516 = arith.constant 0 : i32
      %dma_wait3A_517 = tpu.memref_slice %dma_wait3A_514[%dma_wait3A_515, %dma_wait3A_516] : memref<10000x128xf32, #tpu.memory_space<hbm>> -> memref<10000x128xf32, #tpu.memory_space<hbm>>
      tpu.wait_indirect_dma semaphore(%arg11 : memref<!tpu.dma_semaphore, #tpu.memory_space<semaphore_mem>>) src(%dma_wait3A_517 : memref<10000x128xf32, #tpu.memory_space<hbm>>) dst(%arg8 : memref<128x128xf32, #tpu.memory_space<vmem>>)
      %gt3A = arith.constant 0 : i32
      %gt3A_518 = arith.cmpi sgt, %add3A_504, %gt3A : i32
      %convert_element_type3A = arith.extui %gt3A_518 : i1 to i32
      %cond3A = arith.constant 0 : i32
      %cond3A_519 = arith.cmpi ne, %convert_element_type3A, %cond3A : i32
      scf.if %cond3A_519 {
        %dma_wait3A_568 = arith.constant 0 : i32
        %dma_wait3A_569 = arith.constant 0 : i32
        %dma_wait3A_570 = tpu.memref_slice %arg7[%dma_wait3A_568, %dma_wait3A_569] : memref<16x128xi32, #tpu.memory_space<vmem>> -> memref<1x128xi32, #tpu.memory_space<vmem>>
        %dma_wait3A_571 = tpu.memref_squeeze %dma_wait3A_570 : memref<1x128xi32, #tpu.memory_space<vmem>> -> memref<128xi32, #tpu.memory_space<vmem>>
        %dma_wait3A_572 = arith.constant 0 : i32
        %dma_wait3A_573 = arith.constant 0 : i32
        %dma_wait3A_574 = tpu.memref_slice %arg10[%dma_wait3A_572, %dma_wait3A_573] : memref<10240x128xf32, #tpu.memory_space<vmem_shared>> -> memref<10240x128xf32, #tpu.memory_space<vmem_shared>>
        tpu.wait_indirect_dma semaphore(%arg14 : memref<!tpu.dma_semaphore, #tpu.memory_space<semaphore_mem>>) src(%arg9 : memref<128x128xf32, #tpu.memory_space<vmem>>) dst(%dma_wait3A_574 : memref<10240x128xf32, #tpu.memory_space<vmem_shared>>)
      } else {
      }
      %add3A_520 = arith.constant 1 : i32
      %add3A_521 = arith.addi %mul3A_506, %add3A_520 : i32
      %dma_start3A_522 = arith.constant 0 : i32
      %dma_start3A_523 = tpu.memref_slice %arg6[%add3A_521, %dma_start3A_522] : memref<16x128xi32, #tpu.memory_space<vmem>> -> memref<1x128xi32, #tpu.memory_space<vmem>>
      %dma_start3A_524 = tpu.memref_squeeze %dma_start3A_523 : memref<1x128xi32, #tpu.memory_space<vmem>> -> memref<128xi32, #tpu.memory_space<vmem>>
      %dma_start3A_525 = arith.constant 0 : i32
      %dma_start3A_526 = arith.constant 0 : i32
      %dma_start3A_527 = tpu.memref_slice %arg2[%arg0, %dma_start3A_525, %dma_start3A_526] : memref<2x10000x128xf32, #tpu.memory_space<hbm>> -> memref<1x10000x128xf32, #tpu.memory_space<hbm>>
      %dma_start3A_528 = tpu.memref_squeeze %dma_start3A_527 : memref<1x10000x128xf32, #tpu.memory_space<hbm>> -> memref<10000x128xf32, #tpu.memory_space<hbm>>
      %dma_start3A_529 = arith.constant 0 : i32
      %dma_start3A_530 = arith.constant 0 : i32
      %dma_start3A_531 = tpu.memref_slice %dma_start3A_528[%dma_start3A_529, %dma_start3A_530] : memref<10000x128xf32, #tpu.memory_space<hbm>> -> memref<10000x128xf32, #tpu.memory_space<hbm>>
      tpu.enqueue_indirect_dma source(%dma_start3A_531 : memref<10000x128xf32, #tpu.memory_space<hbm>>) target(%arg9 : memref<128x128xf32, #tpu.memory_space<vmem>>) offsets(%dma_start3A_524 : memref<128xi32, #tpu.memory_space<vmem>>) semaphore(%arg12 : memref<!tpu.dma_semaphore, #tpu.memory_space<semaphore_mem>>)
      %dma_start3A_532 = arith.constant 0 : i32
      %dma_start3A_533 = tpu.memref_slice %arg7[%mul3A_506, %dma_start3A_532] : memref<16x128xi32, #tpu.memory_space<vmem>> -> memref<1x128xi32, #tpu.memory_space<vmem>>
      %dma_start3A_534 = tpu.memref_squeeze %dma_start3A_533 : memref<1x128xi32, #tpu.memory_space<vmem>> -> memref<128xi32, #tpu.memory_space<vmem>>
      %dma_start3A_535 = arith.constant 0 : i32
      %dma_start3A_536 = arith.constant 0 : i32
      %dma_start3A_537 = tpu.memref_slice %arg10[%dma_start3A_535, %dma_start3A_536] : memref<10240x128xf32, #tpu.memory_space<vmem_shared>> -> memref<10240x128xf32, #tpu.memory_space<vmem_shared>>
      tpu.enqueue_indirect_dma source(%arg8 : memref<128x128xf32, #tpu.memory_space<vmem>>) target(%dma_start3A_537 : memref<10240x128xf32, #tpu.memory_space<vmem_shared>>) offsets(%dma_start3A_534 : memref<128xi32, #tpu.memory_space<vmem>>) semaphore(%arg13 : memref<!tpu.dma_semaphore, #tpu.memory_space<semaphore_mem>>) {add = true}
      %dma_wait3A_538 = arith.constant 0 : i32
      %dma_wait3A_539 = arith.constant 0 : i32
      %dma_wait3A_540 = tpu.memref_slice %arg6[%dma_wait3A_538, %dma_wait3A_539] : memref<16x128xi32, #tpu.memory_space<vmem>> -> memref<1x128xi32, #tpu.memory_space<vmem>>
      %dma_wait3A_541 = tpu.memref_squeeze %dma_wait3A_540 : memref<1x128xi32, #tpu.memory_space<vmem>> -> memref<128xi32, #tpu.memory_space<vmem>>
      %dma_wait3A_542 = arith.constant 0 : i32
      %dma_wait3A_543 = arith.constant 0 : i32
      %dma_wait3A_544 = tpu.memref_slice %arg2[%arg0, %dma_wait3A_542, %dma_wait3A_543] : memref<2x10000x128xf32, #tpu.memory_space<hbm>> -> memref<1x10000x128xf32, #tpu.memory_space<hbm>>
      %dma_wait3A_545 = tpu.memref_squeeze %dma_wait3A_544 : memref<1x10000x128xf32, #tpu.memory_space<hbm>> -> memref<10000x128xf32, #tpu.memory_space<hbm>>
      %dma_wait3A_546 = arith.constant 0 : i32
      %dma_wait3A_547 = arith.constant 0 : i32
      %dma_wait3A_548 = tpu.memref_slice %dma_wait3A_545[%dma_wait3A_546, %dma_wait3A_547] : memref<10000x128xf32, #tpu.memory_space<hbm>> -> memref<10000x128xf32, #tpu.memory_space<hbm>>
      tpu.wait_indirect_dma semaphore(%arg12 : memref<!tpu.dma_semaphore, #tpu.memory_space<semaphore_mem>>) src(%dma_wait3A_548 : memref<10000x128xf32, #tpu.memory_space<hbm>>) dst(%arg9 : memref<128x128xf32, #tpu.memory_space<vmem>>)
      %dma_wait3A_549 = arith.constant 0 : i32
      %dma_wait3A_550 = arith.constant 0 : i32
      %dma_wait3A_551 = tpu.memref_slice %arg7[%dma_wait3A_549, %dma_wait3A_550] : memref<16x128xi32, #tpu.memory_space<vmem>> -> memref<1x128xi32, #tpu.memory_space<vmem>>
      %dma_wait3A_552 = tpu.memref_squeeze %dma_wait3A_551 : memref<1x128xi32, #tpu.memory_space<vmem>> -> memref<128xi32, #tpu.memory_space<vmem>>
      %dma_wait3A_553 = arith.constant 0 : i32
      %dma_wait3A_554 = arith.constant 0 : i32
      %dma_wait3A_555 = tpu.memref_slice %arg10[%dma_wait3A_553, %dma_wait3A_554] : memref<10240x128xf32, #tpu.memory_space<vmem_shared>> -> memref<10240x128xf32, #tpu.memory_space<vmem_shared>>
      tpu.wait_indirect_dma semaphore(%arg13 : memref<!tpu.dma_semaphore, #tpu.memory_space<semaphore_mem>>) src(%arg8 : memref<128x128xf32, #tpu.memory_space<vmem>>) dst(%dma_wait3A_555 : memref<10240x128xf32, #tpu.memory_space<vmem_shared>>)
      %lt3A = arith.constant 7 : i32
      %lt3A_556 = arith.cmpi slt, %add3A_504, %lt3A : i32
      %convert_element_type3A_557 = arith.extui %lt3A_556 : i1 to i32
      %cond3A_558 = arith.constant 0 : i32
      %cond3A_559 = arith.cmpi ne, %convert_element_type3A_557, %cond3A_558 : i32
      scf.if %cond3A_559 {
        %add3A_568 = arith.constant 2 : i32
        %add3A_569 = arith.addi %mul3A_506, %add3A_568 : i32
        %dma_start3A_570 = arith.constant 0 : i32
        %dma_start3A_571 = tpu.memref_slice %arg6[%add3A_569, %dma_start3A_570] : memref<16x128xi32, #tpu.memory_space<vmem>> -> memref<1x128xi32, #tpu.memory_space<vmem>>
        %dma_start3A_572 = tpu.memref_squeeze %dma_start3A_571 : memref<1x128xi32, #tpu.memory_space<vmem>> -> memref<128xi32, #tpu.memory_space<vmem>>
        %dma_start3A_573 = arith.constant 0 : i32
        %dma_start3A_574 = arith.constant 0 : i32
        %dma_start3A_575 = tpu.memref_slice %arg2[%arg0, %dma_start3A_573, %dma_start3A_574] : memref<2x10000x128xf32, #tpu.memory_space<hbm>> -> memref<1x10000x128xf32, #tpu.memory_space<hbm>>
        %dma_start3A_576 = tpu.memref_squeeze %dma_start3A_575 : memref<1x10000x128xf32, #tpu.memory_space<hbm>> -> memref<10000x128xf32, #tpu.memory_space<hbm>>
        %dma_start3A_577 = arith.constant 0 : i32
        %dma_start3A_578 = arith.constant 0 : i32
        %dma_start3A_579 = tpu.memref_slice %dma_start3A_576[%dma_start3A_577, %dma_start3A_578] : memref<10000x128xf32, #tpu.memory_space<hbm>> -> memref<10000x128xf32, #tpu.memory_space<hbm>>
        tpu.enqueue_indirect_dma source(%dma_start3A_579 : memref<10000x128xf32, #tpu.memory_space<hbm>>) target(%arg8 : memref<128x128xf32, #tpu.memory_space<vmem>>) offsets(%dma_start3A_572 : memref<128xi32, #tpu.memory_space<vmem>>) semaphore(%arg11 : memref<!tpu.dma_semaphore, #tpu.memory_space<semaphore_mem>>)
      } else {
      }
      %add3A_560 = arith.constant 1 : i32
      %add3A_561 = arith.addi %mul3A_506, %add3A_560 : i32
      %dma_start3A_562 = arith.constant 0 : i32
      %dma_start3A_563 = tpu.memref_slice %arg7[%add3A_561, %dma_start3A_562] : memref<16x128xi32, #tpu.memory_space<vmem>> -> memref<1x128xi32, #tpu.memory_space<vmem>>
      %dma_start3A_564 = tpu.memref_squeeze %dma_start3A_563 : memref<1x128xi32, #tpu.memory_space<vmem>> -> memref<128xi32, #tpu.memory_space<vmem>>
      %dma_start3A_565 = arith.constant 0 : i32
      %dma_start3A_566 = arith.constant 0 : i32
      %dma_start3A_567 = tpu.memref_slice %arg10[%dma_start3A_565, %dma_start3A_566] : memref<10240x128xf32, #tpu.memory_space<vmem_shared>> -> memref<10240x128xf32, #tpu.memory_space<vmem_shared>>
      tpu.enqueue_indirect_dma source(%arg9 : memref<128x128xf32, #tpu.memory_space<vmem>>) target(%dma_start3A_567 : memref<10240x128xf32, #tpu.memory_space<vmem_shared>>) offsets(%dma_start3A_564 : memref<128xi32, #tpu.memory_space<vmem>>) semaphore(%arg14 : memref<!tpu.dma_semaphore, #tpu.memory_space<semaphore_mem>>) {add = true}
    }
    %scan3A_155 = arith.constant 8 : i32
    %dma_wait3A_156 = arith.constant 0 : i32
    %dma_wait3A_157 = arith.constant 0 : i32
    %dma_wait3A_158 = tpu.memref_slice %arg7[%dma_wait3A_156, %dma_wait3A_157] : memref<16x128xi32, #tpu.memory_space<vmem>> -> memref<1x128xi32, #tpu.memory_space<vmem>>
    %dma_wait3A_159 = tpu.memref_squeeze %dma_wait3A_158 : memref<1x128xi32, #tpu.memory_space<vmem>> -> memref<128xi32, #tpu.memory_space<vmem>>
    %dma_wait3A_160 = arith.constant 0 : i32
    %dma_wait3A_161 = arith.constant 0 : i32
    %dma_wait3A_162 = tpu.memref_slice %arg10[%dma_wait3A_160, %dma_wait3A_161] : memref<10240x128xf32, #tpu.memory_space<vmem_shared>> -> memref<10240x128xf32, #tpu.memory_space<vmem_shared>>
    tpu.wait_indirect_dma semaphore(%arg14 : memref<!tpu.dma_semaphore, #tpu.memory_space<semaphore_mem>>) src(%arg9 : memref<128x128xf32, #tpu.memory_space<vmem>>) dst(%dma_wait3A_162 : memref<10240x128xf32, #tpu.memory_space<vmem_shared>>)
    %dma_start3A_163 = arith.constant 0 : i32
    %dma_start3A_164 = arith.constant 0 : i32
    %dma_start3A_165 = tpu.memref_slice %arg3[%add3A, %dma_start3A_163, %dma_start3A_164] : memref<32x80x128xi32, #tpu.memory_space<hbm>> -> memref<1x80x128xi32, #tpu.memory_space<hbm>>
    %dma_start3A_166 = tpu.memref_squeeze %dma_start3A_165 : memref<1x80x128xi32, #tpu.memory_space<hbm>> -> memref<80x128xi32, #tpu.memory_space<hbm>>
    %dma_start3A_167 = arith.constant 16 : i32
    %dma_start3A_168 = arith.constant 0 : i32
    %dma_start3A_169 = tpu.memref_slice %dma_start3A_166[%dma_start3A_167, %dma_start3A_168] : memref<80x128xi32, #tpu.memory_space<hbm>> -> memref<16x128xi32, #tpu.memory_space<hbm>>
    %dma_start3A_170 = arith.constant 0 : i32
    %dma_start3A_171 = arith.constant 0 : i32
    %dma_start3A_172 = tpu.memref_slice %arg3[%add3A, %dma_start3A_170, %dma_start3A_171] : memref<32x80x128xi32, #tpu.memory_space<hbm>> -> memref<1x80x128xi32, #tpu.memory_space<hbm>>
    %dma_start3A_173 = tpu.memref_squeeze %dma_start3A_172 : memref<1x80x128xi32, #tpu.memory_space<hbm>> -> memref<80x128xi32, #tpu.memory_space<hbm>>
    %dma_start3A_174 = arith.constant 16 : i32
    %dma_start3A_175 = arith.constant 0 : i32
    %dma_start3A_176 = tpu.memref_slice %dma_start3A_173[%dma_start3A_174, %dma_start3A_175] : memref<80x128xi32, #tpu.memory_space<hbm>> -> memref<16x128xi32, #tpu.memory_space<hbm>>
    tpu.enqueue_dma source(%dma_start3A_176 : memref<16x128xi32, #tpu.memory_space<hbm>>) target(%arg6 : memref<16x128xi32, #tpu.memory_space<vmem>>) target_semaphore(%arg15 : memref<!tpu.dma_semaphore, #tpu.memory_space<semaphore_mem>>)
    %dma_start3A_177 = arith.constant 0 : i32
    %dma_start3A_178 = arith.constant 0 : i32
    %dma_start3A_179 = tpu.memref_slice %arg4[%add3A, %dma_start3A_177, %dma_start3A_178] : memref<32x80x128xi32, #tpu.memory_space<hbm>> -> memref<1x80x128xi32, #tpu.memory_space<hbm>>
    %dma_start3A_180 = tpu.memref_squeeze %dma_start3A_179 : memref<1x80x128xi32, #tpu.memory_space<hbm>> -> memref<80x128xi32, #tpu.memory_space<hbm>>
    %dma_start3A_181 = arith.constant 16 : i32
    %dma_start3A_182 = arith.constant 0 : i32
    %dma_start3A_183 = tpu.memref_slice %dma_start3A_180[%dma_start3A_181, %dma_start3A_182] : memref<80x128xi32, #tpu.memory_space<hbm>> -> memref<16x128xi32, #tpu.memory_space<hbm>>
    %dma_start3A_184 = arith.constant 0 : i32
    %dma_start3A_185 = arith.constant 0 : i32
    %dma_start3A_186 = tpu.memref_slice %arg4[%add3A, %dma_start3A_184, %dma_start3A_185] : memref<32x80x128xi32, #tpu.memory_space<hbm>> -> memref<1x80x128xi32, #tpu.memory_space<hbm>>
    %dma_start3A_187 = tpu.memref_squeeze %dma_start3A_186 : memref<1x80x128xi32, #tpu.memory_space<hbm>> -> memref<80x128xi32, #tpu.memory_space<hbm>>
    %dma_start3A_188 = arith.constant 16 : i32
    %dma_start3A_189 = arith.constant 0 : i32
    %dma_start3A_190 = tpu.memref_slice %dma_start3A_187[%dma_start3A_188, %dma_start3A_189] : memref<80x128xi32, #tpu.memory_space<hbm>> -> memref<16x128xi32, #tpu.memory_space<hbm>>
    tpu.enqueue_dma source(%dma_start3A_190 : memref<16x128xi32, #tpu.memory_space<hbm>>) target(%arg7 : memref<16x128xi32, #tpu.memory_space<vmem>>) target_semaphore(%arg15 : memref<!tpu.dma_semaphore, #tpu.memory_space<semaphore_mem>>)
    %dma_wait3A_191 = arith.constant 0 : i32
    %dma_wait3A_192 = arith.constant 0 : i32
    %dma_wait3A_193 = tpu.memref_slice %arg3[%add3A, %dma_wait3A_191, %dma_wait3A_192] : memref<32x80x128xi32, #tpu.memory_space<hbm>> -> memref<1x80x128xi32, #tpu.memory_space<hbm>>
    %dma_wait3A_194 = tpu.memref_squeeze %dma_wait3A_193 : memref<1x80x128xi32, #tpu.memory_space<hbm>> -> memref<80x128xi32, #tpu.memory_space<hbm>>
    %dma_wait3A_195 = arith.constant 16 : i32
    %dma_wait3A_196 = arith.constant 0 : i32
    %dma_wait3A_197 = tpu.memref_slice %dma_wait3A_194[%dma_wait3A_195, %dma_wait3A_196] : memref<80x128xi32, #tpu.memory_space<hbm>> -> memref<16x128xi32, #tpu.memory_space<hbm>>
    %dma_wait3A_198 = arith.constant 0 : i32
    %dma_wait3A_199 = arith.constant 0 : i32
    %dma_wait3A_200 = tpu.memref_slice %arg3[%add3A, %dma_wait3A_198, %dma_wait3A_199] : memref<32x80x128xi32, #tpu.memory_space<hbm>> -> memref<1x80x128xi32, #tpu.memory_space<hbm>>
    %dma_wait3A_201 = tpu.memref_squeeze %dma_wait3A_200 : memref<1x80x128xi32, #tpu.memory_space<hbm>> -> memref<80x128xi32, #tpu.memory_space<hbm>>
    %dma_wait3A_202 = arith.constant 16 : i32
    %dma_wait3A_203 = arith.constant 0 : i32
    %dma_wait3A_204 = tpu.memref_slice %dma_wait3A_201[%dma_wait3A_202, %dma_wait3A_203] : memref<80x128xi32, #tpu.memory_space<hbm>> -> memref<16x128xi32, #tpu.memory_space<hbm>>
    tpu.wait_dma2 semaphore(%arg15 : memref<!tpu.dma_semaphore, #tpu.memory_space<semaphore_mem>>) src(%dma_wait3A_204 : memref<16x128xi32, #tpu.memory_space<hbm>>) dst(%arg6 : memref<16x128xi32, #tpu.memory_space<vmem>>)
    %dma_wait3A_205 = arith.constant 0 : i32
    %dma_wait3A_206 = arith.constant 0 : i32
    %dma_wait3A_207 = tpu.memref_slice %arg4[%add3A, %dma_wait3A_205, %dma_wait3A_206] : memref<32x80x128xi32, #tpu.memory_space<hbm>> -> memref<1x80x128xi32, #tpu.memory_space<hbm>>
    %dma_wait3A_208 = tpu.memref_squeeze %dma_wait3A_207 : memref<1x80x128xi32, #tpu.memory_space<hbm>> -> memref<80x128xi32, #tpu.memory_space<hbm>>
    %dma_wait3A_209 = arith.constant 16 : i32
    %dma_wait3A_210 = arith.constant 0 : i32
    %dma_wait3A_211 = tpu.memref_slice %dma_wait3A_208[%dma_wait3A_209, %dma_wait3A_210] : memref<80x128xi32, #tpu.memory_space<hbm>> -> memref<16x128xi32, #tpu.memory_space<hbm>>
    %dma_wait3A_212 = arith.constant 0 : i32
    %dma_wait3A_213 = arith.constant 0 : i32
    %dma_wait3A_214 = tpu.memref_slice %arg4[%add3A, %dma_wait3A_212, %dma_wait3A_213] : memref<32x80x128xi32, #tpu.memory_space<hbm>> -> memref<1x80x128xi32, #tpu.memory_space<hbm>>
    %dma_wait3A_215 = tpu.memref_squeeze %dma_wait3A_214 : memref<1x80x128xi32, #tpu.memory_space<hbm>> -> memref<80x128xi32, #tpu.memory_space<hbm>>
    %dma_wait3A_216 = arith.constant 16 : i32
    %dma_wait3A_217 = arith.constant 0 : i32
    %dma_wait3A_218 = tpu.memref_slice %dma_wait3A_215[%dma_wait3A_216, %dma_wait3A_217] : memref<80x128xi32, #tpu.memory_space<hbm>> -> memref<16x128xi32, #tpu.memory_space<hbm>>
    tpu.wait_dma2 semaphore(%arg15 : memref<!tpu.dma_semaphore, #tpu.memory_space<semaphore_mem>>) src(%dma_wait3A_218 : memref<16x128xi32, #tpu.memory_space<hbm>>) dst(%arg7 : memref<16x128xi32, #tpu.memory_space<vmem>>)
    %dma_start3A_219 = arith.constant 0 : i32
    %dma_start3A_220 = arith.constant 0 : i32
    %dma_start3A_221 = tpu.memref_slice %arg6[%dma_start3A_219, %dma_start3A_220] : memref<16x128xi32, #tpu.memory_space<vmem>> -> memref<1x128xi32, #tpu.memory_space<vmem>>
    %dma_start3A_222 = tpu.memref_squeeze %dma_start3A_221 : memref<1x128xi32, #tpu.memory_space<vmem>> -> memref<128xi32, #tpu.memory_space<vmem>>
    %dma_start3A_223 = arith.constant 0 : i32
    %dma_start3A_224 = arith.constant 0 : i32
    %dma_start3A_225 = tpu.memref_slice %arg2[%arg0, %dma_start3A_223, %dma_start3A_224] : memref<2x10000x128xf32, #tpu.memory_space<hbm>> -> memref<1x10000x128xf32, #tpu.memory_space<hbm>>
    %dma_start3A_226 = tpu.memref_squeeze %dma_start3A_225 : memref<1x10000x128xf32, #tpu.memory_space<hbm>> -> memref<10000x128xf32, #tpu.memory_space<hbm>>
    %dma_start3A_227 = arith.constant 0 : i32
    %dma_start3A_228 = arith.constant 0 : i32
    %dma_start3A_229 = tpu.memref_slice %dma_start3A_226[%dma_start3A_227, %dma_start3A_228] : memref<10000x128xf32, #tpu.memory_space<hbm>> -> memref<10000x128xf32, #tpu.memory_space<hbm>>
    tpu.enqueue_indirect_dma source(%dma_start3A_229 : memref<10000x128xf32, #tpu.memory_space<hbm>>) target(%arg8 : memref<128x128xf32, #tpu.memory_space<vmem>>) offsets(%dma_start3A_222 : memref<128xi32, #tpu.memory_space<vmem>>) semaphore(%arg11 : memref<!tpu.dma_semaphore, #tpu.memory_space<semaphore_mem>>)
    %scan3A_230 = arith.constant 0 : i32
    %scan3A_231 = arith.constant 8 : i32
    %scan3A_232 = arith.addi %scan3A_230, %scan3A_231 : i32
    %scan3A_233 = arith.constant 1 : i32
    scf.for %scan3A_500 = %scan3A_230 to %scan3A_232 step %scan3A_233  : i32 {
      %mul3A_501 = arith.constant 1 : i32
      %mul3A_502 = arith.muli %scan3A_500, %mul3A_501 : i32
      %add3A_503 = arith.constant 0 : i32
      %add3A_504 = arith.addi %add3A_503, %mul3A_502 : i32
      %mul3A_505 = arith.constant 2 : i32
      %mul3A_506 = arith.muli %mul3A_505, %add3A_504 : i32
      %dma_wait3A_507 = arith.constant 0 : i32
      %dma_wait3A_508 = arith.constant 0 : i32
      %dma_wait3A_509 = tpu.memref_slice %arg6[%dma_wait3A_507, %dma_wait3A_508] : memref<16x128xi32, #tpu.memory_space<vmem>> -> memref<1x128xi32, #tpu.memory_space<vmem>>
      %dma_wait3A_510 = tpu.memref_squeeze %dma_wait3A_509 : memref<1x128xi32, #tpu.memory_space<vmem>> -> memref<128xi32, #tpu.memory_space<vmem>>
      %dma_wait3A_511 = arith.constant 0 : i32
      %dma_wait3A_512 = arith.constant 0 : i32
      %dma_wait3A_513 = tpu.memref_slice %arg2[%arg0, %dma_wait3A_511, %dma_wait3A_512] : memref<2x10000x128xf32, #tpu.memory_space<hbm>> -> memref<1x10000x128xf32, #tpu.memory_space<hbm>>
      %dma_wait3A_514 = tpu.memref_squeeze %dma_wait3A_513 : memref<1x10000x128xf32, #tpu.memory_space<hbm>> -> memref<10000x128xf32, #tpu.memory_space<hbm>>
      %dma_wait3A_515 = arith.constant 0 : i32
      %dma_wait3A_516 = arith.constant 0 : i32
      %dma_wait3A_517 = tpu.memref_slice %dma_wait3A_514[%dma_wait3A_515, %dma_wait3A_516] : memref<10000x128xf32, #tpu.memory_space<hbm>> -> memref<10000x128xf32, #tpu.memory_space<hbm>>
      tpu.wait_indirect_dma semaphore(%arg11 : memref<!tpu.dma_semaphore, #tpu.memory_space<semaphore_mem>>) src(%dma_wait3A_517 : memref<10000x128xf32, #tpu.memory_space<hbm>>) dst(%arg8 : memref<128x128xf32, #tpu.memory_space<vmem>>)
      %gt3A = arith.constant 0 : i32
      %gt3A_518 = arith.cmpi sgt, %add3A_504, %gt3A : i32
      %convert_element_type3A = arith.extui %gt3A_518 : i1 to i32
      %cond3A = arith.constant 0 : i32
      %cond3A_519 = arith.cmpi ne, %convert_element_type3A, %cond3A : i32
      scf.if %cond3A_519 {
        %dma_wait3A_568 = arith.constant 0 : i32
        %dma_wait3A_569 = arith.constant 0 : i32
        %dma_wait3A_570 = tpu.memref_slice %arg7[%dma_wait3A_568, %dma_wait3A_569] : memref<16x128xi32, #tpu.memory_space<vmem>> -> memref<1x128xi32, #tpu.memory_space<vmem>>
        %dma_wait3A_571 = tpu.memref_squeeze %dma_wait3A_570 : memref<1x128xi32, #tpu.memory_space<vmem>> -> memref<128xi32, #tpu.memory_space<vmem>>
        %dma_wait3A_572 = arith.constant 0 : i32
        %dma_wait3A_573 = arith.constant 0 : i32
        %dma_wait3A_574 = tpu.memref_slice %arg10[%dma_wait3A_572, %dma_wait3A_573] : memref<10240x128xf32, #tpu.memory_space<vmem_shared>> -> memref<10240x128xf32, #tpu.memory_space<vmem_shared>>
        tpu.wait_indirect_dma semaphore(%arg14 : memref<!tpu.dma_semaphore, #tpu.memory_space<semaphore_mem>>) src(%arg9 : memref<128x128xf32, #tpu.memory_space<vmem>>) dst(%dma_wait3A_574 : memref<10240x128xf32, #tpu.memory_space<vmem_shared>>)
      } else {
      }
      %add3A_520 = arith.constant 1 : i32
      %add3A_521 = arith.addi %mul3A_506, %add3A_520 : i32
      %dma_start3A_522 = arith.constant 0 : i32
      %dma_start3A_523 = tpu.memref_slice %arg6[%add3A_521, %dma_start3A_522] : memref<16x128xi32, #tpu.memory_space<vmem>> -> memref<1x128xi32, #tpu.memory_space<vmem>>
      %dma_start3A_524 = tpu.memref_squeeze %dma_start3A_523 : memref<1x128xi32, #tpu.memory_space<vmem>> -> memref<128xi32, #tpu.memory_space<vmem>>
      %dma_start3A_525 = arith.constant 0 : i32
      %dma_start3A_526 = arith.constant 0 : i32
      %dma_start3A_527 = tpu.memref_slice %arg2[%arg0, %dma_start3A_525, %dma_start3A_526] : memref<2x10000x128xf32, #tpu.memory_space<hbm>> -> memref<1x10000x128xf32, #tpu.memory_space<hbm>>
      %dma_start3A_528 = tpu.memref_squeeze %dma_start3A_527 : memref<1x10000x128xf32, #tpu.memory_space<hbm>> -> memref<10000x128xf32, #tpu.memory_space<hbm>>
      %dma_start3A_529 = arith.constant 0 : i32
      %dma_start3A_530 = arith.constant 0 : i32
      %dma_start3A_531 = tpu.memref_slice %dma_start3A_528[%dma_start3A_529, %dma_start3A_530] : memref<10000x128xf32, #tpu.memory_space<hbm>> -> memref<10000x128xf32, #tpu.memory_space<hbm>>
      tpu.enqueue_indirect_dma source(%dma_start3A_531 : memref<10000x128xf32, #tpu.memory_space<hbm>>) target(%arg9 : memref<128x128xf32, #tpu.memory_space<vmem>>) offsets(%dma_start3A_524 : memref<128xi32, #tpu.memory_space<vmem>>) semaphore(%arg12 : memref<!tpu.dma_semaphore, #tpu.memory_space<semaphore_mem>>)
      %dma_start3A_532 = arith.constant 0 : i32
      %dma_start3A_533 = tpu.memref_slice %arg7[%mul3A_506, %dma_start3A_532] : memref<16x128xi32, #tpu.memory_space<vmem>> -> memref<1x128xi32, #tpu.memory_space<vmem>>
      %dma_start3A_534 = tpu.memref_squeeze %dma_start3A_533 : memref<1x128xi32, #tpu.memory_space<vmem>> -> memref<128xi32, #tpu.memory_space<vmem>>
      %dma_start3A_535 = arith.constant 0 : i32
      %dma_start3A_536 = arith.constant 0 : i32
      %dma_start3A_537 = tpu.memref_slice %arg10[%dma_start3A_535, %dma_start3A_536] : memref<10240x128xf32, #tpu.memory_space<vmem_shared>> -> memref<10240x128xf32, #tpu.memory_space<vmem_shared>>
      tpu.enqueue_indirect_dma source(%arg8 : memref<128x128xf32, #tpu.memory_space<vmem>>) target(%dma_start3A_537 : memref<10240x128xf32, #tpu.memory_space<vmem_shared>>) offsets(%dma_start3A_534 : memref<128xi32, #tpu.memory_space<vmem>>) semaphore(%arg13 : memref<!tpu.dma_semaphore, #tpu.memory_space<semaphore_mem>>) {add = true}
      %dma_wait3A_538 = arith.constant 0 : i32
      %dma_wait3A_539 = arith.constant 0 : i32
      %dma_wait3A_540 = tpu.memref_slice %arg6[%dma_wait3A_538, %dma_wait3A_539] : memref<16x128xi32, #tpu.memory_space<vmem>> -> memref<1x128xi32, #tpu.memory_space<vmem>>
      %dma_wait3A_541 = tpu.memref_squeeze %dma_wait3A_540 : memref<1x128xi32, #tpu.memory_space<vmem>> -> memref<128xi32, #tpu.memory_space<vmem>>
      %dma_wait3A_542 = arith.constant 0 : i32
      %dma_wait3A_543 = arith.constant 0 : i32
      %dma_wait3A_544 = tpu.memref_slice %arg2[%arg0, %dma_wait3A_542, %dma_wait3A_543] : memref<2x10000x128xf32, #tpu.memory_space<hbm>> -> memref<1x10000x128xf32, #tpu.memory_space<hbm>>
      %dma_wait3A_545 = tpu.memref_squeeze %dma_wait3A_544 : memref<1x10000x128xf32, #tpu.memory_space<hbm>> -> memref<10000x128xf32, #tpu.memory_space<hbm>>
      %dma_wait3A_546 = arith.constant 0 : i32
      %dma_wait3A_547 = arith.constant 0 : i32
      %dma_wait3A_548 = tpu.memref_slice %dma_wait3A_545[%dma_wait3A_546, %dma_wait3A_547] : memref<10000x128xf32, #tpu.memory_space<hbm>> -> memref<10000x128xf32, #tpu.memory_space<hbm>>
      tpu.wait_indirect_dma semaphore(%arg12 : memref<!tpu.dma_semaphore, #tpu.memory_space<semaphore_mem>>) src(%dma_wait3A_548 : memref<10000x128xf32, #tpu.memory_space<hbm>>) dst(%arg9 : memref<128x128xf32, #tpu.memory_space<vmem>>)
      %dma_wait3A_549 = arith.constant 0 : i32
      %dma_wait3A_550 = arith.constant 0 : i32
      %dma_wait3A_551 = tpu.memref_slice %arg7[%dma_wait3A_549, %dma_wait3A_550] : memref<16x128xi32, #tpu.memory_space<vmem>> -> memref<1x128xi32, #tpu.memory_space<vmem>>
      %dma_wait3A_552 = tpu.memref_squeeze %dma_wait3A_551 : memref<1x128xi32, #tpu.memory_space<vmem>> -> memref<128xi32, #tpu.memory_space<vmem>>
      %dma_wait3A_553 = arith.constant 0 : i32
      %dma_wait3A_554 = arith.constant 0 : i32
      %dma_wait3A_555 = tpu.memref_slice %arg10[%dma_wait3A_553, %dma_wait3A_554] : memref<10240x128xf32, #tpu.memory_space<vmem_shared>> -> memref<10240x128xf32, #tpu.memory_space<vmem_shared>>
      tpu.wait_indirect_dma semaphore(%arg13 : memref<!tpu.dma_semaphore, #tpu.memory_space<semaphore_mem>>) src(%arg8 : memref<128x128xf32, #tpu.memory_space<vmem>>) dst(%dma_wait3A_555 : memref<10240x128xf32, #tpu.memory_space<vmem_shared>>)
      %lt3A = arith.constant 7 : i32
      %lt3A_556 = arith.cmpi slt, %add3A_504, %lt3A : i32
      %convert_element_type3A_557 = arith.extui %lt3A_556 : i1 to i32
      %cond3A_558 = arith.constant 0 : i32
      %cond3A_559 = arith.cmpi ne, %convert_element_type3A_557, %cond3A_558 : i32
      scf.if %cond3A_559 {
        %add3A_568 = arith.constant 2 : i32
        %add3A_569 = arith.addi %mul3A_506, %add3A_568 : i32
        %dma_start3A_570 = arith.constant 0 : i32
        %dma_start3A_571 = tpu.memref_slice %arg6[%add3A_569, %dma_start3A_570] : memref<16x128xi32, #tpu.memory_space<vmem>> -> memref<1x128xi32, #tpu.memory_space<vmem>>
        %dma_start3A_572 = tpu.memref_squeeze %dma_start3A_571 : memref<1x128xi32, #tpu.memory_space<vmem>> -> memref<128xi32, #tpu.memory_space<vmem>>
        %dma_start3A_573 = arith.constant 0 : i32
        %dma_start3A_574 = arith.constant 0 : i32
        %dma_start3A_575 = tpu.memref_slice %arg2[%arg0, %dma_start3A_573, %dma_start3A_574] : memref<2x10000x128xf32, #tpu.memory_space<hbm>> -> memref<1x10000x128xf32, #tpu.memory_space<hbm>>
        %dma_start3A_576 = tpu.memref_squeeze %dma_start3A_575 : memref<1x10000x128xf32, #tpu.memory_space<hbm>> -> memref<10000x128xf32, #tpu.memory_space<hbm>>
        %dma_start3A_577 = arith.constant 0 : i32
        %dma_start3A_578 = arith.constant 0 : i32
        %dma_start3A_579 = tpu.memref_slice %dma_start3A_576[%dma_start3A_577, %dma_start3A_578] : memref<10000x128xf32, #tpu.memory_space<hbm>> -> memref<10000x128xf32, #tpu.memory_space<hbm>>
        tpu.enqueue_indirect_dma source(%dma_start3A_579 : memref<10000x128xf32, #tpu.memory_space<hbm>>) target(%arg8 : memref<128x128xf32, #tpu.memory_space<vmem>>) offsets(%dma_start3A_572 : memref<128xi32, #tpu.memory_space<vmem>>) semaphore(%arg11 : memref<!tpu.dma_semaphore, #tpu.memory_space<semaphore_mem>>)
      } else {
      }
      %add3A_560 = arith.constant 1 : i32
      %add3A_561 = arith.addi %mul3A_506, %add3A_560 : i32
      %dma_start3A_562 = arith.constant 0 : i32
      %dma_start3A_563 = tpu.memref_slice %arg7[%add3A_561, %dma_start3A_562] : memref<16x128xi32, #tpu.memory_space<vmem>> -> memref<1x128xi32, #tpu.memory_space<vmem>>
      %dma_start3A_564 = tpu.memref_squeeze %dma_start3A_563 : memref<1x128xi32, #tpu.memory_space<vmem>> -> memref<128xi32, #tpu.memory_space<vmem>>
      %dma_start3A_565 = arith.constant 0 : i32
      %dma_start3A_566 = arith.constant 0 : i32
      %dma_start3A_567 = tpu.memref_slice %arg10[%dma_start3A_565, %dma_start3A_566] : memref<10240x128xf32, #tpu.memory_space<vmem_shared>> -> memref<10240x128xf32, #tpu.memory_space<vmem_shared>>
      tpu.enqueue_indirect_dma source(%arg9 : memref<128x128xf32, #tpu.memory_space<vmem>>) target(%dma_start3A_567 : memref<10240x128xf32, #tpu.memory_space<vmem_shared>>) offsets(%dma_start3A_564 : memref<128xi32, #tpu.memory_space<vmem>>) semaphore(%arg14 : memref<!tpu.dma_semaphore, #tpu.memory_space<semaphore_mem>>) {add = true}
    }
    %scan3A_234 = arith.constant 8 : i32
    %dma_wait3A_235 = arith.constant 0 : i32
    %dma_wait3A_236 = arith.constant 0 : i32
    %dma_wait3A_237 = tpu.memref_slice %arg7[%dma_wait3A_235, %dma_wait3A_236] : memref<16x128xi32, #tpu.memory_space<vmem>> -> memref<1x128xi32, #tpu.memory_space<vmem>>
    %dma_wait3A_238 = tpu.memref_squeeze %dma_wait3A_237 : memref<1x128xi32, #tpu.memory_space<vmem>> -> memref<128xi32, #tpu.memory_space<vmem>>
    %dma_wait3A_239 = arith.constant 0 : i32
    %dma_wait3A_240 = arith.constant 0 : i32
    %dma_wait3A_241 = tpu.memref_slice %arg10[%dma_wait3A_239, %dma_wait3A_240] : memref<10240x128xf32, #tpu.memory_space<vmem_shared>> -> memref<10240x128xf32, #tpu.memory_space<vmem_shared>>
    tpu.wait_indirect_dma semaphore(%arg14 : memref<!tpu.dma_semaphore, #tpu.memory_space<semaphore_mem>>) src(%arg9 : memref<128x128xf32, #tpu.memory_space<vmem>>) dst(%dma_wait3A_241 : memref<10240x128xf32, #tpu.memory_space<vmem_shared>>)
    %dma_start3A_242 = arith.constant 0 : i32
    %dma_start3A_243 = arith.constant 0 : i32
    %dma_start3A_244 = tpu.memref_slice %arg3[%add3A, %dma_start3A_242, %dma_start3A_243] : memref<32x80x128xi32, #tpu.memory_space<hbm>> -> memref<1x80x128xi32, #tpu.memory_space<hbm>>
    %dma_start3A_245 = tpu.memref_squeeze %dma_start3A_244 : memref<1x80x128xi32, #tpu.memory_space<hbm>> -> memref<80x128xi32, #tpu.memory_space<hbm>>
    %dma_start3A_246 = arith.constant 32 : i32
    %dma_start3A_247 = arith.constant 0 : i32
    %dma_start3A_248 = tpu.memref_slice %dma_start3A_245[%dma_start3A_246, %dma_start3A_247] : memref<80x128xi32, #tpu.memory_space<hbm>> -> memref<16x128xi32, #tpu.memory_space<hbm>>
    %dma_start3A_249 = arith.constant 0 : i32
    %dma_start3A_250 = arith.constant 0 : i32
    %dma_start3A_251 = tpu.memref_slice %arg3[%add3A, %dma_start3A_249, %dma_start3A_250] : memref<32x80x128xi32, #tpu.memory_space<hbm>> -> memref<1x80x128xi32, #tpu.memory_space<hbm>>
    %dma_start3A_252 = tpu.memref_squeeze %dma_start3A_251 : memref<1x80x128xi32, #tpu.memory_space<hbm>> -> memref<80x128xi32, #tpu.memory_space<hbm>>
    %dma_start3A_253 = arith.constant 32 : i32
    %dma_start3A_254 = arith.constant 0 : i32
    %dma_start3A_255 = tpu.memref_slice %dma_start3A_252[%dma_start3A_253, %dma_start3A_254] : memref<80x128xi32, #tpu.memory_space<hbm>> -> memref<16x128xi32, #tpu.memory_space<hbm>>
    tpu.enqueue_dma source(%dma_start3A_255 : memref<16x128xi32, #tpu.memory_space<hbm>>) target(%arg6 : memref<16x128xi32, #tpu.memory_space<vmem>>) target_semaphore(%arg15 : memref<!tpu.dma_semaphore, #tpu.memory_space<semaphore_mem>>)
    %dma_start3A_256 = arith.constant 0 : i32
    %dma_start3A_257 = arith.constant 0 : i32
    %dma_start3A_258 = tpu.memref_slice %arg4[%add3A, %dma_start3A_256, %dma_start3A_257] : memref<32x80x128xi32, #tpu.memory_space<hbm>> -> memref<1x80x128xi32, #tpu.memory_space<hbm>>
    %dma_start3A_259 = tpu.memref_squeeze %dma_start3A_258 : memref<1x80x128xi32, #tpu.memory_space<hbm>> -> memref<80x128xi32, #tpu.memory_space<hbm>>
    %dma_start3A_260 = arith.constant 32 : i32
    %dma_start3A_261 = arith.constant 0 : i32
    %dma_start3A_262 = tpu.memref_slice %dma_start3A_259[%dma_start3A_260, %dma_start3A_261] : memref<80x128xi32, #tpu.memory_space<hbm>> -> memref<16x128xi32, #tpu.memory_space<hbm>>
    %dma_start3A_263 = arith.constant 0 : i32
    %dma_start3A_264 = arith.constant 0 : i32
    %dma_start3A_265 = tpu.memref_slice %arg4[%add3A, %dma_start3A_263, %dma_start3A_264] : memref<32x80x128xi32, #tpu.memory_space<hbm>> -> memref<1x80x128xi32, #tpu.memory_space<hbm>>
    %dma_start3A_266 = tpu.memref_squeeze %dma_start3A_265 : memref<1x80x128xi32, #tpu.memory_space<hbm>> -> memref<80x128xi32, #tpu.memory_space<hbm>>
    %dma_start3A_267 = arith.constant 32 : i32
    %dma_start3A_268 = arith.constant 0 : i32
    %dma_start3A_269 = tpu.memref_slice %dma_start3A_266[%dma_start3A_267, %dma_start3A_268] : memref<80x128xi32, #tpu.memory_space<hbm>> -> memref<16x128xi32, #tpu.memory_space<hbm>>
    tpu.enqueue_dma source(%dma_start3A_269 : memref<16x128xi32, #tpu.memory_space<hbm>>) target(%arg7 : memref<16x128xi32, #tpu.memory_space<vmem>>) target_semaphore(%arg15 : memref<!tpu.dma_semaphore, #tpu.memory_space<semaphore_mem>>)
    %dma_wait3A_270 = arith.constant 0 : i32
    %dma_wait3A_271 = arith.constant 0 : i32
    %dma_wait3A_272 = tpu.memref_slice %arg3[%add3A, %dma_wait3A_270, %dma_wait3A_271] : memref<32x80x128xi32, #tpu.memory_space<hbm>> -> memref<1x80x128xi32, #tpu.memory_space<hbm>>
    %dma_wait3A_273 = tpu.memref_squeeze %dma_wait3A_272 : memref<1x80x128xi32, #tpu.memory_space<hbm>> -> memref<80x128xi32, #tpu.memory_space<hbm>>
    %dma_wait3A_274 = arith.constant 32 : i32
    %dma_wait3A_275 = arith.constant 0 : i32
    %dma_wait3A_276 = tpu.memref_slice %dma_wait3A_273[%dma_wait3A_274, %dma_wait3A_275] : memref<80x128xi32, #tpu.memory_space<hbm>> -> memref<16x128xi32, #tpu.memory_space<hbm>>
    %dma_wait3A_277 = arith.constant 0 : i32
    %dma_wait3A_278 = arith.constant 0 : i32
    %dma_wait3A_279 = tpu.memref_slice %arg3[%add3A, %dma_wait3A_277, %dma_wait3A_278] : memref<32x80x128xi32, #tpu.memory_space<hbm>> -> memref<1x80x128xi32, #tpu.memory_space<hbm>>
    %dma_wait3A_280 = tpu.memref_squeeze %dma_wait3A_279 : memref<1x80x128xi32, #tpu.memory_space<hbm>> -> memref<80x128xi32, #tpu.memory_space<hbm>>
    %dma_wait3A_281 = arith.constant 32 : i32
    %dma_wait3A_282 = arith.constant 0 : i32
    %dma_wait3A_283 = tpu.memref_slice %dma_wait3A_280[%dma_wait3A_281, %dma_wait3A_282] : memref<80x128xi32, #tpu.memory_space<hbm>> -> memref<16x128xi32, #tpu.memory_space<hbm>>
    tpu.wait_dma2 semaphore(%arg15 : memref<!tpu.dma_semaphore, #tpu.memory_space<semaphore_mem>>) src(%dma_wait3A_283 : memref<16x128xi32, #tpu.memory_space<hbm>>) dst(%arg6 : memref<16x128xi32, #tpu.memory_space<vmem>>)
    %dma_wait3A_284 = arith.constant 0 : i32
    %dma_wait3A_285 = arith.constant 0 : i32
    %dma_wait3A_286 = tpu.memref_slice %arg4[%add3A, %dma_wait3A_284, %dma_wait3A_285] : memref<32x80x128xi32, #tpu.memory_space<hbm>> -> memref<1x80x128xi32, #tpu.memory_space<hbm>>
    %dma_wait3A_287 = tpu.memref_squeeze %dma_wait3A_286 : memref<1x80x128xi32, #tpu.memory_space<hbm>> -> memref<80x128xi32, #tpu.memory_space<hbm>>
    %dma_wait3A_288 = arith.constant 32 : i32
    %dma_wait3A_289 = arith.constant 0 : i32
    %dma_wait3A_290 = tpu.memref_slice %dma_wait3A_287[%dma_wait3A_288, %dma_wait3A_289] : memref<80x128xi32, #tpu.memory_space<hbm>> -> memref<16x128xi32, #tpu.memory_space<hbm>>
    %dma_wait3A_291 = arith.constant 0 : i32
    %dma_wait3A_292 = arith.constant 0 : i32
    %dma_wait3A_293 = tpu.memref_slice %arg4[%add3A, %dma_wait3A_291, %dma_wait3A_292] : memref<32x80x128xi32, #tpu.memory_space<hbm>> -> memref<1x80x128xi32, #tpu.memory_space<hbm>>
    %dma_wait3A_294 = tpu.memref_squeeze %dma_wait3A_293 : memref<1x80x128xi32, #tpu.memory_space<hbm>> -> memref<80x128xi32, #tpu.memory_space<hbm>>
    %dma_wait3A_295 = arith.constant 32 : i32
    %dma_wait3A_296 = arith.constant 0 : i32
    %dma_wait3A_297 = tpu.memref_slice %dma_wait3A_294[%dma_wait3A_295, %dma_wait3A_296] : memref<80x128xi32, #tpu.memory_space<hbm>> -> memref<16x128xi32, #tpu.memory_space<hbm>>
    tpu.wait_dma2 semaphore(%arg15 : memref<!tpu.dma_semaphore, #tpu.memory_space<semaphore_mem>>) src(%dma_wait3A_297 : memref<16x128xi32, #tpu.memory_space<hbm>>) dst(%arg7 : memref<16x128xi32, #tpu.memory_space<vmem>>)
    %dma_start3A_298 = arith.constant 0 : i32
    %dma_start3A_299 = arith.constant 0 : i32
    %dma_start3A_300 = tpu.memref_slice %arg6[%dma_start3A_298, %dma_start3A_299] : memref<16x128xi32, #tpu.memory_space<vmem>> -> memref<1x128xi32, #tpu.memory_space<vmem>>
    %dma_start3A_301 = tpu.memref_squeeze %dma_start3A_300 : memref<1x128xi32, #tpu.memory_space<vmem>> -> memref<128xi32, #tpu.memory_space<vmem>>
    %dma_start3A_302 = arith.constant 0 : i32
    %dma_start3A_303 = arith.constant 0 : i32
    %dma_start3A_304 = tpu.memref_slice %arg2[%arg0, %dma_start3A_302, %dma_start3A_303] : memref<2x10000x128xf32, #tpu.memory_space<hbm>> -> memref<1x10000x128xf32, #tpu.memory_space<hbm>>
    %dma_start3A_305 = tpu.memref_squeeze %dma_start3A_304 : memref<1x10000x128xf32, #tpu.memory_space<hbm>> -> memref<10000x128xf32, #tpu.memory_space<hbm>>
    %dma_start3A_306 = arith.constant 0 : i32
    %dma_start3A_307 = arith.constant 0 : i32
    %dma_start3A_308 = tpu.memref_slice %dma_start3A_305[%dma_start3A_306, %dma_start3A_307] : memref<10000x128xf32, #tpu.memory_space<hbm>> -> memref<10000x128xf32, #tpu.memory_space<hbm>>
    tpu.enqueue_indirect_dma source(%dma_start3A_308 : memref<10000x128xf32, #tpu.memory_space<hbm>>) target(%arg8 : memref<128x128xf32, #tpu.memory_space<vmem>>) offsets(%dma_start3A_301 : memref<128xi32, #tpu.memory_space<vmem>>) semaphore(%arg11 : memref<!tpu.dma_semaphore, #tpu.memory_space<semaphore_mem>>)
    %scan3A_309 = arith.constant 0 : i32
    %scan3A_310 = arith.constant 8 : i32
    %scan3A_311 = arith.addi %scan3A_309, %scan3A_310 : i32
    %scan3A_312 = arith.constant 1 : i32
    scf.for %scan3A_500 = %scan3A_309 to %scan3A_311 step %scan3A_312  : i32 {
      %mul3A_501 = arith.constant 1 : i32
      %mul3A_502 = arith.muli %scan3A_500, %mul3A_501 : i32
      %add3A_503 = arith.constant 0 : i32
      %add3A_504 = arith.addi %add3A_503, %mul3A_502 : i32
      %mul3A_505 = arith.constant 2 : i32
      %mul3A_506 = arith.muli %mul3A_505, %add3A_504 : i32
      %dma_wait3A_507 = arith.constant 0 : i32
      %dma_wait3A_508 = arith.constant 0 : i32
      %dma_wait3A_509 = tpu.memref_slice %arg6[%dma_wait3A_507, %dma_wait3A_508] : memref<16x128xi32, #tpu.memory_space<vmem>> -> memref<1x128xi32, #tpu.memory_space<vmem>>
      %dma_wait3A_510 = tpu.memref_squeeze %dma_wait3A_509 : memref<1x128xi32, #tpu.memory_space<vmem>> -> memref<128xi32, #tpu.memory_space<vmem>>
      %dma_wait3A_511 = arith.constant 0 : i32
      %dma_wait3A_512 = arith.constant 0 : i32
      %dma_wait3A_513 = tpu.memref_slice %arg2[%arg0, %dma_wait3A_511, %dma_wait3A_512] : memref<2x10000x128xf32, #tpu.memory_space<hbm>> -> memref<1x10000x128xf32, #tpu.memory_space<hbm>>
      %dma_wait3A_514 = tpu.memref_squeeze %dma_wait3A_513 : memref<1x10000x128xf32, #tpu.memory_space<hbm>> -> memref<10000x128xf32, #tpu.memory_space<hbm>>
      %dma_wait3A_515 = arith.constant 0 : i32
      %dma_wait3A_516 = arith.constant 0 : i32
      %dma_wait3A_517 = tpu.memref_slice %dma_wait3A_514[%dma_wait3A_515, %dma_wait3A_516] : memref<10000x128xf32, #tpu.memory_space<hbm>> -> memref<10000x128xf32, #tpu.memory_space<hbm>>
      tpu.wait_indirect_dma semaphore(%arg11 : memref<!tpu.dma_semaphore, #tpu.memory_space<semaphore_mem>>) src(%dma_wait3A_517 : memref<10000x128xf32, #tpu.memory_space<hbm>>) dst(%arg8 : memref<128x128xf32, #tpu.memory_space<vmem>>)
      %gt3A = arith.constant 0 : i32
      %gt3A_518 = arith.cmpi sgt, %add3A_504, %gt3A : i32
      %convert_element_type3A = arith.extui %gt3A_518 : i1 to i32
      %cond3A = arith.constant 0 : i32
      %cond3A_519 = arith.cmpi ne, %convert_element_type3A, %cond3A : i32
      scf.if %cond3A_519 {
        %dma_wait3A_568 = arith.constant 0 : i32
        %dma_wait3A_569 = arith.constant 0 : i32
        %dma_wait3A_570 = tpu.memref_slice %arg7[%dma_wait3A_568, %dma_wait3A_569] : memref<16x128xi32, #tpu.memory_space<vmem>> -> memref<1x128xi32, #tpu.memory_space<vmem>>
        %dma_wait3A_571 = tpu.memref_squeeze %dma_wait3A_570 : memref<1x128xi32, #tpu.memory_space<vmem>> -> memref<128xi32, #tpu.memory_space<vmem>>
        %dma_wait3A_572 = arith.constant 0 : i32
        %dma_wait3A_573 = arith.constant 0 : i32
        %dma_wait3A_574 = tpu.memref_slice %arg10[%dma_wait3A_572, %dma_wait3A_573] : memref<10240x128xf32, #tpu.memory_space<vmem_shared>> -> memref<10240x128xf32, #tpu.memory_space<vmem_shared>>
        tpu.wait_indirect_dma semaphore(%arg14 : memref<!tpu.dma_semaphore, #tpu.memory_space<semaphore_mem>>) src(%arg9 : memref<128x128xf32, #tpu.memory_space<vmem>>) dst(%dma_wait3A_574 : memref<10240x128xf32, #tpu.memory_space<vmem_shared>>)
      } else {
      }
      %add3A_520 = arith.constant 1 : i32
      %add3A_521 = arith.addi %mul3A_506, %add3A_520 : i32
      %dma_start3A_522 = arith.constant 0 : i32
      %dma_start3A_523 = tpu.memref_slice %arg6[%add3A_521, %dma_start3A_522] : memref<16x128xi32, #tpu.memory_space<vmem>> -> memref<1x128xi32, #tpu.memory_space<vmem>>
      %dma_start3A_524 = tpu.memref_squeeze %dma_start3A_523 : memref<1x128xi32, #tpu.memory_space<vmem>> -> memref<128xi32, #tpu.memory_space<vmem>>
      %dma_start3A_525 = arith.constant 0 : i32
      %dma_start3A_526 = arith.constant 0 : i32
      %dma_start3A_527 = tpu.memref_slice %arg2[%arg0, %dma_start3A_525, %dma_start3A_526] : memref<2x10000x128xf32, #tpu.memory_space<hbm>> -> memref<1x10000x128xf32, #tpu.memory_space<hbm>>
      %dma_start3A_528 = tpu.memref_squeeze %dma_start3A_527 : memref<1x10000x128xf32, #tpu.memory_space<hbm>> -> memref<10000x128xf32, #tpu.memory_space<hbm>>
      %dma_start3A_529 = arith.constant 0 : i32
      %dma_start3A_530 = arith.constant 0 : i32
      %dma_start3A_531 = tpu.memref_slice %dma_start3A_528[%dma_start3A_529, %dma_start3A_530] : memref<10000x128xf32, #tpu.memory_space<hbm>> -> memref<10000x128xf32, #tpu.memory_space<hbm>>
      tpu.enqueue_indirect_dma source(%dma_start3A_531 : memref<10000x128xf32, #tpu.memory_space<hbm>>) target(%arg9 : memref<128x128xf32, #tpu.memory_space<vmem>>) offsets(%dma_start3A_524 : memref<128xi32, #tpu.memory_space<vmem>>) semaphore(%arg12 : memref<!tpu.dma_semaphore, #tpu.memory_space<semaphore_mem>>)
      %dma_start3A_532 = arith.constant 0 : i32
      %dma_start3A_533 = tpu.memref_slice %arg7[%mul3A_506, %dma_start3A_532] : memref<16x128xi32, #tpu.memory_space<vmem>> -> memref<1x128xi32, #tpu.memory_space<vmem>>
      %dma_start3A_534 = tpu.memref_squeeze %dma_start3A_533 : memref<1x128xi32, #tpu.memory_space<vmem>> -> memref<128xi32, #tpu.memory_space<vmem>>
      %dma_start3A_535 = arith.constant 0 : i32
      %dma_start3A_536 = arith.constant 0 : i32
      %dma_start3A_537 = tpu.memref_slice %arg10[%dma_start3A_535, %dma_start3A_536] : memref<10240x128xf32, #tpu.memory_space<vmem_shared>> -> memref<10240x128xf32, #tpu.memory_space<vmem_shared>>
      tpu.enqueue_indirect_dma source(%arg8 : memref<128x128xf32, #tpu.memory_space<vmem>>) target(%dma_start3A_537 : memref<10240x128xf32, #tpu.memory_space<vmem_shared>>) offsets(%dma_start3A_534 : memref<128xi32, #tpu.memory_space<vmem>>) semaphore(%arg13 : memref<!tpu.dma_semaphore, #tpu.memory_space<semaphore_mem>>) {add = true}
      %dma_wait3A_538 = arith.constant 0 : i32
      %dma_wait3A_539 = arith.constant 0 : i32
      %dma_wait3A_540 = tpu.memref_slice %arg6[%dma_wait3A_538, %dma_wait3A_539] : memref<16x128xi32, #tpu.memory_space<vmem>> -> memref<1x128xi32, #tpu.memory_space<vmem>>
      %dma_wait3A_541 = tpu.memref_squeeze %dma_wait3A_540 : memref<1x128xi32, #tpu.memory_space<vmem>> -> memref<128xi32, #tpu.memory_space<vmem>>
      %dma_wait3A_542 = arith.constant 0 : i32
      %dma_wait3A_543 = arith.constant 0 : i32
      %dma_wait3A_544 = tpu.memref_slice %arg2[%arg0, %dma_wait3A_542, %dma_wait3A_543] : memref<2x10000x128xf32, #tpu.memory_space<hbm>> -> memref<1x10000x128xf32, #tpu.memory_space<hbm>>
      %dma_wait3A_545 = tpu.memref_squeeze %dma_wait3A_544 : memref<1x10000x128xf32, #tpu.memory_space<hbm>> -> memref<10000x128xf32, #tpu.memory_space<hbm>>
      %dma_wait3A_546 = arith.constant 0 : i32
      %dma_wait3A_547 = arith.constant 0 : i32
      %dma_wait3A_548 = tpu.memref_slice %dma_wait3A_545[%dma_wait3A_546, %dma_wait3A_547] : memref<10000x128xf32, #tpu.memory_space<hbm>> -> memref<10000x128xf32, #tpu.memory_space<hbm>>
      tpu.wait_indirect_dma semaphore(%arg12 : memref<!tpu.dma_semaphore, #tpu.memory_space<semaphore_mem>>) src(%dma_wait3A_548 : memref<10000x128xf32, #tpu.memory_space<hbm>>) dst(%arg9 : memref<128x128xf32, #tpu.memory_space<vmem>>)
      %dma_wait3A_549 = arith.constant 0 : i32
      %dma_wait3A_550 = arith.constant 0 : i32
      %dma_wait3A_551 = tpu.memref_slice %arg7[%dma_wait3A_549, %dma_wait3A_550] : memref<16x128xi32, #tpu.memory_space<vmem>> -> memref<1x128xi32, #tpu.memory_space<vmem>>
      %dma_wait3A_552 = tpu.memref_squeeze %dma_wait3A_551 : memref<1x128xi32, #tpu.memory_space<vmem>> -> memref<128xi32, #tpu.memory_space<vmem>>
      %dma_wait3A_553 = arith.constant 0 : i32
      %dma_wait3A_554 = arith.constant 0 : i32
      %dma_wait3A_555 = tpu.memref_slice %arg10[%dma_wait3A_553, %dma_wait3A_554] : memref<10240x128xf32, #tpu.memory_space<vmem_shared>> -> memref<10240x128xf32, #tpu.memory_space<vmem_shared>>
      tpu.wait_indirect_dma semaphore(%arg13 : memref<!tpu.dma_semaphore, #tpu.memory_space<semaphore_mem>>) src(%arg8 : memref<128x128xf32, #tpu.memory_space<vmem>>) dst(%dma_wait3A_555 : memref<10240x128xf32, #tpu.memory_space<vmem_shared>>)
      %lt3A = arith.constant 7 : i32
      %lt3A_556 = arith.cmpi slt, %add3A_504, %lt3A : i32
      %convert_element_type3A_557 = arith.extui %lt3A_556 : i1 to i32
      %cond3A_558 = arith.constant 0 : i32
      %cond3A_559 = arith.cmpi ne, %convert_element_type3A_557, %cond3A_558 : i32
      scf.if %cond3A_559 {
        %add3A_568 = arith.constant 2 : i32
        %add3A_569 = arith.addi %mul3A_506, %add3A_568 : i32
        %dma_start3A_570 = arith.constant 0 : i32
        %dma_start3A_571 = tpu.memref_slice %arg6[%add3A_569, %dma_start3A_570] : memref<16x128xi32, #tpu.memory_space<vmem>> -> memref<1x128xi32, #tpu.memory_space<vmem>>
        %dma_start3A_572 = tpu.memref_squeeze %dma_start3A_571 : memref<1x128xi32, #tpu.memory_space<vmem>> -> memref<128xi32, #tpu.memory_space<vmem>>
        %dma_start3A_573 = arith.constant 0 : i32
        %dma_start3A_574 = arith.constant 0 : i32
        %dma_start3A_575 = tpu.memref_slice %arg2[%arg0, %dma_start3A_573, %dma_start3A_574] : memref<2x10000x128xf32, #tpu.memory_space<hbm>> -> memref<1x10000x128xf32, #tpu.memory_space<hbm>>
        %dma_start3A_576 = tpu.memref_squeeze %dma_start3A_575 : memref<1x10000x128xf32, #tpu.memory_space<hbm>> -> memref<10000x128xf32, #tpu.memory_space<hbm>>
        %dma_start3A_577 = arith.constant 0 : i32
        %dma_start3A_578 = arith.constant 0 : i32
        %dma_start3A_579 = tpu.memref_slice %dma_start3A_576[%dma_start3A_577, %dma_start3A_578] : memref<10000x128xf32, #tpu.memory_space<hbm>> -> memref<10000x128xf32, #tpu.memory_space<hbm>>
        tpu.enqueue_indirect_dma source(%dma_start3A_579 : memref<10000x128xf32, #tpu.memory_space<hbm>>) target(%arg8 : memref<128x128xf32, #tpu.memory_space<vmem>>) offsets(%dma_start3A_572 : memref<128xi32, #tpu.memory_space<vmem>>) semaphore(%arg11 : memref<!tpu.dma_semaphore, #tpu.memory_space<semaphore_mem>>)
      } else {
      }
      %add3A_560 = arith.constant 1 : i32
      %add3A_561 = arith.addi %mul3A_506, %add3A_560 : i32
      %dma_start3A_562 = arith.constant 0 : i32
      %dma_start3A_563 = tpu.memref_slice %arg7[%add3A_561, %dma_start3A_562] : memref<16x128xi32, #tpu.memory_space<vmem>> -> memref<1x128xi32, #tpu.memory_space<vmem>>
      %dma_start3A_564 = tpu.memref_squeeze %dma_start3A_563 : memref<1x128xi32, #tpu.memory_space<vmem>> -> memref<128xi32, #tpu.memory_space<vmem>>
      %dma_start3A_565 = arith.constant 0 : i32
      %dma_start3A_566 = arith.constant 0 : i32
      %dma_start3A_567 = tpu.memref_slice %arg10[%dma_start3A_565, %dma_start3A_566] : memref<10240x128xf32, #tpu.memory_space<vmem_shared>> -> memref<10240x128xf32, #tpu.memory_space<vmem_shared>>
      tpu.enqueue_indirect_dma source(%arg9 : memref<128x128xf32, #tpu.memory_space<vmem>>) target(%dma_start3A_567 : memref<10240x128xf32, #tpu.memory_space<vmem_shared>>) offsets(%dma_start3A_564 : memref<128xi32, #tpu.memory_space<vmem>>) semaphore(%arg14 : memref<!tpu.dma_semaphore, #tpu.memory_space<semaphore_mem>>) {add = true}
    }
    %scan3A_313 = arith.constant 8 : i32
    %dma_wait3A_314 = arith.constant 0 : i32
    %dma_wait3A_315 = arith.constant 0 : i32
    %dma_wait3A_316 = tpu.memref_slice %arg7[%dma_wait3A_314, %dma_wait3A_315] : memref<16x128xi32, #tpu.memory_space<vmem>> -> memref<1x128xi32, #tpu.memory_space<vmem>>
    %dma_wait3A_317 = tpu.memref_squeeze %dma_wait3A_316 : memref<1x128xi32, #tpu.memory_space<vmem>> -> memref<128xi32, #tpu.memory_space<vmem>>
    %dma_wait3A_318 = arith.constant 0 : i32
    %dma_wait3A_319 = arith.constant 0 : i32
    %dma_wait3A_320 = tpu.memref_slice %arg10[%dma_wait3A_318, %dma_wait3A_319] : memref<10240x128xf32, #tpu.memory_space<vmem_shared>> -> memref<10240x128xf32, #tpu.memory_space<vmem_shared>>
    tpu.wait_indirect_dma semaphore(%arg14 : memref<!tpu.dma_semaphore, #tpu.memory_space<semaphore_mem>>) src(%arg9 : memref<128x128xf32, #tpu.memory_space<vmem>>) dst(%dma_wait3A_320 : memref<10240x128xf32, #tpu.memory_space<vmem_shared>>)
    %dma_start3A_321 = arith.constant 0 : i32
    %dma_start3A_322 = arith.constant 0 : i32
    %dma_start3A_323 = tpu.memref_slice %arg3[%add3A, %dma_start3A_321, %dma_start3A_322] : memref<32x80x128xi32, #tpu.memory_space<hbm>> -> memref<1x80x128xi32, #tpu.memory_space<hbm>>
    %dma_start3A_324 = tpu.memref_squeeze %dma_start3A_323 : memref<1x80x128xi32, #tpu.memory_space<hbm>> -> memref<80x128xi32, #tpu.memory_space<hbm>>
    %dma_start3A_325 = arith.constant 48 : i32
    %dma_start3A_326 = arith.constant 0 : i32
    %dma_start3A_327 = tpu.memref_slice %dma_start3A_324[%dma_start3A_325, %dma_start3A_326] : memref<80x128xi32, #tpu.memory_space<hbm>> -> memref<16x128xi32, #tpu.memory_space<hbm>>
    %dma_start3A_328 = arith.constant 0 : i32
    %dma_start3A_329 = arith.constant 0 : i32
    %dma_start3A_330 = tpu.memref_slice %arg3[%add3A, %dma_start3A_328, %dma_start3A_329] : memref<32x80x128xi32, #tpu.memory_space<hbm>> -> memref<1x80x128xi32, #tpu.memory_space<hbm>>
    %dma_start3A_331 = tpu.memref_squeeze %dma_start3A_330 : memref<1x80x128xi32, #tpu.memory_space<hbm>> -> memref<80x128xi32, #tpu.memory_space<hbm>>
    %dma_start3A_332 = arith.constant 48 : i32
    %dma_start3A_333 = arith.constant 0 : i32
    %dma_start3A_334 = tpu.memref_slice %dma_start3A_331[%dma_start3A_332, %dma_start3A_333] : memref<80x128xi32, #tpu.memory_space<hbm>> -> memref<16x128xi32, #tpu.memory_space<hbm>>
    tpu.enqueue_dma source(%dma_start3A_334 : memref<16x128xi32, #tpu.memory_space<hbm>>) target(%arg6 : memref<16x128xi32, #tpu.memory_space<vmem>>) target_semaphore(%arg15 : memref<!tpu.dma_semaphore, #tpu.memory_space<semaphore_mem>>)
    %dma_start3A_335 = arith.constant 0 : i32
    %dma_start3A_336 = arith.constant 0 : i32
    %dma_start3A_337 = tpu.memref_slice %arg4[%add3A, %dma_start3A_335, %dma_start3A_336] : memref<32x80x128xi32, #tpu.memory_space<hbm>> -> memref<1x80x128xi32, #tpu.memory_space<hbm>>
    %dma_start3A_338 = tpu.memref_squeeze %dma_start3A_337 : memref<1x80x128xi32, #tpu.memory_space<hbm>> -> memref<80x128xi32, #tpu.memory_space<hbm>>
    %dma_start3A_339 = arith.constant 48 : i32
    %dma_start3A_340 = arith.constant 0 : i32
    %dma_start3A_341 = tpu.memref_slice %dma_start3A_338[%dma_start3A_339, %dma_start3A_340] : memref<80x128xi32, #tpu.memory_space<hbm>> -> memref<16x128xi32, #tpu.memory_space<hbm>>
    %dma_start3A_342 = arith.constant 0 : i32
    %dma_start3A_343 = arith.constant 0 : i32
    %dma_start3A_344 = tpu.memref_slice %arg4[%add3A, %dma_start3A_342, %dma_start3A_343] : memref<32x80x128xi32, #tpu.memory_space<hbm>> -> memref<1x80x128xi32, #tpu.memory_space<hbm>>
    %dma_start3A_345 = tpu.memref_squeeze %dma_start3A_344 : memref<1x80x128xi32, #tpu.memory_space<hbm>> -> memref<80x128xi32, #tpu.memory_space<hbm>>
    %dma_start3A_346 = arith.constant 48 : i32
    %dma_start3A_347 = arith.constant 0 : i32
    %dma_start3A_348 = tpu.memref_slice %dma_start3A_345[%dma_start3A_346, %dma_start3A_347] : memref<80x128xi32, #tpu.memory_space<hbm>> -> memref<16x128xi32, #tpu.memory_space<hbm>>
    tpu.enqueue_dma source(%dma_start3A_348 : memref<16x128xi32, #tpu.memory_space<hbm>>) target(%arg7 : memref<16x128xi32, #tpu.memory_space<vmem>>) target_semaphore(%arg15 : memref<!tpu.dma_semaphore, #tpu.memory_space<semaphore_mem>>)
    %dma_wait3A_349 = arith.constant 0 : i32
    %dma_wait3A_350 = arith.constant 0 : i32
    %dma_wait3A_351 = tpu.memref_slice %arg3[%add3A, %dma_wait3A_349, %dma_wait3A_350] : memref<32x80x128xi32, #tpu.memory_space<hbm>> -> memref<1x80x128xi32, #tpu.memory_space<hbm>>
    %dma_wait3A_352 = tpu.memref_squeeze %dma_wait3A_351 : memref<1x80x128xi32, #tpu.memory_space<hbm>> -> memref<80x128xi32, #tpu.memory_space<hbm>>
    %dma_wait3A_353 = arith.constant 48 : i32
    %dma_wait3A_354 = arith.constant 0 : i32
    %dma_wait3A_355 = tpu.memref_slice %dma_wait3A_352[%dma_wait3A_353, %dma_wait3A_354] : memref<80x128xi32, #tpu.memory_space<hbm>> -> memref<16x128xi32, #tpu.memory_space<hbm>>
    %dma_wait3A_356 = arith.constant 0 : i32
    %dma_wait3A_357 = arith.constant 0 : i32
    %dma_wait3A_358 = tpu.memref_slice %arg3[%add3A, %dma_wait3A_356, %dma_wait3A_357] : memref<32x80x128xi32, #tpu.memory_space<hbm>> -> memref<1x80x128xi32, #tpu.memory_space<hbm>>
    %dma_wait3A_359 = tpu.memref_squeeze %dma_wait3A_358 : memref<1x80x128xi32, #tpu.memory_space<hbm>> -> memref<80x128xi32, #tpu.memory_space<hbm>>
    %dma_wait3A_360 = arith.constant 48 : i32
    %dma_wait3A_361 = arith.constant 0 : i32
    %dma_wait3A_362 = tpu.memref_slice %dma_wait3A_359[%dma_wait3A_360, %dma_wait3A_361] : memref<80x128xi32, #tpu.memory_space<hbm>> -> memref<16x128xi32, #tpu.memory_space<hbm>>
    tpu.wait_dma2 semaphore(%arg15 : memref<!tpu.dma_semaphore, #tpu.memory_space<semaphore_mem>>) src(%dma_wait3A_362 : memref<16x128xi32, #tpu.memory_space<hbm>>) dst(%arg6 : memref<16x128xi32, #tpu.memory_space<vmem>>)
    %dma_wait3A_363 = arith.constant 0 : i32
    %dma_wait3A_364 = arith.constant 0 : i32
    %dma_wait3A_365 = tpu.memref_slice %arg4[%add3A, %dma_wait3A_363, %dma_wait3A_364] : memref<32x80x128xi32, #tpu.memory_space<hbm>> -> memref<1x80x128xi32, #tpu.memory_space<hbm>>
    %dma_wait3A_366 = tpu.memref_squeeze %dma_wait3A_365 : memref<1x80x128xi32, #tpu.memory_space<hbm>> -> memref<80x128xi32, #tpu.memory_space<hbm>>
    %dma_wait3A_367 = arith.constant 48 : i32
    %dma_wait3A_368 = arith.constant 0 : i32
    %dma_wait3A_369 = tpu.memref_slice %dma_wait3A_366[%dma_wait3A_367, %dma_wait3A_368] : memref<80x128xi32, #tpu.memory_space<hbm>> -> memref<16x128xi32, #tpu.memory_space<hbm>>
    %dma_wait3A_370 = arith.constant 0 : i32
    %dma_wait3A_371 = arith.constant 0 : i32
    %dma_wait3A_372 = tpu.memref_slice %arg4[%add3A, %dma_wait3A_370, %dma_wait3A_371] : memref<32x80x128xi32, #tpu.memory_space<hbm>> -> memref<1x80x128xi32, #tpu.memory_space<hbm>>
    %dma_wait3A_373 = tpu.memref_squeeze %dma_wait3A_372 : memref<1x80x128xi32, #tpu.memory_space<hbm>> -> memref<80x128xi32, #tpu.memory_space<hbm>>
    %dma_wait3A_374 = arith.constant 48 : i32
    %dma_wait3A_375 = arith.constant 0 : i32
    %dma_wait3A_376 = tpu.memref_slice %dma_wait3A_373[%dma_wait3A_374, %dma_wait3A_375] : memref<80x128xi32, #tpu.memory_space<hbm>> -> memref<16x128xi32, #tpu.memory_space<hbm>>
    tpu.wait_dma2 semaphore(%arg15 : memref<!tpu.dma_semaphore, #tpu.memory_space<semaphore_mem>>) src(%dma_wait3A_376 : memref<16x128xi32, #tpu.memory_space<hbm>>) dst(%arg7 : memref<16x128xi32, #tpu.memory_space<vmem>>)
    %dma_start3A_377 = arith.constant 0 : i32
    %dma_start3A_378 = arith.constant 0 : i32
    %dma_start3A_379 = tpu.memref_slice %arg6[%dma_start3A_377, %dma_start3A_378] : memref<16x128xi32, #tpu.memory_space<vmem>> -> memref<1x128xi32, #tpu.memory_space<vmem>>
    %dma_start3A_380 = tpu.memref_squeeze %dma_start3A_379 : memref<1x128xi32, #tpu.memory_space<vmem>> -> memref<128xi32, #tpu.memory_space<vmem>>
    %dma_start3A_381 = arith.constant 0 : i32
    %dma_start3A_382 = arith.constant 0 : i32
    %dma_start3A_383 = tpu.memref_slice %arg2[%arg0, %dma_start3A_381, %dma_start3A_382] : memref<2x10000x128xf32, #tpu.memory_space<hbm>> -> memref<1x10000x128xf32, #tpu.memory_space<hbm>>
    %dma_start3A_384 = tpu.memref_squeeze %dma_start3A_383 : memref<1x10000x128xf32, #tpu.memory_space<hbm>> -> memref<10000x128xf32, #tpu.memory_space<hbm>>
    %dma_start3A_385 = arith.constant 0 : i32
    %dma_start3A_386 = arith.constant 0 : i32
    %dma_start3A_387 = tpu.memref_slice %dma_start3A_384[%dma_start3A_385, %dma_start3A_386] : memref<10000x128xf32, #tpu.memory_space<hbm>> -> memref<10000x128xf32, #tpu.memory_space<hbm>>
    tpu.enqueue_indirect_dma source(%dma_start3A_387 : memref<10000x128xf32, #tpu.memory_space<hbm>>) target(%arg8 : memref<128x128xf32, #tpu.memory_space<vmem>>) offsets(%dma_start3A_380 : memref<128xi32, #tpu.memory_space<vmem>>) semaphore(%arg11 : memref<!tpu.dma_semaphore, #tpu.memory_space<semaphore_mem>>)
    %scan3A_388 = arith.constant 0 : i32
    %scan3A_389 = arith.constant 8 : i32
    %scan3A_390 = arith.addi %scan3A_388, %scan3A_389 : i32
    %scan3A_391 = arith.constant 1 : i32
    scf.for %scan3A_500 = %scan3A_388 to %scan3A_390 step %scan3A_391  : i32 {
      %mul3A_501 = arith.constant 1 : i32
      %mul3A_502 = arith.muli %scan3A_500, %mul3A_501 : i32
      %add3A_503 = arith.constant 0 : i32
      %add3A_504 = arith.addi %add3A_503, %mul3A_502 : i32
      %mul3A_505 = arith.constant 2 : i32
      %mul3A_506 = arith.muli %mul3A_505, %add3A_504 : i32
      %dma_wait3A_507 = arith.constant 0 : i32
      %dma_wait3A_508 = arith.constant 0 : i32
      %dma_wait3A_509 = tpu.memref_slice %arg6[%dma_wait3A_507, %dma_wait3A_508] : memref<16x128xi32, #tpu.memory_space<vmem>> -> memref<1x128xi32, #tpu.memory_space<vmem>>
      %dma_wait3A_510 = tpu.memref_squeeze %dma_wait3A_509 : memref<1x128xi32, #tpu.memory_space<vmem>> -> memref<128xi32, #tpu.memory_space<vmem>>
      %dma_wait3A_511 = arith.constant 0 : i32
      %dma_wait3A_512 = arith.constant 0 : i32
      %dma_wait3A_513 = tpu.memref_slice %arg2[%arg0, %dma_wait3A_511, %dma_wait3A_512] : memref<2x10000x128xf32, #tpu.memory_space<hbm>> -> memref<1x10000x128xf32, #tpu.memory_space<hbm>>
      %dma_wait3A_514 = tpu.memref_squeeze %dma_wait3A_513 : memref<1x10000x128xf32, #tpu.memory_space<hbm>> -> memref<10000x128xf32, #tpu.memory_space<hbm>>
      %dma_wait3A_515 = arith.constant 0 : i32
      %dma_wait3A_516 = arith.constant 0 : i32
      %dma_wait3A_517 = tpu.memref_slice %dma_wait3A_514[%dma_wait3A_515, %dma_wait3A_516] : memref<10000x128xf32, #tpu.memory_space<hbm>> -> memref<10000x128xf32, #tpu.memory_space<hbm>>
      tpu.wait_indirect_dma semaphore(%arg11 : memref<!tpu.dma_semaphore, #tpu.memory_space<semaphore_mem>>) src(%dma_wait3A_517 : memref<10000x128xf32, #tpu.memory_space<hbm>>) dst(%arg8 : memref<128x128xf32, #tpu.memory_space<vmem>>)
      %gt3A = arith.constant 0 : i32
      %gt3A_518 = arith.cmpi sgt, %add3A_504, %gt3A : i32
      %convert_element_type3A = arith.extui %gt3A_518 : i1 to i32
      %cond3A = arith.constant 0 : i32
      %cond3A_519 = arith.cmpi ne, %convert_element_type3A, %cond3A : i32
      scf.if %cond3A_519 {
        %dma_wait3A_568 = arith.constant 0 : i32
        %dma_wait3A_569 = arith.constant 0 : i32
        %dma_wait3A_570 = tpu.memref_slice %arg7[%dma_wait3A_568, %dma_wait3A_569] : memref<16x128xi32, #tpu.memory_space<vmem>> -> memref<1x128xi32, #tpu.memory_space<vmem>>
        %dma_wait3A_571 = tpu.memref_squeeze %dma_wait3A_570 : memref<1x128xi32, #tpu.memory_space<vmem>> -> memref<128xi32, #tpu.memory_space<vmem>>
        %dma_wait3A_572 = arith.constant 0 : i32
        %dma_wait3A_573 = arith.constant 0 : i32
        %dma_wait3A_574 = tpu.memref_slice %arg10[%dma_wait3A_572, %dma_wait3A_573] : memref<10240x128xf32, #tpu.memory_space<vmem_shared>> -> memref<10240x128xf32, #tpu.memory_space<vmem_shared>>
        tpu.wait_indirect_dma semaphore(%arg14 : memref<!tpu.dma_semaphore, #tpu.memory_space<semaphore_mem>>) src(%arg9 : memref<128x128xf32, #tpu.memory_space<vmem>>) dst(%dma_wait3A_574 : memref<10240x128xf32, #tpu.memory_space<vmem_shared>>)
      } else {
      }
      %add3A_520 = arith.constant 1 : i32
      %add3A_521 = arith.addi %mul3A_506, %add3A_520 : i32
      %dma_start3A_522 = arith.constant 0 : i32
      %dma_start3A_523 = tpu.memref_slice %arg6[%add3A_521, %dma_start3A_522] : memref<16x128xi32, #tpu.memory_space<vmem>> -> memref<1x128xi32, #tpu.memory_space<vmem>>
      %dma_start3A_524 = tpu.memref_squeeze %dma_start3A_523 : memref<1x128xi32, #tpu.memory_space<vmem>> -> memref<128xi32, #tpu.memory_space<vmem>>
      %dma_start3A_525 = arith.constant 0 : i32
      %dma_start3A_526 = arith.constant 0 : i32
      %dma_start3A_527 = tpu.memref_slice %arg2[%arg0, %dma_start3A_525, %dma_start3A_526] : memref<2x10000x128xf32, #tpu.memory_space<hbm>> -> memref<1x10000x128xf32, #tpu.memory_space<hbm>>
      %dma_start3A_528 = tpu.memref_squeeze %dma_start3A_527 : memref<1x10000x128xf32, #tpu.memory_space<hbm>> -> memref<10000x128xf32, #tpu.memory_space<hbm>>
      %dma_start3A_529 = arith.constant 0 : i32
      %dma_start3A_530 = arith.constant 0 : i32
      %dma_start3A_531 = tpu.memref_slice %dma_start3A_528[%dma_start3A_529, %dma_start3A_530] : memref<10000x128xf32, #tpu.memory_space<hbm>> -> memref<10000x128xf32, #tpu.memory_space<hbm>>
      tpu.enqueue_indirect_dma source(%dma_start3A_531 : memref<10000x128xf32, #tpu.memory_space<hbm>>) target(%arg9 : memref<128x128xf32, #tpu.memory_space<vmem>>) offsets(%dma_start3A_524 : memref<128xi32, #tpu.memory_space<vmem>>) semaphore(%arg12 : memref<!tpu.dma_semaphore, #tpu.memory_space<semaphore_mem>>)
      %dma_start3A_532 = arith.constant 0 : i32
      %dma_start3A_533 = tpu.memref_slice %arg7[%mul3A_506, %dma_start3A_532] : memref<16x128xi32, #tpu.memory_space<vmem>> -> memref<1x128xi32, #tpu.memory_space<vmem>>
      %dma_start3A_534 = tpu.memref_squeeze %dma_start3A_533 : memref<1x128xi32, #tpu.memory_space<vmem>> -> memref<128xi32, #tpu.memory_space<vmem>>
      %dma_start3A_535 = arith.constant 0 : i32
      %dma_start3A_536 = arith.constant 0 : i32
      %dma_start3A_537 = tpu.memref_slice %arg10[%dma_start3A_535, %dma_start3A_536] : memref<10240x128xf32, #tpu.memory_space<vmem_shared>> -> memref<10240x128xf32, #tpu.memory_space<vmem_shared>>
      tpu.enqueue_indirect_dma source(%arg8 : memref<128x128xf32, #tpu.memory_space<vmem>>) target(%dma_start3A_537 : memref<10240x128xf32, #tpu.memory_space<vmem_shared>>) offsets(%dma_start3A_534 : memref<128xi32, #tpu.memory_space<vmem>>) semaphore(%arg13 : memref<!tpu.dma_semaphore, #tpu.memory_space<semaphore_mem>>) {add = true}
      %dma_wait3A_538 = arith.constant 0 : i32
      %dma_wait3A_539 = arith.constant 0 : i32
      %dma_wait3A_540 = tpu.memref_slice %arg6[%dma_wait3A_538, %dma_wait3A_539] : memref<16x128xi32, #tpu.memory_space<vmem>> -> memref<1x128xi32, #tpu.memory_space<vmem>>
      %dma_wait3A_541 = tpu.memref_squeeze %dma_wait3A_540 : memref<1x128xi32, #tpu.memory_space<vmem>> -> memref<128xi32, #tpu.memory_space<vmem>>
      %dma_wait3A_542 = arith.constant 0 : i32
      %dma_wait3A_543 = arith.constant 0 : i32
      %dma_wait3A_544 = tpu.memref_slice %arg2[%arg0, %dma_wait3A_542, %dma_wait3A_543] : memref<2x10000x128xf32, #tpu.memory_space<hbm>> -> memref<1x10000x128xf32, #tpu.memory_space<hbm>>
      %dma_wait3A_545 = tpu.memref_squeeze %dma_wait3A_544 : memref<1x10000x128xf32, #tpu.memory_space<hbm>> -> memref<10000x128xf32, #tpu.memory_space<hbm>>
      %dma_wait3A_546 = arith.constant 0 : i32
      %dma_wait3A_547 = arith.constant 0 : i32
      %dma_wait3A_548 = tpu.memref_slice %dma_wait3A_545[%dma_wait3A_546, %dma_wait3A_547] : memref<10000x128xf32, #tpu.memory_space<hbm>> -> memref<10000x128xf32, #tpu.memory_space<hbm>>
      tpu.wait_indirect_dma semaphore(%arg12 : memref<!tpu.dma_semaphore, #tpu.memory_space<semaphore_mem>>) src(%dma_wait3A_548 : memref<10000x128xf32, #tpu.memory_space<hbm>>) dst(%arg9 : memref<128x128xf32, #tpu.memory_space<vmem>>)
      %dma_wait3A_549 = arith.constant 0 : i32
      %dma_wait3A_550 = arith.constant 0 : i32
      %dma_wait3A_551 = tpu.memref_slice %arg7[%dma_wait3A_549, %dma_wait3A_550] : memref<16x128xi32, #tpu.memory_space<vmem>> -> memref<1x128xi32, #tpu.memory_space<vmem>>
      %dma_wait3A_552 = tpu.memref_squeeze %dma_wait3A_551 : memref<1x128xi32, #tpu.memory_space<vmem>> -> memref<128xi32, #tpu.memory_space<vmem>>
      %dma_wait3A_553 = arith.constant 0 : i32
      %dma_wait3A_554 = arith.constant 0 : i32
      %dma_wait3A_555 = tpu.memref_slice %arg10[%dma_wait3A_553, %dma_wait3A_554] : memref<10240x128xf32, #tpu.memory_space<vmem_shared>> -> memref<10240x128xf32, #tpu.memory_space<vmem_shared>>
      tpu.wait_indirect_dma semaphore(%arg13 : memref<!tpu.dma_semaphore, #tpu.memory_space<semaphore_mem>>) src(%arg8 : memref<128x128xf32, #tpu.memory_space<vmem>>) dst(%dma_wait3A_555 : memref<10240x128xf32, #tpu.memory_space<vmem_shared>>)
      %lt3A = arith.constant 7 : i32
      %lt3A_556 = arith.cmpi slt, %add3A_504, %lt3A : i32
      %convert_element_type3A_557 = arith.extui %lt3A_556 : i1 to i32
      %cond3A_558 = arith.constant 0 : i32
      %cond3A_559 = arith.cmpi ne, %convert_element_type3A_557, %cond3A_558 : i32
      scf.if %cond3A_559 {
        %add3A_568 = arith.constant 2 : i32
        %add3A_569 = arith.addi %mul3A_506, %add3A_568 : i32
        %dma_start3A_570 = arith.constant 0 : i32
        %dma_start3A_571 = tpu.memref_slice %arg6[%add3A_569, %dma_start3A_570] : memref<16x128xi32, #tpu.memory_space<vmem>> -> memref<1x128xi32, #tpu.memory_space<vmem>>
        %dma_start3A_572 = tpu.memref_squeeze %dma_start3A_571 : memref<1x128xi32, #tpu.memory_space<vmem>> -> memref<128xi32, #tpu.memory_space<vmem>>
        %dma_start3A_573 = arith.constant 0 : i32
        %dma_start3A_574 = arith.constant 0 : i32
        %dma_start3A_575 = tpu.memref_slice %arg2[%arg0, %dma_start3A_573, %dma_start3A_574] : memref<2x10000x128xf32, #tpu.memory_space<hbm>> -> memref<1x10000x128xf32, #tpu.memory_space<hbm>>
        %dma_start3A_576 = tpu.memref_squeeze %dma_start3A_575 : memref<1x10000x128xf32, #tpu.memory_space<hbm>> -> memref<10000x128xf32, #tpu.memory_space<hbm>>
        %dma_start3A_577 = arith.constant 0 : i32
        %dma_start3A_578 = arith.constant 0 : i32
        %dma_start3A_579 = tpu.memref_slice %dma_start3A_576[%dma_start3A_577, %dma_start3A_578] : memref<10000x128xf32, #tpu.memory_space<hbm>> -> memref<10000x128xf32, #tpu.memory_space<hbm>>
        tpu.enqueue_indirect_dma source(%dma_start3A_579 : memref<10000x128xf32, #tpu.memory_space<hbm>>) target(%arg8 : memref<128x128xf32, #tpu.memory_space<vmem>>) offsets(%dma_start3A_572 : memref<128xi32, #tpu.memory_space<vmem>>) semaphore(%arg11 : memref<!tpu.dma_semaphore, #tpu.memory_space<semaphore_mem>>)
      } else {
      }
      %add3A_560 = arith.constant 1 : i32
      %add3A_561 = arith.addi %mul3A_506, %add3A_560 : i32
      %dma_start3A_562 = arith.constant 0 : i32
      %dma_start3A_563 = tpu.memref_slice %arg7[%add3A_561, %dma_start3A_562] : memref<16x128xi32, #tpu.memory_space<vmem>> -> memref<1x128xi32, #tpu.memory_space<vmem>>
      %dma_start3A_564 = tpu.memref_squeeze %dma_start3A_563 : memref<1x128xi32, #tpu.memory_space<vmem>> -> memref<128xi32, #tpu.memory_space<vmem>>
      %dma_start3A_565 = arith.constant 0 : i32
      %dma_start3A_566 = arith.constant 0 : i32
      %dma_start3A_567 = tpu.memref_slice %arg10[%dma_start3A_565, %dma_start3A_566] : memref<10240x128xf32, #tpu.memory_space<vmem_shared>> -> memref<10240x128xf32, #tpu.memory_space<vmem_shared>>
      tpu.enqueue_indirect_dma source(%arg9 : memref<128x128xf32, #tpu.memory_space<vmem>>) target(%dma_start3A_567 : memref<10240x128xf32, #tpu.memory_space<vmem_shared>>) offsets(%dma_start3A_564 : memref<128xi32, #tpu.memory_space<vmem>>) semaphore(%arg14 : memref<!tpu.dma_semaphore, #tpu.memory_space<semaphore_mem>>) {add = true}
    }
    %scan3A_392 = arith.constant 8 : i32
    %dma_wait3A_393 = arith.constant 0 : i32
    %dma_wait3A_394 = arith.constant 0 : i32
    %dma_wait3A_395 = tpu.memref_slice %arg7[%dma_wait3A_393, %dma_wait3A_394] : memref<16x128xi32, #tpu.memory_space<vmem>> -> memref<1x128xi32, #tpu.memory_space<vmem>>
    %dma_wait3A_396 = tpu.memref_squeeze %dma_wait3A_395 : memref<1x128xi32, #tpu.memory_space<vmem>> -> memref<128xi32, #tpu.memory_space<vmem>>
    %dma_wait3A_397 = arith.constant 0 : i32
    %dma_wait3A_398 = arith.constant 0 : i32
    %dma_wait3A_399 = tpu.memref_slice %arg10[%dma_wait3A_397, %dma_wait3A_398] : memref<10240x128xf32, #tpu.memory_space<vmem_shared>> -> memref<10240x128xf32, #tpu.memory_space<vmem_shared>>
    tpu.wait_indirect_dma semaphore(%arg14 : memref<!tpu.dma_semaphore, #tpu.memory_space<semaphore_mem>>) src(%arg9 : memref<128x128xf32, #tpu.memory_space<vmem>>) dst(%dma_wait3A_399 : memref<10240x128xf32, #tpu.memory_space<vmem_shared>>)
    %dma_start3A_400 = arith.constant 0 : i32
    %dma_start3A_401 = arith.constant 0 : i32
    %dma_start3A_402 = tpu.memref_slice %arg3[%add3A, %dma_start3A_400, %dma_start3A_401] : memref<32x80x128xi32, #tpu.memory_space<hbm>> -> memref<1x80x128xi32, #tpu.memory_space<hbm>>
    %dma_start3A_403 = tpu.memref_squeeze %dma_start3A_402 : memref<1x80x128xi32, #tpu.memory_space<hbm>> -> memref<80x128xi32, #tpu.memory_space<hbm>>
    %dma_start3A_404 = arith.constant 64 : i32
    %dma_start3A_405 = arith.constant 0 : i32
    %dma_start3A_406 = tpu.memref_slice %dma_start3A_403[%dma_start3A_404, %dma_start3A_405] : memref<80x128xi32, #tpu.memory_space<hbm>> -> memref<16x128xi32, #tpu.memory_space<hbm>>
    %dma_start3A_407 = arith.constant 0 : i32
    %dma_start3A_408 = arith.constant 0 : i32
    %dma_start3A_409 = tpu.memref_slice %arg3[%add3A, %dma_start3A_407, %dma_start3A_408] : memref<32x80x128xi32, #tpu.memory_space<hbm>> -> memref<1x80x128xi32, #tpu.memory_space<hbm>>
    %dma_start3A_410 = tpu.memref_squeeze %dma_start3A_409 : memref<1x80x128xi32, #tpu.memory_space<hbm>> -> memref<80x128xi32, #tpu.memory_space<hbm>>
    %dma_start3A_411 = arith.constant 64 : i32
    %dma_start3A_412 = arith.constant 0 : i32
    %dma_start3A_413 = tpu.memref_slice %dma_start3A_410[%dma_start3A_411, %dma_start3A_412] : memref<80x128xi32, #tpu.memory_space<hbm>> -> memref<16x128xi32, #tpu.memory_space<hbm>>
    tpu.enqueue_dma source(%dma_start3A_413 : memref<16x128xi32, #tpu.memory_space<hbm>>) target(%arg6 : memref<16x128xi32, #tpu.memory_space<vmem>>) target_semaphore(%arg15 : memref<!tpu.dma_semaphore, #tpu.memory_space<semaphore_mem>>)
    %dma_start3A_414 = arith.constant 0 : i32
    %dma_start3A_415 = arith.constant 0 : i32
    %dma_start3A_416 = tpu.memref_slice %arg4[%add3A, %dma_start3A_414, %dma_start3A_415] : memref<32x80x128xi32, #tpu.memory_space<hbm>> -> memref<1x80x128xi32, #tpu.memory_space<hbm>>
    %dma_start3A_417 = tpu.memref_squeeze %dma_start3A_416 : memref<1x80x128xi32, #tpu.memory_space<hbm>> -> memref<80x128xi32, #tpu.memory_space<hbm>>
    %dma_start3A_418 = arith.constant 64 : i32
    %dma_start3A_419 = arith.constant 0 : i32
    %dma_start3A_420 = tpu.memref_slice %dma_start3A_417[%dma_start3A_418, %dma_start3A_419] : memref<80x128xi32, #tpu.memory_space<hbm>> -> memref<16x128xi32, #tpu.memory_space<hbm>>
    %dma_start3A_421 = arith.constant 0 : i32
    %dma_start3A_422 = arith.constant 0 : i32
    %dma_start3A_423 = tpu.memref_slice %arg4[%add3A, %dma_start3A_421, %dma_start3A_422] : memref<32x80x128xi32, #tpu.memory_space<hbm>> -> memref<1x80x128xi32, #tpu.memory_space<hbm>>
    %dma_start3A_424 = tpu.memref_squeeze %dma_start3A_423 : memref<1x80x128xi32, #tpu.memory_space<hbm>> -> memref<80x128xi32, #tpu.memory_space<hbm>>
    %dma_start3A_425 = arith.constant 64 : i32
    %dma_start3A_426 = arith.constant 0 : i32
    %dma_start3A_427 = tpu.memref_slice %dma_start3A_424[%dma_start3A_425, %dma_start3A_426] : memref<80x128xi32, #tpu.memory_space<hbm>> -> memref<16x128xi32, #tpu.memory_space<hbm>>
    tpu.enqueue_dma source(%dma_start3A_427 : memref<16x128xi32, #tpu.memory_space<hbm>>) target(%arg7 : memref<16x128xi32, #tpu.memory_space<vmem>>) target_semaphore(%arg15 : memref<!tpu.dma_semaphore, #tpu.memory_space<semaphore_mem>>)
    %dma_wait3A_428 = arith.constant 0 : i32
    %dma_wait3A_429 = arith.constant 0 : i32
    %dma_wait3A_430 = tpu.memref_slice %arg3[%add3A, %dma_wait3A_428, %dma_wait3A_429] : memref<32x80x128xi32, #tpu.memory_space<hbm>> -> memref<1x80x128xi32, #tpu.memory_space<hbm>>
    %dma_wait3A_431 = tpu.memref_squeeze %dma_wait3A_430 : memref<1x80x128xi32, #tpu.memory_space<hbm>> -> memref<80x128xi32, #tpu.memory_space<hbm>>
    %dma_wait3A_432 = arith.constant 64 : i32
    %dma_wait3A_433 = arith.constant 0 : i32
    %dma_wait3A_434 = tpu.memref_slice %dma_wait3A_431[%dma_wait3A_432, %dma_wait3A_433] : memref<80x128xi32, #tpu.memory_space<hbm>> -> memref<16x128xi32, #tpu.memory_space<hbm>>
    %dma_wait3A_435 = arith.constant 0 : i32
    %dma_wait3A_436 = arith.constant 0 : i32
    %dma_wait3A_437 = tpu.memref_slice %arg3[%add3A, %dma_wait3A_435, %dma_wait3A_436] : memref<32x80x128xi32, #tpu.memory_space<hbm>> -> memref<1x80x128xi32, #tpu.memory_space<hbm>>
    %dma_wait3A_438 = tpu.memref_squeeze %dma_wait3A_437 : memref<1x80x128xi32, #tpu.memory_space<hbm>> -> memref<80x128xi32, #tpu.memory_space<hbm>>
    %dma_wait3A_439 = arith.constant 64 : i32
    %dma_wait3A_440 = arith.constant 0 : i32
    %dma_wait3A_441 = tpu.memref_slice %dma_wait3A_438[%dma_wait3A_439, %dma_wait3A_440] : memref<80x128xi32, #tpu.memory_space<hbm>> -> memref<16x128xi32, #tpu.memory_space<hbm>>
    tpu.wait_dma2 semaphore(%arg15 : memref<!tpu.dma_semaphore, #tpu.memory_space<semaphore_mem>>) src(%dma_wait3A_441 : memref<16x128xi32, #tpu.memory_space<hbm>>) dst(%arg6 : memref<16x128xi32, #tpu.memory_space<vmem>>)
    %dma_wait3A_442 = arith.constant 0 : i32
    %dma_wait3A_443 = arith.constant 0 : i32
    %dma_wait3A_444 = tpu.memref_slice %arg4[%add3A, %dma_wait3A_442, %dma_wait3A_443] : memref<32x80x128xi32, #tpu.memory_space<hbm>> -> memref<1x80x128xi32, #tpu.memory_space<hbm>>
    %dma_wait3A_445 = tpu.memref_squeeze %dma_wait3A_444 : memref<1x80x128xi32, #tpu.memory_space<hbm>> -> memref<80x128xi32, #tpu.memory_space<hbm>>
    %dma_wait3A_446 = arith.constant 64 : i32
    %dma_wait3A_447 = arith.constant 0 : i32
    %dma_wait3A_448 = tpu.memref_slice %dma_wait3A_445[%dma_wait3A_446, %dma_wait3A_447] : memref<80x128xi32, #tpu.memory_space<hbm>> -> memref<16x128xi32, #tpu.memory_space<hbm>>
    %dma_wait3A_449 = arith.constant 0 : i32
    %dma_wait3A_450 = arith.constant 0 : i32
    %dma_wait3A_451 = tpu.memref_slice %arg4[%add3A, %dma_wait3A_449, %dma_wait3A_450] : memref<32x80x128xi32, #tpu.memory_space<hbm>> -> memref<1x80x128xi32, #tpu.memory_space<hbm>>
    %dma_wait3A_452 = tpu.memref_squeeze %dma_wait3A_451 : memref<1x80x128xi32, #tpu.memory_space<hbm>> -> memref<80x128xi32, #tpu.memory_space<hbm>>
    %dma_wait3A_453 = arith.constant 64 : i32
    %dma_wait3A_454 = arith.constant 0 : i32
    %dma_wait3A_455 = tpu.memref_slice %dma_wait3A_452[%dma_wait3A_453, %dma_wait3A_454] : memref<80x128xi32, #tpu.memory_space<hbm>> -> memref<16x128xi32, #tpu.memory_space<hbm>>
    tpu.wait_dma2 semaphore(%arg15 : memref<!tpu.dma_semaphore, #tpu.memory_space<semaphore_mem>>) src(%dma_wait3A_455 : memref<16x128xi32, #tpu.memory_space<hbm>>) dst(%arg7 : memref<16x128xi32, #tpu.memory_space<vmem>>)
    %dma_start3A_456 = arith.constant 0 : i32
    %dma_start3A_457 = arith.constant 0 : i32
    %dma_start3A_458 = tpu.memref_slice %arg6[%dma_start3A_456, %dma_start3A_457] : memref<16x128xi32, #tpu.memory_space<vmem>> -> memref<1x128xi32, #tpu.memory_space<vmem>>
    %dma_start3A_459 = tpu.memref_squeeze %dma_start3A_458 : memref<1x128xi32, #tpu.memory_space<vmem>> -> memref<128xi32, #tpu.memory_space<vmem>>
    %dma_start3A_460 = arith.constant 0 : i32
    %dma_start3A_461 = arith.constant 0 : i32
    %dma_start3A_462 = tpu.memref_slice %arg2[%arg0, %dma_start3A_460, %dma_start3A_461] : memref<2x10000x128xf32, #tpu.memory_space<hbm>> -> memref<1x10000x128xf32, #tpu.memory_space<hbm>>
    %dma_start3A_463 = tpu.memref_squeeze %dma_start3A_462 : memref<1x10000x128xf32, #tpu.memory_space<hbm>> -> memref<10000x128xf32, #tpu.memory_space<hbm>>
    %dma_start3A_464 = arith.constant 0 : i32
    %dma_start3A_465 = arith.constant 0 : i32
    %dma_start3A_466 = tpu.memref_slice %dma_start3A_463[%dma_start3A_464, %dma_start3A_465] : memref<10000x128xf32, #tpu.memory_space<hbm>> -> memref<10000x128xf32, #tpu.memory_space<hbm>>
    tpu.enqueue_indirect_dma source(%dma_start3A_466 : memref<10000x128xf32, #tpu.memory_space<hbm>>) target(%arg8 : memref<128x128xf32, #tpu.memory_space<vmem>>) offsets(%dma_start3A_459 : memref<128xi32, #tpu.memory_space<vmem>>) semaphore(%arg11 : memref<!tpu.dma_semaphore, #tpu.memory_space<semaphore_mem>>)
    %scan3A_467 = arith.constant 0 : i32
    %scan3A_468 = arith.constant 8 : i32
    %scan3A_469 = arith.addi %scan3A_467, %scan3A_468 : i32
    %scan3A_470 = arith.constant 1 : i32
    scf.for %scan3A_500 = %scan3A_467 to %scan3A_469 step %scan3A_470  : i32 {
      %mul3A_501 = arith.constant 1 : i32
      %mul3A_502 = arith.muli %scan3A_500, %mul3A_501 : i32
      %add3A_503 = arith.constant 0 : i32
      %add3A_504 = arith.addi %add3A_503, %mul3A_502 : i32
      %mul3A_505 = arith.constant 2 : i32
      %mul3A_506 = arith.muli %mul3A_505, %add3A_504 : i32
      %dma_wait3A_507 = arith.constant 0 : i32
      %dma_wait3A_508 = arith.constant 0 : i32
      %dma_wait3A_509 = tpu.memref_slice %arg6[%dma_wait3A_507, %dma_wait3A_508] : memref<16x128xi32, #tpu.memory_space<vmem>> -> memref<1x128xi32, #tpu.memory_space<vmem>>
      %dma_wait3A_510 = tpu.memref_squeeze %dma_wait3A_509 : memref<1x128xi32, #tpu.memory_space<vmem>> -> memref<128xi32, #tpu.memory_space<vmem>>
      %dma_wait3A_511 = arith.constant 0 : i32
      %dma_wait3A_512 = arith.constant 0 : i32
      %dma_wait3A_513 = tpu.memref_slice %arg2[%arg0, %dma_wait3A_511, %dma_wait3A_512] : memref<2x10000x128xf32, #tpu.memory_space<hbm>> -> memref<1x10000x128xf32, #tpu.memory_space<hbm>>
      %dma_wait3A_514 = tpu.memref_squeeze %dma_wait3A_513 : memref<1x10000x128xf32, #tpu.memory_space<hbm>> -> memref<10000x128xf32, #tpu.memory_space<hbm>>
      %dma_wait3A_515 = arith.constant 0 : i32
      %dma_wait3A_516 = arith.constant 0 : i32
      %dma_wait3A_517 = tpu.memref_slice %dma_wait3A_514[%dma_wait3A_515, %dma_wait3A_516] : memref<10000x128xf32, #tpu.memory_space<hbm>> -> memref<10000x128xf32, #tpu.memory_space<hbm>>
      tpu.wait_indirect_dma semaphore(%arg11 : memref<!tpu.dma_semaphore, #tpu.memory_space<semaphore_mem>>) src(%dma_wait3A_517 : memref<10000x128xf32, #tpu.memory_space<hbm>>) dst(%arg8 : memref<128x128xf32, #tpu.memory_space<vmem>>)
      %gt3A = arith.constant 0 : i32
      %gt3A_518 = arith.cmpi sgt, %add3A_504, %gt3A : i32
      %convert_element_type3A = arith.extui %gt3A_518 : i1 to i32
      %cond3A = arith.constant 0 : i32
      %cond3A_519 = arith.cmpi ne, %convert_element_type3A, %cond3A : i32
      scf.if %cond3A_519 {
        %dma_wait3A_568 = arith.constant 0 : i32
        %dma_wait3A_569 = arith.constant 0 : i32
        %dma_wait3A_570 = tpu.memref_slice %arg7[%dma_wait3A_568, %dma_wait3A_569] : memref<16x128xi32, #tpu.memory_space<vmem>> -> memref<1x128xi32, #tpu.memory_space<vmem>>
        %dma_wait3A_571 = tpu.memref_squeeze %dma_wait3A_570 : memref<1x128xi32, #tpu.memory_space<vmem>> -> memref<128xi32, #tpu.memory_space<vmem>>
        %dma_wait3A_572 = arith.constant 0 : i32
        %dma_wait3A_573 = arith.constant 0 : i32
        %dma_wait3A_574 = tpu.memref_slice %arg10[%dma_wait3A_572, %dma_wait3A_573] : memref<10240x128xf32, #tpu.memory_space<vmem_shared>> -> memref<10240x128xf32, #tpu.memory_space<vmem_shared>>
        tpu.wait_indirect_dma semaphore(%arg14 : memref<!tpu.dma_semaphore, #tpu.memory_space<semaphore_mem>>) src(%arg9 : memref<128x128xf32, #tpu.memory_space<vmem>>) dst(%dma_wait3A_574 : memref<10240x128xf32, #tpu.memory_space<vmem_shared>>)
      } else {
      }
      %add3A_520 = arith.constant 1 : i32
      %add3A_521 = arith.addi %mul3A_506, %add3A_520 : i32
      %dma_start3A_522 = arith.constant 0 : i32
      %dma_start3A_523 = tpu.memref_slice %arg6[%add3A_521, %dma_start3A_522] : memref<16x128xi32, #tpu.memory_space<vmem>> -> memref<1x128xi32, #tpu.memory_space<vmem>>
      %dma_start3A_524 = tpu.memref_squeeze %dma_start3A_523 : memref<1x128xi32, #tpu.memory_space<vmem>> -> memref<128xi32, #tpu.memory_space<vmem>>
      %dma_start3A_525 = arith.constant 0 : i32
      %dma_start3A_526 = arith.constant 0 : i32
      %dma_start3A_527 = tpu.memref_slice %arg2[%arg0, %dma_start3A_525, %dma_start3A_526] : memref<2x10000x128xf32, #tpu.memory_space<hbm>> -> memref<1x10000x128xf32, #tpu.memory_space<hbm>>
      %dma_start3A_528 = tpu.memref_squeeze %dma_start3A_527 : memref<1x10000x128xf32, #tpu.memory_space<hbm>> -> memref<10000x128xf32, #tpu.memory_space<hbm>>
      %dma_start3A_529 = arith.constant 0 : i32
      %dma_start3A_530 = arith.constant 0 : i32
      %dma_start3A_531 = tpu.memref_slice %dma_start3A_528[%dma_start3A_529, %dma_start3A_530] : memref<10000x128xf32, #tpu.memory_space<hbm>> -> memref<10000x128xf32, #tpu.memory_space<hbm>>
      tpu.enqueue_indirect_dma source(%dma_start3A_531 : memref<10000x128xf32, #tpu.memory_space<hbm>>) target(%arg9 : memref<128x128xf32, #tpu.memory_space<vmem>>) offsets(%dma_start3A_524 : memref<128xi32, #tpu.memory_space<vmem>>) semaphore(%arg12 : memref<!tpu.dma_semaphore, #tpu.memory_space<semaphore_mem>>)
      %dma_start3A_532 = arith.constant 0 : i32
      %dma_start3A_533 = tpu.memref_slice %arg7[%mul3A_506, %dma_start3A_532] : memref<16x128xi32, #tpu.memory_space<vmem>> -> memref<1x128xi32, #tpu.memory_space<vmem>>
      %dma_start3A_534 = tpu.memref_squeeze %dma_start3A_533 : memref<1x128xi32, #tpu.memory_space<vmem>> -> memref<128xi32, #tpu.memory_space<vmem>>
      %dma_start3A_535 = arith.constant 0 : i32
      %dma_start3A_536 = arith.constant 0 : i32
      %dma_start3A_537 = tpu.memref_slice %arg10[%dma_start3A_535, %dma_start3A_536] : memref<10240x128xf32, #tpu.memory_space<vmem_shared>> -> memref<10240x128xf32, #tpu.memory_space<vmem_shared>>
      tpu.enqueue_indirect_dma source(%arg8 : memref<128x128xf32, #tpu.memory_space<vmem>>) target(%dma_start3A_537 : memref<10240x128xf32, #tpu.memory_space<vmem_shared>>) offsets(%dma_start3A_534 : memref<128xi32, #tpu.memory_space<vmem>>) semaphore(%arg13 : memref<!tpu.dma_semaphore, #tpu.memory_space<semaphore_mem>>) {add = true}
      %dma_wait3A_538 = arith.constant 0 : i32
      %dma_wait3A_539 = arith.constant 0 : i32
      %dma_wait3A_540 = tpu.memref_slice %arg6[%dma_wait3A_538, %dma_wait3A_539] : memref<16x128xi32, #tpu.memory_space<vmem>> -> memref<1x128xi32, #tpu.memory_space<vmem>>
      %dma_wait3A_541 = tpu.memref_squeeze %dma_wait3A_540 : memref<1x128xi32, #tpu.memory_space<vmem>> -> memref<128xi32, #tpu.memory_space<vmem>>
      %dma_wait3A_542 = arith.constant 0 : i32
      %dma_wait3A_543 = arith.constant 0 : i32
      %dma_wait3A_544 = tpu.memref_slice %arg2[%arg0, %dma_wait3A_542, %dma_wait3A_543] : memref<2x10000x128xf32, #tpu.memory_space<hbm>> -> memref<1x10000x128xf32, #tpu.memory_space<hbm>>
      %dma_wait3A_545 = tpu.memref_squeeze %dma_wait3A_544 : memref<1x10000x128xf32, #tpu.memory_space<hbm>> -> memref<10000x128xf32, #tpu.memory_space<hbm>>
      %dma_wait3A_546 = arith.constant 0 : i32
      %dma_wait3A_547 = arith.constant 0 : i32
      %dma_wait3A_548 = tpu.memref_slice %dma_wait3A_545[%dma_wait3A_546, %dma_wait3A_547] : memref<10000x128xf32, #tpu.memory_space<hbm>> -> memref<10000x128xf32, #tpu.memory_space<hbm>>
      tpu.wait_indirect_dma semaphore(%arg12 : memref<!tpu.dma_semaphore, #tpu.memory_space<semaphore_mem>>) src(%dma_wait3A_548 : memref<10000x128xf32, #tpu.memory_space<hbm>>) dst(%arg9 : memref<128x128xf32, #tpu.memory_space<vmem>>)
      %dma_wait3A_549 = arith.constant 0 : i32
      %dma_wait3A_550 = arith.constant 0 : i32
      %dma_wait3A_551 = tpu.memref_slice %arg7[%dma_wait3A_549, %dma_wait3A_550] : memref<16x128xi32, #tpu.memory_space<vmem>> -> memref<1x128xi32, #tpu.memory_space<vmem>>
      %dma_wait3A_552 = tpu.memref_squeeze %dma_wait3A_551 : memref<1x128xi32, #tpu.memory_space<vmem>> -> memref<128xi32, #tpu.memory_space<vmem>>
      %dma_wait3A_553 = arith.constant 0 : i32
      %dma_wait3A_554 = arith.constant 0 : i32
      %dma_wait3A_555 = tpu.memref_slice %arg10[%dma_wait3A_553, %dma_wait3A_554] : memref<10240x128xf32, #tpu.memory_space<vmem_shared>> -> memref<10240x128xf32, #tpu.memory_space<vmem_shared>>
      tpu.wait_indirect_dma semaphore(%arg13 : memref<!tpu.dma_semaphore, #tpu.memory_space<semaphore_mem>>) src(%arg8 : memref<128x128xf32, #tpu.memory_space<vmem>>) dst(%dma_wait3A_555 : memref<10240x128xf32, #tpu.memory_space<vmem_shared>>)
      %lt3A = arith.constant 7 : i32
      %lt3A_556 = arith.cmpi slt, %add3A_504, %lt3A : i32
      %convert_element_type3A_557 = arith.extui %lt3A_556 : i1 to i32
      %cond3A_558 = arith.constant 0 : i32
      %cond3A_559 = arith.cmpi ne, %convert_element_type3A_557, %cond3A_558 : i32
      scf.if %cond3A_559 {
        %add3A_568 = arith.constant 2 : i32
        %add3A_569 = arith.addi %mul3A_506, %add3A_568 : i32
        %dma_start3A_570 = arith.constant 0 : i32
        %dma_start3A_571 = tpu.memref_slice %arg6[%add3A_569, %dma_start3A_570] : memref<16x128xi32, #tpu.memory_space<vmem>> -> memref<1x128xi32, #tpu.memory_space<vmem>>
        %dma_start3A_572 = tpu.memref_squeeze %dma_start3A_571 : memref<1x128xi32, #tpu.memory_space<vmem>> -> memref<128xi32, #tpu.memory_space<vmem>>
        %dma_start3A_573 = arith.constant 0 : i32
        %dma_start3A_574 = arith.constant 0 : i32
        %dma_start3A_575 = tpu.memref_slice %arg2[%arg0, %dma_start3A_573, %dma_start3A_574] : memref<2x10000x128xf32, #tpu.memory_space<hbm>> -> memref<1x10000x128xf32, #tpu.memory_space<hbm>>
        %dma_start3A_576 = tpu.memref_squeeze %dma_start3A_575 : memref<1x10000x128xf32, #tpu.memory_space<hbm>> -> memref<10000x128xf32, #tpu.memory_space<hbm>>
        %dma_start3A_577 = arith.constant 0 : i32
        %dma_start3A_578 = arith.constant 0 : i32
        %dma_start3A_579 = tpu.memref_slice %dma_start3A_576[%dma_start3A_577, %dma_start3A_578] : memref<10000x128xf32, #tpu.memory_space<hbm>> -> memref<10000x128xf32, #tpu.memory_space<hbm>>
        tpu.enqueue_indirect_dma source(%dma_start3A_579 : memref<10000x128xf32, #tpu.memory_space<hbm>>) target(%arg8 : memref<128x128xf32, #tpu.memory_space<vmem>>) offsets(%dma_start3A_572 : memref<128xi32, #tpu.memory_space<vmem>>) semaphore(%arg11 : memref<!tpu.dma_semaphore, #tpu.memory_space<semaphore_mem>>)
      } else {
      }
      %add3A_560 = arith.constant 1 : i32
      %add3A_561 = arith.addi %mul3A_506, %add3A_560 : i32
      %dma_start3A_562 = arith.constant 0 : i32
      %dma_start3A_563 = tpu.memref_slice %arg7[%add3A_561, %dma_start3A_562] : memref<16x128xi32, #tpu.memory_space<vmem>> -> memref<1x128xi32, #tpu.memory_space<vmem>>
      %dma_start3A_564 = tpu.memref_squeeze %dma_start3A_563 : memref<1x128xi32, #tpu.memory_space<vmem>> -> memref<128xi32, #tpu.memory_space<vmem>>
      %dma_start3A_565 = arith.constant 0 : i32
      %dma_start3A_566 = arith.constant 0 : i32
      %dma_start3A_567 = tpu.memref_slice %arg10[%dma_start3A_565, %dma_start3A_566] : memref<10240x128xf32, #tpu.memory_space<vmem_shared>> -> memref<10240x128xf32, #tpu.memory_space<vmem_shared>>
      tpu.enqueue_indirect_dma source(%arg9 : memref<128x128xf32, #tpu.memory_space<vmem>>) target(%dma_start3A_567 : memref<10240x128xf32, #tpu.memory_space<vmem_shared>>) offsets(%dma_start3A_564 : memref<128xi32, #tpu.memory_space<vmem>>) semaphore(%arg14 : memref<!tpu.dma_semaphore, #tpu.memory_space<semaphore_mem>>) {add = true}
    }
    %scan3A_471 = arith.constant 8 : i32
    %dma_wait3A_472 = arith.constant 0 : i32
    %dma_wait3A_473 = arith.constant 0 : i32
    %dma_wait3A_474 = tpu.memref_slice %arg7[%dma_wait3A_472, %dma_wait3A_473] : memref<16x128xi32, #tpu.memory_space<vmem>> -> memref<1x128xi32, #tpu.memory_space<vmem>>
    %dma_wait3A_475 = tpu.memref_squeeze %dma_wait3A_474 : memref<1x128xi32, #tpu.memory_space<vmem>> -> memref<128xi32, #tpu.memory_space<vmem>>
    %dma_wait3A_476 = arith.constant 0 : i32
    %dma_wait3A_477 = arith.constant 0 : i32
    %dma_wait3A_478 = tpu.memref_slice %arg10[%dma_wait3A_476, %dma_wait3A_477] : memref<10240x128xf32, #tpu.memory_space<vmem_shared>> -> memref<10240x128xf32, #tpu.memory_space<vmem_shared>>
    tpu.wait_indirect_dma semaphore(%arg14 : memref<!tpu.dma_semaphore, #tpu.memory_space<semaphore_mem>>) src(%arg9 : memref<128x128xf32, #tpu.memory_space<vmem>>) dst(%dma_wait3A_478 : memref<10240x128xf32, #tpu.memory_space<vmem_shared>>)
    %barrier3A_479 = arith.constant 0 : index
    tpu.barrier barrier_id(%barrier3A_479)
    %mul3A_480 = arith.constant 640 : i32
    %mul3A_481 = arith.muli %arg1, %mul3A_480 : i32
    %mul3A_482 = arith.constant 640 : i32
    %mul3A_483 = arith.muli %arg1, %mul3A_482 : i32
    %dma_start3A_484 = arith.constant 0 : i32
    %dma_start3A_485 = arith.constant 0 : i32
    %dma_start3A_486 = tpu.memref_slice %arg5[%arg0, %dma_start3A_484, %dma_start3A_485] : memref<2x10240x128xf32, #tpu.memory_space<hbm>> -> memref<1x10240x128xf32, #tpu.memory_space<hbm>>
    %dma_start3A_487 = tpu.memref_squeeze %dma_start3A_486 : memref<1x10240x128xf32, #tpu.memory_space<hbm>> -> memref<10240x128xf32, #tpu.memory_space<hbm>>
    %dma_start3A_488 = arith.constant 0 : i32
    %dma_start3A_489 = tpu.memref_slice %dma_start3A_487[%mul3A_483, %dma_start3A_488] : memref<10240x128xf32, #tpu.memory_space<hbm>> -> memref<640x128xf32, #tpu.memory_space<hbm>>
    %dma_start3A_490 = arith.constant 0 : i32
    %dma_start3A_491 = tpu.memref_slice %arg10[%mul3A_481, %dma_start3A_490] : memref<10240x128xf32, #tpu.memory_space<vmem_shared>> -> memref<640x128xf32, #tpu.memory_space<vmem_shared>>
    tpu.enqueue_dma source(%dma_start3A_491 : memref<640x128xf32, #tpu.memory_space<vmem_shared>>) target(%dma_start3A_489 : memref<640x128xf32, #tpu.memory_space<hbm>>) target_semaphore(%arg15 : memref<!tpu.dma_semaphore, #tpu.memory_space<semaphore_mem>>)
    %dma_wait3A_492 = arith.constant 0 : i32
    %dma_wait3A_493 = arith.constant 0 : i32
    %dma_wait3A_494 = tpu.memref_slice %arg5[%arg0, %dma_wait3A_492, %dma_wait3A_493] : memref<2x10240x128xf32, #tpu.memory_space<hbm>> -> memref<1x10240x128xf32, #tpu.memory_space<hbm>>
    %dma_wait3A_495 = tpu.memref_squeeze %dma_wait3A_494 : memref<1x10240x128xf32, #tpu.memory_space<hbm>> -> memref<10240x128xf32, #tpu.memory_space<hbm>>
    %dma_wait3A_496 = arith.constant 0 : i32
    %dma_wait3A_497 = tpu.memref_slice %dma_wait3A_495[%mul3A_483, %dma_wait3A_496] : memref<10240x128xf32, #tpu.memory_space<hbm>> -> memref<640x128xf32, #tpu.memory_space<hbm>>
    %dma_wait3A_498 = arith.constant 0 : i32
    %dma_wait3A_499 = tpu.memref_slice %arg10[%mul3A_481, %dma_wait3A_498] : memref<10240x128xf32, #tpu.memory_space<vmem_shared>> -> memref<640x128xf32, #tpu.memory_space<vmem_shared>>
    tpu.wait_dma2 semaphore(%arg15 : memref<!tpu.dma_semaphore, #tpu.memory_space<semaphore_mem>>) src(%dma_wait3A_499 : memref<640x128xf32, #tpu.memory_space<vmem_shared>>) dst(%dma_wait3A_497 : memref<640x128xf32, #tpu.memory_space<hbm>>)
    return
  }
}

module attributes {stable_mosaic.version = 14 : i64} {
  func.func @body(%arg0: i32, %arg1: memref<1000x128xf32, #tpu.memory_space<vmem>>, %arg2: memref<128x128xf32, #tpu.memory_space<vmem>>, %arg3: memref<1000x128xf32, #tpu.memory_space<vmem>>) attributes {dimension_semantics = [#tpu.dimension_semantics<arbitrary>], iteration_bounds = array<i64: 10>, scalar_prefetch = 0 : i64, scratch_operands = 0 : i64, tpu.core_type = #tpu.core_type<tc>, window_params = [{transform_indices = @transform_0, window_bounds = array<i64: 1000, 128>}, {pipeline_mode = #tpu.pipeline_mode<synchronous>, transform_indices = @transform_1, window_bounds = array<i64: 128, 128>}, {transform_indices = @transform_2, window_bounds = array<i64: 1000, 128>}]} {
    %get3A = arith.constant 0 : index
    %get3A_0 = arith.constant 0 : index
    %get3A_1 = vector.load %arg1[%get3A, %get3A_0] : memref<1000x128xf32, #tpu.memory_space<vmem>>, vector<1000x128xf32>
    %get3A_2 = arith.constant 0 : index
    %get3A_3 = arith.constant 0 : index
    %get3A_4 = vector.load %arg2[%get3A_2, %get3A_3] : memref<128x128xf32, #tpu.memory_space<vmem>>, vector<128x128xf32>
    %dot_general3A = arith.constant dense<0.000000e+00> : vector<1000x128xf32>
    %dot_general3A_5 = tpu.matmul %get3A_1, %get3A_4, %dot_general3A {dimension_numbers = #tpu.dot_dimension_numbers<[1], [0], [0], [1], [0, 0, 1, 1], [], []>, precision = #tpu.contract_precision<fp32>, transpose_lhs_hint = false} : vector<1000x128xf32>, vector<128x128xf32>, vector<1000x128xf32> -> vector<1000x128xf32>
    %swap3A = arith.constant 0 : index
    %swap3A_6 = arith.constant 0 : index
    %swap3A_7 = vector.load %arg3[%swap3A, %swap3A_6] : memref<1000x128xf32, #tpu.memory_space<vmem>>, vector<1000x128xf32>
    tpu.vector_store %arg3[%swap3A, %swap3A_6], %dot_general3A_5 {strides = array<i32>} : memref<1000x128xf32, #tpu.memory_space<vmem>>, vector<1000x128xf32>,
    return
  }
  func.func @transform_0(%arg0: i32) -> (i32, i32) {
    %c0_i32 = arith.constant 0 : i32
    %c0_i32_0 = arith.constant 0 : i32
    return %arg0, %c0_i32 : i32, i32
  }
  func.func @transform_1(%arg0: i32) -> (i32, i32) {
    %c0_i32 = arith.constant 0 : i32
    %c0_i32_0 = arith.constant 0 : i32
    %c0_i32_1 = arith.constant 0 : i32
    return %c0_i32, %c0_i32_0 : i32, i32
  }
  func.func @transform_2(%arg0: i32) -> (i32, i32) {
    %c0_i32 = arith.constant 0 : i32
    %c0_i32_0 = arith.constant 0 : i32
    return %arg0, %c0_i32 : i32, i32
  }
}

module attributes {stable_mosaic.version = 14 : i64} {
  func.func @body(%arg0: memref<32x10240xf32, #tpu.memory_space<vmem>>, %arg1: memref<10240x1xf32, #tpu.memory_space<vmem>>) attributes {dimension_semantics = [], scalar_prefetch = 0 : i64, scratch_operands = 0 : i64, tpu.core_type = #tpu.core_type<tc>} {
    %get3A = arith.constant 0 : index
    %get3A_0 = arith.constant 0 : index
    %get3A_1 = vector.load %arg0[%get3A, %get3A_0] : memref<32x10240xf32, #tpu.memory_space<vmem>>, vector<32x10240xf32>
    %reduce_sum3A = arith.constant dense<0.000000e+00> : vector<10240xf32>
    %reduce_sum3A_2 = vector.multi_reduction <add>, %get3A_1, %reduce_sum3A [0] : vector<32x10240xf32> to vector<10240xf32>
    %add3A = arith.constant 1.000000e+00 : f32
    %add3A_3 = vector.broadcast %add3A : f32 to vector<10240xf32>
    %add3A_4 = arith.addf %reduce_sum3A_2, %add3A_3 : vector<10240xf32>
    %rsqrt3A = math.rsqrt %add3A_4 : vector<10240xf32>
    %broadcast_in_dim3A = vector.shape_cast %rsqrt3A : vector<10240xf32> to vector<10240x1xf32>
    %swap3A = arith.constant 0 : index
    %swap3A_5 = arith.constant 0 : index
    %swap3A_6 = vector.load %arg1[%swap3A, %swap3A_5] : memref<10240x1xf32, #tpu.memory_space<vmem>>, vector<10240x1xf32>
    tpu.vector_store %arg1[%swap3A, %swap3A_5], %broadcast_in_dim3A {strides = array<i32>} : memref<10240x1xf32, #tpu.memory_space<vmem>>, vector<10240x1xf32>,
    return
  }
}

module attributes {stable_mosaic.version = 14 : i64} {
  func.func @body(%arg0: i32, %arg1: memref<1000x128xf32, #tpu.memory_space<vmem>>, %arg2: memref<1000x1xf32, #tpu.memory_space<vmem>>, %arg3: memref<2x1000x128xf32, #tpu.memory_space<vmem>>) attributes {dimension_semantics = [#tpu.dimension_semantics<arbitrary>], iteration_bounds = array<i64: 10>, scalar_prefetch = 0 : i64, scratch_operands = 0 : i64, tpu.core_type = #tpu.core_type<tc>, window_params = [{transform_indices = @transform_0, window_bounds = array<i64: 1000, 128>}, {transform_indices = @transform_1, window_bounds = array<i64: 1000, 1>}, {transform_indices = @transform_2, window_bounds = array<i64: 2, 1000, 128>}]} {
    %get3A = arith.constant 0 : index
    %get3A_0 = arith.constant 0 : index
    %get3A_1 = vector.load %arg1[%get3A, %get3A_0] : memref<1000x128xf32, #tpu.memory_space<vmem>>, vector<1000x128xf32>
    %get3A_2 = arith.constant 0 : index
    %get3A_3 = arith.constant 0 : index
    %get3A_4 = vector.load %arg2[%get3A_2, %get3A_3] : memref<1000x1xf32, #tpu.memory_space<vmem>>, vector<1000x1xf32>
    %mul3A = vector.broadcast %get3A_4 : vector<1000x1xf32> to vector<1000x128xf32>
    %mul3A_5 = arith.mulf %get3A_1, %mul3A : vector<1000x128xf32>
    %broadcast_in_dim3A = vector.shape_cast %mul3A_5 : vector<1000x128xf32> to vector<1x1000x128xf32>
    %broadcast_in_dim3A_6 = vector.shape_cast %broadcast_in_dim3A : vector<1x1000x128xf32> to vector<1x1000x128xf32>
    %broadcast_in_dim3A_7 = vector.broadcast %broadcast_in_dim3A_6 : vector<1x1000x128xf32> to vector<2x1000x128xf32>
    %swap3A = arith.constant 0 : index
    %swap3A_8 = arith.constant 0 : index
    %swap3A_9 = arith.constant 0 : index
    %swap3A_10 = vector.load %arg3[%swap3A, %swap3A_8, %swap3A_9] : memref<2x1000x128xf32, #tpu.memory_space<vmem>>, vector<2x1000x128xf32>
    tpu.vector_store %arg3[%swap3A, %swap3A_8, %swap3A_9], %broadcast_in_dim3A_7 {strides = array<i32>} : memref<2x1000x128xf32, #tpu.memory_space<vmem>>, vector<2x1000x128xf32>,
    return
  }
  func.func @transform_0(%arg0: i32) -> (i32, i32) {
    %c0_i32 = arith.constant 0 : i32
    %c0_i32_0 = arith.constant 0 : i32
    return %arg0, %c0_i32 : i32, i32
  }
  func.func @transform_1(%arg0: i32) -> (i32, i32) {
    %c0_i32 = arith.constant 0 : i32
    %c0_i32_0 = arith.constant 0 : i32
    return %arg0, %c0_i32 : i32, i32
  }
  func.func @transform_2(%arg0: i32) -> (i32, i32, i32) {
    %c0_i32 = arith.constant 0 : i32
    %c0_i32_0 = arith.constant 0 : i32
    %c0_i32_1 = arith.constant 0 : i32
    return %c0_i32, %arg0, %c0_i32_0 : i32, i32, i32
  }
}

module attributes {stable_mosaic.version = 14 : i64} {
  func.func @body(%arg0: i32, %arg1: memref<2x1000x128xf32, #tpu.memory_space<vmem>>, %arg2: memref<1x1000x128xf32, #tpu.memory_space<vmem>>, %arg3: memref<1000x1xf32, #tpu.memory_space<vmem>>, %arg4: memref<1x128xf32, #tpu.memory_space<vmem>>, %arg5: memref<1x128xf32, #tpu.memory_space<vmem>>, %arg6: memref<1000x128xf32, #tpu.memory_space<vmem>>) attributes {dimension_semantics = [#tpu.dimension_semantics<arbitrary>], iteration_bounds = array<i64: 10>, scalar_prefetch = 0 : i64, scratch_operands = 0 : i64, tpu.core_type = #tpu.core_type<tc>, window_params = [{transform_indices = @transform_0, window_bounds = array<i64: 2, 1000, 128>}, {transform_indices = @transform_1, window_bounds = array<i64: 1, 1000, 128>}, {transform_indices = @transform_2, window_bounds = array<i64: 1000, 1>}, {pipeline_mode = #tpu.pipeline_mode<synchronous>, transform_indices = @transform_3, window_bounds = array<i64: 1, 128>}, {pipeline_mode = #tpu.pipeline_mode<synchronous>, transform_indices = @transform_4, window_bounds = array<i64: 1, 128>}, {transform_indices = @transform_5, window_bounds = array<i64: 1000, 128>}]} {
    %get3A = arith.constant 0 : index
    %get3A_0 = arith.constant 0 : index
    %get3A_1 = arith.constant 0 : index
    %get3A_2 = vector.load %arg1[%get3A, %get3A_0, %get3A_1] : memref<2x1000x128xf32, #tpu.memory_space<vmem>>, vector<1x1000x128xf32>
    %get3A_3 = vector.shape_cast %get3A_2 : vector<1x1000x128xf32> to vector<1000x128xf32>
    %get3A_4 = arith.constant 1 : index
    %get3A_5 = arith.constant 0 : index
    %get3A_6 = arith.constant 0 : index
    %get3A_7 = vector.load %arg1[%get3A_4, %get3A_5, %get3A_6] : memref<2x1000x128xf32, #tpu.memory_space<vmem>>, vector<1x1000x128xf32>
    %get3A_8 = vector.shape_cast %get3A_7 : vector<1x1000x128xf32> to vector<1000x128xf32>
    %add3A = arith.addf %get3A_3, %get3A_8 : vector<1000x128xf32>
    %get3A_9 = arith.constant 0 : index
    %get3A_10 = arith.constant 0 : index
    %get3A_11 = arith.constant 0 : index
    %get3A_12 = vector.load %arg2[%get3A_9, %get3A_10, %get3A_11] : memref<1x1000x128xf32, #tpu.memory_space<vmem>>, vector<1x1000x128xf32>
    %get3A_13 = vector.shape_cast %get3A_12 : vector<1x1000x128xf32> to vector<1000x128xf32>
    %add3A_14 = arith.addf %add3A, %get3A_13 : vector<1000x128xf32>
    %get3A_15 = arith.constant 0 : index
    %get3A_16 = arith.constant 0 : index
    %get3A_17 = vector.load %arg3[%get3A_15, %get3A_16] : memref<1000x1xf32, #tpu.memory_space<vmem>>, vector<1000x1xf32>
    %mul3A = vector.broadcast %get3A_17 : vector<1000x1xf32> to vector<1000x128xf32>
    %mul3A_18 = arith.mulf %mul3A, %add3A_14 : vector<1000x128xf32>
    %get3A_19 = arith.constant 0 : index
    %get3A_20 = arith.constant 0 : index
    %get3A_21 = vector.load %arg4[%get3A_19, %get3A_20] : memref<1x128xf32, #tpu.memory_space<vmem>>, vector<1x128xf32>
    %add3A_22 = vector.broadcast %get3A_21 : vector<1x128xf32> to vector<1000x128xf32>
    %add3A_23 = arith.addf %mul3A_18, %add3A_22 : vector<1000x128xf32>
    %gt3A = arith.constant 0.000000e+00 : f32
    %gt3A_24 = vector.broadcast %gt3A : f32 to vector<1000x128xf32>
    %gt3A_25 = arith.cmpf ogt, %add3A_23, %gt3A_24 : vector<1000x128xf32>
    %get3A_26 = arith.constant 0 : index
    %get3A_27 = arith.constant 0 : index
    %get3A_28 = vector.load %arg5[%get3A_26, %get3A_27] : memref<1x128xf32, #tpu.memory_space<vmem>>, vector<1x128xf32>
    %mul3A_29 = vector.broadcast %get3A_28 : vector<1x128xf32> to vector<1000x128xf32>
    %mul3A_30 = arith.mulf %mul3A_29, %add3A_23 : vector<1000x128xf32>
    %select_n3A = arith.select %gt3A_25, %add3A_23, %mul3A_30 : vector<1000x128xi1>, vector<1000x128xf32>
    %swap3A = arith.constant 0 : index
    %swap3A_31 = arith.constant 0 : index
    %swap3A_32 = vector.load %arg6[%swap3A, %swap3A_31] : memref<1000x128xf32, #tpu.memory_space<vmem>>, vector<1000x128xf32>
    tpu.vector_store %arg6[%swap3A, %swap3A_31], %select_n3A {strides = array<i32>} : memref<1000x128xf32, #tpu.memory_space<vmem>>, vector<1000x128xf32>,
    return
  }
  func.func @transform_0(%arg0: i32) -> (i32, i32, i32) {
    %c0_i32 = arith.constant 0 : i32
    %c0_i32_0 = arith.constant 0 : i32
    %c0_i32_1 = arith.constant 0 : i32
    return %c0_i32, %arg0, %c0_i32_0 : i32, i32, i32
  }
  func.func @transform_1(%arg0: i32) -> (i32, i32, i32) {
    %c0_i32 = arith.constant 0 : i32
    %c0_i32_0 = arith.constant 0 : i32
    %c0_i32_1 = arith.constant 0 : i32
    return %c0_i32, %arg0, %c0_i32_0 : i32, i32, i32
  }
  func.func @transform_2(%arg0: i32) -> (i32, i32) {
    %c0_i32 = arith.constant 0 : i32
    %c0_i32_0 = arith.constant 0 : i32
    return %arg0, %c0_i32 : i32, i32
  }
  func.func @transform_3(%arg0: i32) -> (i32, i32) {
    %c0_i32 = arith.constant 0 : i32
    %c0_i32_0 = arith.constant 0 : i32
    %c0_i32_1 = arith.constant 0 : i32
    return %c0_i32, %c0_i32_0 : i32, i32
  }
  func.func @transform_4(%arg0: i32) -> (i32, i32) {
    %c0_i32 = arith.constant 0 : i32
    %c0_i32_0 = arith.constant 0 : i32
    %c0_i32_1 = arith.constant 0 : i32
    return %c0_i32, %c0_i32_0 : i32, i32
  }
  func.func @transform_5(%arg0: i32) -> (i32, i32) {
    %c0_i32 = arith.constant 0 : i32
    %c0_i32_0 = arith.constant 0 : i32
    return %arg0, %c0_i32 : i32, i32
  }
}

</mosaic_0001>

<sc_bundles>
// kernel: kernel.11.cloned.1.call-start
scs
__scs_entry_jumppad:
0x0: {  	(pc) =	sbr.rel $0x88, $3  }
0x1: {  	(tag) =	ssettag $0x0;
	lr =	simm.s32 $0x1  }
0x2: {  	[smem:$0x3F9C] =	sst lr;
	_ =	strace $0xD0000000  }
0x3: {  	_ = 	snop  }
0x4: {  	_ = 	snop  }
0x5: {  	_ = 	snop  }
0x6: {  	_ = 	snop  }
0x7: {  	_ = 	snop  }
__scs_overlays_trampoline_lowered:
0x8: {  	[smem:$0x3FAB] =	sst s0  }
0x9: {  	[smem:$0x3FAC] =	sst s1  }
0xa: {  	[smem:$0x3FAD] =	sst s2  }
0xb: {  	[smem:$0x3FAE] =	sst s3  }
0xc: {  	[smem:$0x3FAF] =	sst s4  }
0xd: {  	[smem:$0x3FB0] =	sst s5  }
0xe: {  	[smem:$0x3FB1] =	sst s6  }
0xf: {  	[smem:$0x3FB2] =	sst s7  }
0x10: {  	[smem:$0x3FB3] =	sst s8  }
0x11: {  	[smem:$0x3FB4] =	sst s9;
	s0 =	simm.s32 @!p0 $0x0  }
0x12: {  	s1 =	sld [smem:$0x3F9A];
	s0 =	simm.s32 @p0 $0x1  }
0x13: {  	[smem:$0x3FB5] =	sst s0;
	s0 =	simm.s32 @!p1 $0x0  }
0x14: {  	s2 =	sld [smem:$0x3F99];
	s0 =	simm.s32 @p1 $0x1  }
0x15: {  	[smem:$0x3FB6] =	sst s0;
	s0 =	simm.s32 @!p2 $0x0  }
0x16: {  	s3 =	sld [smem:$0x3FDB];
	s0 =	simm.s32 @p2 $0x1  }
0x17: {  	s4 =	simm.s32 $0x1BF5;
	[smem:$0x3FB8] =	sst s0  }
0x18: {  	s0 =	sld [smem:$0x3F9B];
	_ =	swait.ge [sflag:s4], $0x0  }
0x19: {  	s7 =	sld [smem:$0x3F9C]  }
0x1a: {  	s8 =	sadd.s32 $0xFFFFE003, lr  }
0x1b: {  	s9 =	sadd.s32 $0xFFFFFEF7, lr;
	s5 =	simm.s32 $0xFFFFFFFF;
	p2 =	slt.u32 s8, $0xFFFFF086  }
0x1c: {  	p1 =	slt.u32 s9, $0xF7A;
	s5 =	simm.s32 @!p2 $0x0  }
0x1d: {  	s5 =	simm.s32 @p1 $0x1;
	p0 =	seq.s32 s7, s2  }
0x1e: {  	s7 =	smul.u32 @!p0 $0xF7A, s2;
	p2 =	seq.s32 @!p0 s5, $0x0  }
0x1f: {  	s9 =	smul.u32 $0xF7A, s1;
	s8 =	simm.s32 @!p0 $0x1BF5;
	p2 =	por !p2, p0  }
0x20: {  	[sflag:s8] =	ssyncset.s32 @!p0 $0xFFFFF086;
	s6 =	sadd.s32 @!p0 s3, s7;
	s7 =	simm.s32 @!p0 $0x108  }
0x21: {  	s3 =	sadd.s32 s3, s9;
	s6 =	sadd.s32 @!p0 $0x88, s6;
	s7 =	simm.s32 @p2 $0x1082  }
0x22: {  	[simem:s7], [sflag:s8] =	dma.local @!p0 [hbm:s6], $0xF7A  }
0x23: {  	s9 =	sor.u32 $0xD0000000, s2;
	s6 =	simm.s32 $0x108;
	_ =	swait.ge @!p0 [sflag:s8], $0x0  }
0x24: {  	s3 =	sadd.s32 $0x88, s3;
	s6 =	simm.s32 @!p1 $0x1082;
	[sflag:s4] =	ssyncset.s32 $0xFFFFF086  }
0x25: {  	[simem:s6], [sflag:s4] =	dma.local [hbm:s3], $0xF7A  }
0x26: {  	[smem:$0x3F9C] =	sst s1;
	(tag) =	ssettag s2;
	_ =	strace s9  }
0x27: {  	s1 =	sld [smem:$0x3FAC]  }
0x28: {  	s2 =	sld [smem:$0x3FAD]  }
0x29: {  	s4 =	sld [smem:$0x3FAF]  }
0x2a: {  	p0 =	seq.s32 s5, $0x0;
	s5 =	sld [smem:$0x3FB0]  }
0x2b: {  	s6 =	sld [smem:$0x3FB1]  }
0x2c: {  	s7 =	sld [smem:$0x3FB2]  }
0x2d: {  	s3 =	simm.s32 $0x108;
	s8 =	sld [smem:$0x3FB3]  }
0x2e: {  	s3 =	simm.s32 @!p0 $0x1082;
	s9 =	sld [smem:$0x3FB4]  }
0x2f: {  	lr =	sadd.s32 s0, s3;
	s0 =	sld [smem:$0x3FAB]  }
0x30: {  	s3 =	sld [smem:$0x3FAE]  }
0x31: {  	[smem:$0x3FB7] =	sst s10  }
0x32: {  	s10 =	sld [smem:$0x3FB5];
	_ =	sdelay $0x3  }
0x33: {  	p0 =	seq.s32 s10, $0x1;
	s10 =	sld [smem:$0x3FB7];
	_ =	sdelay $0x3  }
0x34: {  	[smem:$0x3FB7] =	sst s10  }
0x35: {  	s10 =	sld [smem:$0x3FB6];
	_ =	sdelay $0x3  }
0x36: {  	p1 =	seq.s32 s10, $0x1;
	s10 =	sld [smem:$0x3FB7];
	_ =	sdelay $0x3  }
0x37: {  	[smem:$0x3FB7] =	sst s10  }
0x38: {  	s10 =	sld [smem:$0x3FB8]  }
0x39: {  	_ = 	snop;
	(pc) =	sbr.ind lr, $3  }
0x3a: {  	_ = 	snop  }
0x3b: {  	_ = 	snop  }
0x3c: {  	p2 =	seq.s32 s10, $0x1;
	s10 =	sld [smem:$0x3FB7]  }
0x3d: {  	_ =	shalt  }
0x3e: {  	_ =	shalt  }
0x3f: {  	_ =	shalt  }
0x40: {  	_ =	shalt  }
0x41: {  	_ =	shalt  }
0x42: {  	_ =	shalt  }
0x43: {  	_ =	shalt  }
0x44: {  	_ =	shalt  }
0x45: {  	_ =	shalt  }
0x46: {  	_ =	shalt  }
0x47: {  	_ =	shalt  }
0x48: {  	_ =	shalt  }
0x49: {  	_ =	shalt  }
0x4a: {  	_ =	shalt  }
0x4b: {  	_ =	shalt  }
0x4c: {  	_ =	shalt  }
0x4d: {  	_ =	shalt  }
0x4e: {  	_ =	shalt  }
0x4f: {  	_ =	shalt  }
0x50: {  	_ =	shalt  }
0x51: {  	_ =	shalt  }
0x52: {  	_ =	shalt  }
0x53: {  	_ =	shalt  }
0x54: {  	_ =	shalt  }
0x55: {  	_ =	shalt  }
0x56: {  	_ =	shalt  }
0x57: {  	_ =	shalt  }
0x58: {  	_ =	shalt  }
0x59: {  	_ =	shalt  }
0x5a: {  	_ =	shalt  }
0x5b: {  	_ =	shalt  }
0x5c: {  	_ =	shalt  }
0x5d: {  	_ =	shalt  }
0x5e: {  	_ =	shalt  }
0x5f: {  	_ =	shalt  }
0x60: {  	_ =	shalt  }
0x61: {  	_ =	shalt  }
0x62: {  	_ =	shalt  }
0x63: {  	_ =	shalt  }
0x64: {  	_ =	shalt  }
0x65: {  	_ =	shalt  }
0x66: {  	_ =	shalt  }
0x67: {  	_ =	shalt  }
0x68: {  	_ =	shalt  }
0x69: {  	_ =	shalt  }
0x6a: {  	_ =	shalt  }
0x6b: {  	_ =	shalt  }
0x6c: {  	_ =	shalt  }
0x6d: {  	_ =	shalt  }
0x6e: {  	_ =	shalt  }
0x6f: {  	_ =	shalt  }
0x70: {  	_ =	shalt  }
0x71: {  	_ =	shalt  }
0x72: {  	_ =	shalt  }
0x73: {  	_ =	shalt  }
0x74: {  	_ =	shalt  }
0x75: {  	_ =	shalt  }
0x76: {  	_ =	shalt  }
0x77: {  	_ =	shalt  }
0x78: {  	_ =	shalt  }
0x79: {  	_ =	shalt  }
0x7a: {  	_ =	shalt  }
0x7b: {  	_ =	shalt  }
0x7c: {  	_ =	shalt  }
0x7d: {  	_ =	shalt  }
0x7e: {  	_ =	shalt  }
0x7f: {  	_ =	shalt  }
0x80: {  	_ =	shalt  }
0x81: {  	_ =	shalt  }
0x82: {  	_ =	shalt  }
0x83: {  	_ =	shalt  }
0x84: {  	_ =	shalt  }
0x85: {  	_ =	shalt  }
0x86: {  	_ =	shalt  }
0x87: {  	_ =	shalt  }
.Lfunc_end0:
.L_simem_size_0:
called_computation.1_lowered:
.L_overlay_start_0:
0x88: {  	s2 =	sld [smem:$0x3FD9]  }
0x89: {  	s3 =	sld [smem:$0x3FFE];
	_ =	sdelay $0x1  }
0x8a: {  	s1 =	srdreg.scid  }
0x8b: {  	s0 =	sand.u32 $0x1, s1  }
0x8c: {  	s16 =	sshll.u32 s0, $0xA;
	s2 =	sadd.s32 s3, s2  }
0x8d: {  	s2 =	sadd.s32 s2, s16  }
0x8e: {  	[smem:$0x3FC3] =	sst s2  }
0x8f: {  	_ = 	snop  }
0x90: {  	(tm) =	ssettm $0x1  }
0x91: {  	s17 =	sld [smem:$0x3FFB];
	_ =	sdelay $0x3  }
0x92: {  	_ =	strace s17  }
0x93: {  	s2 =	sld [smem:$0x3FFC];
	_ =	sdelay $0x3  }
0x94: {  	_ =	strace s2  }
0x95: {  	s2 =	sld [smem:$0x3FFD];
	_ =	sdelay $0x3  }
0x96: {  	_ =	strace s2  }
0x97: {  	_ =	strace $0x8FFFFFFF  }
0x98: {  	s18 =	sld [smem:$0x3FDB];
	_ =	sdelay $0x1  }
0x99: {  	s19 =	simm.s32 $_scs_section_size  }
0x9a: {  	s4 =	simm.s32 $_size__tile_overlayer_lowered;
	s5 =	simm.s32 $_tile_overlayer_lowered  }
0x9b: {  	s22 =	simm.s32 $0x1BFF;
	s21 =	sshll.u32 s5, $0x1;
	s2 =	sadd.s32 s19, s18  }
0x9c: {  	s6 =	simm.s32 $0x0;
	s20 =	sshll.u32 s4, $0x1;
	s4 =	sadd.s32 s21, s2  }
0x9d: {  	[timem:s6], [sflag:s22] =	dma.local [hbm:s4], s20  }
0x9e: {  	_ =	swait.ge [sflag:s22], s20  }
0x9f: {  	s3 =	ssub.s32 $0x0, s20;
	[sflag:s22] =	ssyncset.done $0x0  }
0xa0: {  	[sflag:s22] =	ssyncadd.s32 s3;
	_ =	sdelay $0x1  }
0xa1: {  	s23 =	simm.s32 $0x1B8B  }
0xa2: {  	_ =	swait.ge [sflag:s23], $0x1  }
0xa3: {  	[sflag:s23] =	ssyncset.done $0x0  }
0xa4: {  	s25 =	simm.s32 $0x1B8E;
	s24 =	sld [smem:$0x3FFE];
	[sflag:s23] =	ssyncadd.s32 $0xFFFFFFFF  }
0xa5: {  	s26 =	simm.s32 $execute0_lowered;
	[smem:$0x3FD2] =	sst s25  }
0xa6: {  	s4 =	sshll.u32 s26, $0x1;
	_ =	strace $0x80000049;
	[dreg:$0x1] =	wrdreg $0xFFFFFFFF  }
0xa7: {  	s28 =	simm.s32 $_size_execute0_lowered;
	s2 =	sadd.s32 s2, s4;
	[dreg:$0x0] =	wrdreg $0x0  }
0xa8: {  	s4 =	sshll.u32 s28, $0x1;
	[dreg:$0x2] =	wrdreg s2  }
0xa9: {  	[dreg:$0x3] =	wrdreg s4  }
0xaa: {  	[dreg:$0x4] =	wrdreg $0xC0  }
0xab: {  	_ =	task [dreg:s6], $0x5FFFF  }
0xac: {  	[dreg:$0x1] =	wrdreg $0xFFFFFFFF  }
0xad: {  	[dreg:$0x0] =	wrdreg $0x60  }
0xae: {  	[dreg:$0x2] =	wrdreg s24  }
0xaf: {  	[dreg:$0x3] =	wrdreg $0x90000  }
0xb0: {  	[dreg:$0x4] =	wrdreg $0x9  }
0xb1: {  	_ =	task.clear_ibuf [dreg:s6], $0x5FFFF;
	_ =	strace $0x90000049  }
0xb2: {  	s29 =	simm.s32 $0x9;
	_ =	strace $0x8000004B  }
0xb3: {  	_ =	swait.ge [sflag:s29], $0x1  }
0xb4: {  	[sflag:s29] =	ssyncadd.s32 $0xFFFFFFFF  }
0xb5: {  	_ =	strace $0x9000004B  }
0xb6: {  	_ =	sfence  }
0xb7: {  	s30 =	sld [smem:$0x0];
	_ =	sdelay $0x2  }
0xb8: {  	s31 =	sshll.u32 s1, $0xD;
	s1 =	sshrl.u32 s1, $0x2  }
0xb9: {  	s3 =	sand.u32 $0x4000, s31;
	s1 =	sadd.s32 s1, s30  }
0xba: {  	s0 =	sor.u32 s3, s0;
	s1 =	sshll.u32 s1, $0x11  }
0xbb: {  	s0 =	sor.u32 s1, s0  }
0xbc: {  	s0 =	sadd.s32 $0x8F2B, s0  }
0xbd: {  	[sflag:s0] =	ssyncadd.remote.s32 $0x1  }
0xbe: {  	_ =	sfence.sel $0xFFFF  }
0xbf: {  	[dreg:$0x0] =	wrdreg $0xFFFFFFFF;
	(pc) =	sbr.abs _section_cstart, $3  }
0xc0: {  	[dreg:$0x1] =	wrdreg $0xFFFFFFFF  }
0xc1: {  	_ =	task.clear_ibuf [dreg:s6], $0x2FFFF;
	_ =	strace $0x9FFFFFFF  }
0xc2: {  	(tm) =	ssettm $0x7FFFFFFF  }
0xc3: {  	_ =	shalt  }
tec
execute0_lowered:
.L_overlay_start_1:
0x0: {  	(tag) =	ssettag $0x1  }
0x1: {  	s0 =	srdreg.scid  }
0x2: {  	s8 =	stileid.u32;
	s1 =	rddreg [dreg:$0x0]  }
0x3: {  	s2 =	rddreg [dreg:$0x1];
	s9 =	simm.s32 $0x0;
	s13 =	simm.s32 $0x1000  }
0x4: {  	s14 =	simm.s32 $0x5;
	s16 =	simm.s32 $0x80;
	s17 =	simm.s32 $0x1  }
0x5: {  	s18 =	simm.s32 $0x5000;
	s19 =	simm.s32 $0x2;
	s6 =	smul.u32 $0x50000, s8  }
0x6: {  	s20 =	simm.s32 $0x3;
	s0 =	sand.u32 $0x1, s0;
	s30 =	smul.u32 $0x2800, s8  }
0x7: {  	s3 =	sshll.u32 s8, $0x1;
	[smem:$0x7FF] =	sst s9;
	s4 =	smul.u32 $0x27100, s0  }
0x8: {  	s5 =	sor.u32 s0, s3;
	_ =	strace $0x8000004A;
	s6 =	sshrl.u32 s6, $0x2  }
0x9: {  	s7 =	smul.u32 $0x28000, s0;
	s0 =	ssub.s32 $0x2, s0;
	s6 =	sadd.s32 s6, s2  }
0xa: {  	s5 =	smul.u32 $0x500, s5;
	s25 =	sadd.s32 $0x4000, s6;
	[dreg:$0x3] =	wrdreg s6  }
0xb: {  	s24 =	sshrl.u32 s0, $0x1;
	s26 =	sadd.s32 $0x8000, s6;
	[dreg:$0x4] =	wrdreg s25  }
0xc: {  	s4 =	sadd.s32 s4, s1;
	s28 =	sadd.s32 $0xC000, s6;
	[dreg:$0x5] =	wrdreg s26  }
0xd: {  	s0 =	ssub.s32 s0, s24;
	s6 =	sadd.s32 $0x10000, s6;
	[dreg:$0x6] =	wrdreg s28  }
0xe: {  	s5 =	sadd.s32 s5, s1;
	s0 =	smax.u32 s0, $0x1;
	[dreg:$0x7] =	wrdreg s6  }
0xf: {  	s1 =	sadd.s32 s7, s1;
	s29 =	sadd.s32 $0x16000, s5;
	[dreg:$0x8] =	wrdreg s0  }
0x10: {  	s5 =	sadd.s32 $0x2000, s5;
	s1 =	sadd.s32 $0x6E200, s1;
	[dreg:$0xa] =	wrdreg s29  }
0x11: {  	s23 =	simm.s32 $0x4;
	[dreg:$0xb] =	wrdreg s5;
	s31 =	sadd.s32 s30, s1  }
0x12: {  	v0 =	vimm.f32 $0.0e+00;
	s11 =	sadd.s32 $0x20000, s4;
	s7 =	simm.s32 $0x0;
	[dreg:$0x9] =	wrdreg s31  }
.LBB2_1:
0x13: {  	s8 =	simm.s32 $0x0;
	s12 =	simm.s32 $0x200  }
.LBB2_2:
0x14: {  	p0 =	sne.s32 s12, $0xFE00;
	[tilespmem:s8+$0x1070] =	vst v0  }
0x15: {  	[tilespmem:s8+$0x1000] =	vst v0  }
0x16: {  	[tilespmem:s8+$0x1010] =	vst v0  }
.Ltmp0:
0x17: {  	[tilespmem:s8+$0x1020] =	vst v0;
	(pc) =	sbr.rel @p0 .LBB2_2-.Ltmp0, $4  }
0x18: {  	[tilespmem:s8+$0x1030] =	vst v0  }
0x19: {  	[tilespmem:s8+$0x1040] =	vst v0  }
0x1a: {  	[tilespmem:s8+$0x1050] =	vst v0  }
0x1b: {  	[tilespmem:s8+$0x1060] =	vst v0;
	s8 =	sshra.s32 s12, $0x2;
	s12 =	sadd.s32 $0x200, s12  }
0x1c: {  	[tilespmem:s8+$0x1070] =	vst v0  }
0x1d: {  	[tilespmem:s8+$0x1000] =	vst v0  }
0x1e: {  	[tilespmem:s8+$0x1010] =	vst v0  }
0x1f: {  	[tilespmem:s8+$0x1020] =	vst v0  }
0x20: {  	[tilespmem:s8+$0x1030] =	vst v0  }
0x21: {  	[tilespmem:s8+$0x1040] =	vst v0  }
0x22: {  	[tilespmem:s8+$0x1050] =	vst v0  }
0x23: {  	[tilespmem:s8+$0x1060] =	vst v0;
	s0 =	rddreg [dreg:$0x3]  }
0x24: {  	[spmem:s0] =	stream.linear.scatter [tilespmem:s13], [sflag:$0x5], $0x4000, $0x38;
	[tilespmem:$0x1D000] =	vst v63  }
0x25: {  	s15 =	rddreg [dreg:$0x4]  }
0x26: {  	[spmem:s15] =	stream.linear.scatter [tilespmem:s13], [sflag:$0x5], $0x4000, $0x38;
	[tilespmem:$0x1D000] =	vst v63  }
0x27: {  	s21 =	rddreg [dreg:$0x5]  }
0x28: {  	[spmem:s21] =	stream.linear.scatter [tilespmem:s13], [sflag:$0x5], $0x4000, $0x38;
	[tilespmem:$0x1D000] =	vst v63  }
0x29: {  	s22 =	rddreg [dreg:$0x6]  }
0x2a: {  	[spmem:s22] =	stream.linear.scatter [tilespmem:s13], [sflag:$0x5], $0x4000, $0x38;
	[tilespmem:$0x1D000] =	vst v63  }
0x2b: {  	s24 =	rddreg [dreg:$0x7]  }
0x2c: {  	[spmem:s24] =	stream.linear.scatter [tilespmem:s13], [sflag:$0x5], $0x4000, $0x38;
	[tilespmem:$0x1D000] =	vst v63  }
0x2d: {  	_ =	swait.ge [sflag:s14], $0x4000  }
0x2e: {  	[sflag:s14] =	ssyncset.done $0x0  }
0x2f: {  	[sflag:s14] =	ssyncadd.s32 $0xFFFFC000  }
0x30: {  	_ =	swait.ge [sflag:s14], $0x4000  }
0x31: {  	[sflag:s14] =	ssyncset.done $0x0  }
0x32: {  	[sflag:s14] =	ssyncadd.s32 $0xFFFFC000  }
0x33: {  	_ =	swait.ge [sflag:s14], $0x4000  }
0x34: {  	[sflag:s14] =	ssyncset.done $0x0  }
0x35: {  	[sflag:s14] =	ssyncadd.s32 $0xFFFFC000  }
0x36: {  	_ =	swait.ge [sflag:s14], $0x4000  }
0x37: {  	[sflag:s14] =	ssyncset.done $0x0  }
0x38: {  	[sflag:s14] =	ssyncadd.s32 $0xFFFFC000  }
0x39: {  	_ =	swait.ge [sflag:s14], $0x4000  }
0x3a: {  	[sflag:s14] =	ssyncset.done $0x0  }
0x3b: {  	[sflag:s14] =	ssyncadd.s32 $0xFFFFC000  }
0x3c: {  	[bflag:$0x0] =	sbarrier.arrive $0xFFFF  }
0x3d: {  	s10 =	rddreg [dreg:$0xa]  }
0x3e: {  	[tilespmem:s9], [sflag:$0x5] =	stream.linear.gather [hbm4b:s10+s9], $0x800, $0x38;
	[tilespmem:$0x1D000] =	vst v63  }
0x3f: {  	s1 =	simm.s32 $0x800;
	s15 =	rddreg [dreg:$0xb]  }
0x40: {  	[tilespmem:s1], [sflag:$0x5] =	stream.linear.gather [hbm4b:s15+s9], $0x800, $0x38;
	[tilespmem:$0x1D000] =	vst v63  }
0x41: {  	_ =	swait.ge [sflag:s14], $0x800  }
0x42: {  	[sflag:s14] =	ssyncset.done $0x0  }
0x43: {  	[sflag:s14] =	ssyncadd.s32 $0xFFFFF800  }
0x44: {  	_ =	swait.ge [sflag:s14], $0x800  }
0x45: {  	[sflag:s14] =	ssyncset.done $0x0  }
0x46: {  	[sflag:s14] =	ssyncadd.s32 $0xFFFFF800  }
0x47: {  	[tilespmem:s13], [sflag:$0x1] =	stream.indirect.gather [hbm4b:s11+s16], $0x80, s9, s16, $0xb8;
	[tilespmem:$0x1D000] =	vst v63  }
0x48: {  	_ =	swait.ge [sflag:s17], $0x4000  }
0x49: {  	[sflag:s17] =	ssyncset.done $0x0  }
0x4a: {  	[sflag:s17] =	ssyncadd.s32 $0xFFFFC000  }
0x4b: {  	[tilespmem:s18], [sflag:$0x2] =	stream.indirect.gather [hbm4b:s11+s16], $0x80, s16, s16, $0xb8;
	[tilespmem:$0x1D000] =	vst v63  }
0x4c: {  	_ = 	snop  }
0x4d: {  	[spmem:s2] =	stream.indirect.scatter.add.f32 [tilespmem:s13], [sflag:$0x3], $0x80, s1, s16, $0xb8;
	[tilespmem:$0x1D000] =	vst v63  }
0x4e: {  	_ =	swait.ge [sflag:s19], $0x4000  }
0x4f: {  	[sflag:s19] =	ssyncset.done $0x0  }
0x50: {  	[sflag:s19] =	ssyncadd.s32 $0xFFFFC000  }
0x51: {  	_ =	swait.ge [sflag:s20], $0x4000  }
0x52: {  	[sflag:s20] =	ssyncset.done $0x0  }
0x53: {  	s25 =	simm.s32 $0x100;
	[sflag:s20] =	ssyncadd.s32 $0xFFFFC000  }
0x54: {  	[tilespmem:s13], [sflag:$0x1] =	stream.indirect.gather [hbm4b:s11+s16], $0x80, s25, s16, $0xb8;
	[tilespmem:$0x1D000] =	vst v63  }
0x55: {  	s26 =	simm.s32 $0x880  }
0x56: {  	[spmem:s2] =	stream.indirect.scatter.add.f32 [tilespmem:s18], [sflag:$0x4], $0x80, s26, s16, $0xb8;
	[tilespmem:$0x1D000] =	vst v63  }
0x57: {  	_ =	swait.ge [sflag:s17], $0x4000  }
0x58: {  	[sflag:s17] =	ssyncset.done $0x0  }
0x59: {  	[sflag:s17] =	ssyncadd.s32 $0xFFFFC000  }
0x5a: {  	_ =	swait.ge [sflag:s23], $0x4000  }
0x5b: {  	[sflag:s23] =	ssyncset.done $0x0  }
0x5c: {  	s28 =	simm.s32 $0x180;
	[sflag:s23] =	ssyncadd.s32 $0xFFFFC000  }
0x5d: {  	[tilespmem:s18], [sflag:$0x2] =	stream.indirect.gather [hbm4b:s11+s16], $0x80, s28, s16, $0xb8;
	[tilespmem:$0x1D000] =	vst v63  }
0x5e: {  	s29 =	simm.s32 $0x900  }
0x5f: {  	[spmem:s2] =	stream.indirect.scatter.add.f32 [tilespmem:s13], [sflag:$0x3], $0x80, s29, s16, $0xb8;
	[tilespmem:$0x1D000] =	vst v63  }
0x60: {  	_ =	swait.ge [sflag:s19], $0x4000  }
0x61: {  	[sflag:s19] =	ssyncset.done $0x0  }
0x62: {  	[sflag:s19] =	ssyncadd.s32 $0xFFFFC000  }
0x63: {  	_ =	swait.ge [sflag:s20], $0x4000  }
0x64: {  	[sflag:s20] =	ssyncset.done $0x0  }
0x65: {  	s30 =	simm.s32 $0x200;
	[sflag:s20] =	ssyncadd.s32 $0xFFFFC000  }
0x66: {  	[tilespmem:s13], [sflag:$0x1] =	stream.indirect.gather [hbm4b:s11+s16], $0x80, s30, s16, $0xb8;
	[tilespmem:$0x1D000] =	vst v63  }
0x67: {  	s31 =	simm.s32 $0x980  }
0x68: {  	[spmem:s2] =	stream.indirect.scatter.add.f32 [tilespmem:s18], [sflag:$0x4], $0x80, s31, s16, $0xb8;
	[tilespmem:$0x1D000] =	vst v63  }
0x69: {  	_ =	swait.ge [sflag:s17], $0x4000  }
0x6a: {  	[sflag:s17] =	ssyncset.done $0x0  }
0x6b: {  	[sflag:s17] =	ssyncadd.s32 $0xFFFFC000  }
0x6c: {  	_ =	swait.ge [sflag:s23], $0x4000  }
0x6d: {  	[sflag:s23] =	ssyncset.done $0x0  }
0x6e: {  	s4 =	simm.s32 $0x280;
	[sflag:s23] =	ssyncadd.s32 $0xFFFFC000  }
0x6f: {  	[tilespmem:s18], [sflag:$0x2] =	stream.indirect.gather [hbm4b:s11+s16], $0x80, s4, s16, $0xb8;
	[tilespmem:$0x1D000] =	vst v63  }
0x70: {  	s5 =	simm.s32 $0xA00  }
0x71: {  	[spmem:s2] =	stream.indirect.scatter.add.f32 [tilespmem:s13], [sflag:$0x3], $0x80, s5, s16, $0xb8;
	[tilespmem:$0x1D000] =	vst v63  }
0x72: {  	_ =	swait.ge [sflag:s19], $0x4000  }
0x73: {  	[sflag:s19] =	ssyncset.done $0x0  }
0x74: {  	[sflag:s19] =	ssyncadd.s32 $0xFFFFC000  }
0x75: {  	_ =	swait.ge [sflag:s20], $0x4000  }
0x76: {  	[sflag:s20] =	ssyncset.done $0x0  }
0x77: {  	s6 =	simm.s32 $0x300;
	[sflag:s20] =	ssyncadd.s32 $0xFFFFC000  }
0x78: {  	[tilespmem:s13], [sflag:$0x1] =	stream.indirect.gather [hbm4b:s11+s16], $0x80, s6, s16, $0xb8;
	[tilespmem:$0x1D000] =	vst v63  }
0x79: {  	s8 =	simm.s32 $0xA80  }
0x7a: {  	[spmem:s2] =	stream.indirect.scatter.add.f32 [tilespmem:s18], [sflag:$0x4], $0x80, s8, s16, $0xb8;
	[tilespmem:$0x1D000] =	vst v63  }
0x7b: {  	_ =	swait.ge [sflag:s17], $0x4000  }
0x7c: {  	[sflag:s17] =	ssyncset.done $0x0  }
0x7d: {  	[sflag:s17] =	ssyncadd.s32 $0xFFFFC000  }
0x7e: {  	_ =	swait.ge [sflag:s23], $0x4000  }
0x7f: {  	[sflag:s23] =	ssyncset.done $0x0  }
0x80: {  	s12 =	simm.s32 $0x380;
	[sflag:s23] =	ssyncadd.s32 $0xFFFFC000  }
0x81: {  	[tilespmem:s18], [sflag:$0x2] =	stream.indirect.gather [hbm4b:s11+s16], $0x80, s12, s16, $0xb8;
	[tilespmem:$0x1D000] =	vst v63  }
0x82: {  	s24 =	simm.s32 $0xB00  }
0x83: {  	[spmem:s2] =	stream.indirect.scatter.add.f32 [tilespmem:s13], [sflag:$0x3], $0x80, s24, s16, $0xb8;
	[tilespmem:$0x1D000] =	vst v63  }
0x84: {  	_ =	swait.ge [sflag:s19], $0x4000  }
0x85: {  	[sflag:s19] =	ssyncset.done $0x0  }
0x86: {  	[sflag:s19] =	ssyncadd.s32 $0xFFFFC000  }
0x87: {  	_ =	swait.ge [sflag:s20], $0x4000  }
0x88: {  	[sflag:s20] =	ssyncset.done $0x0  }
0x89: {  	s26 =	simm.s32 $0x400;
	[sflag:s20] =	ssyncadd.s32 $0xFFFFC000  }
0x8a: {  	[tilespmem:s13], [sflag:$0x1] =	stream.indirect.gather [hbm4b:s11+s16], $0x80, s26, s16, $0xb8;
	[tilespmem:$0x1D000] =	vst v63  }
0x8b: {  	s29 =	simm.s32 $0xB80  }
0x8c: {  	[spmem:s2] =	stream.indirect.scatter.add.f32 [tilespmem:s18], [sflag:$0x4], $0x80, s29, s16, $0xb8;
	[tilespmem:$0x1D000] =	vst v63  }
0x8d: {  	_ =	swait.ge [sflag:s17], $0x4000  }
0x8e: {  	[sflag:s17] =	ssyncset.done $0x0  }
0x8f: {  	[sflag:s17] =	ssyncadd.s32 $0xFFFFC000  }
0x90: {  	_ =	swait.ge [sflag:s23], $0x4000  }
0x91: {  	[sflag:s23] =	ssyncset.done $0x0  }
0x92: {  	s31 =	simm.s32 $0x480;
	[sflag:s23] =	ssyncadd.s32 $0xFFFFC000  }
0x93: {  	[tilespmem:s18], [sflag:$0x2] =	stream.indirect.gather [hbm4b:s11+s16], $0x80, s31, s16, $0xb8;
	[tilespmem:$0x1D000] =	vst v63  }
0x94: {  	s4 =	simm.s32 $0xC00  }
0x95: {  	[spmem:s2] =	stream.indirect.scatter.add.f32 [tilespmem:s13], [sflag:$0x3], $0x80, s4, s16, $0xb8;
	[tilespmem:$0x1D000] =	vst v63  }
0x96: {  	_ =	swait.ge [sflag:s19], $0x4000  }
0x97: {  	[sflag:s19] =	ssyncset.done $0x0  }
0x98: {  	[sflag:s19] =	ssyncadd.s32 $0xFFFFC000  }
0x99: {  	_ =	swait.ge [sflag:s20], $0x4000  }
0x9a: {  	[sflag:s20] =	ssyncset.done $0x0  }
0x9b: {  	s5 =	simm.s32 $0x500;
	[sflag:s20] =	ssyncadd.s32 $0xFFFFC000  }
0x9c: {  	[tilespmem:s13], [sflag:$0x1] =	stream.indirect.gather [hbm4b:s11+s16], $0x80, s5, s16, $0xb8;
	[tilespmem:$0x1D000] =	vst v63  }
0x9d: {  	s6 =	simm.s32 $0xC80  }
0x9e: {  	[spmem:s2] =	stream.indirect.scatter.add.f32 [tilespmem:s18], [sflag:$0x4], $0x80, s6, s16, $0xb8;
	[tilespmem:$0x1D000] =	vst v63  }
0x9f: {  	_ =	swait.ge [sflag:s17], $0x4000  }
0xa0: {  	[sflag:s17] =	ssyncset.done $0x0  }
0xa1: {  	[sflag:s17] =	ssyncadd.s32 $0xFFFFC000  }
0xa2: {  	_ =	swait.ge [sflag:s23], $0x4000  }
0xa3: {  	[sflag:s23] =	ssyncset.done $0x0  }
0xa4: {  	s12 =	simm.s32 $0x580;
	[sflag:s23] =	ssyncadd.s32 $0xFFFFC000  }
0xa5: {  	[tilespmem:s18], [sflag:$0x2] =	stream.indirect.gather [hbm4b:s11+s16], $0x80, s12, s16, $0xb8;
	[tilespmem:$0x1D000] =	vst v63  }
0xa6: {  	s29 =	simm.s32 $0xD00  }
0xa7: {  	[spmem:s2] =	stream.indirect.scatter.add.f32 [tilespmem:s13], [sflag:$0x3], $0x80, s29, s16, $0xb8;
	[tilespmem:$0x1D000] =	vst v63  }
0xa8: {  	_ =	swait.ge [sflag:s19], $0x4000  }
0xa9: {  	[sflag:s19] =	ssyncset.done $0x0  }
0xaa: {  	[sflag:s19] =	ssyncadd.s32 $0xFFFFC000  }
0xab: {  	_ =	swait.ge [sflag:s20], $0x4000  }
0xac: {  	[sflag:s20] =	ssyncset.done $0x0  }
0xad: {  	s31 =	simm.s32 $0x600;
	[sflag:s20] =	ssyncadd.s32 $0xFFFFC000  }
0xae: {  	[tilespmem:s13], [sflag:$0x1] =	stream.indirect.gather [hbm4b:s11+s16], $0x80, s31, s16, $0xb8;
	[tilespmem:$0x1D000] =	vst v63  }
0xaf: {  	s0 =	simm.s32 $0xD80  }
0xb0: {  	[spmem:s2] =	stream.indirect.scatter.add.f32 [tilespmem:s18], [sflag:$0x4], $0x80, s0, s16, $0xb8;
	[tilespmem:$0x1D000] =	vst v63  }
0xb1: {  	_ =	swait.ge [sflag:s17], $0x4000  }
0xb2: {  	[sflag:s17] =	ssyncset.done $0x0  }
0xb3: {  	[sflag:s17] =	ssyncadd.s32 $0xFFFFC000  }
0xb4: {  	_ =	swait.ge [sflag:s23], $0x4000  }
0xb5: {  	[sflag:s23] =	ssyncset.done $0x0  }
0xb6: {  	s4 =	simm.s32 $0x680;
	[sflag:s23] =	ssyncadd.s32 $0xFFFFC000  }
0xb7: {  	[tilespmem:s18], [sflag:$0x2] =	stream.indirect.gather [hbm4b:s11+s16], $0x80, s4, s16, $0xb8;
	[tilespmem:$0x1D000] =	vst v63  }
0xb8: {  	s5 =	simm.s32 $0xE00  }
0xb9: {  	[spmem:s2] =	stream.indirect.scatter.add.f32 [tilespmem:s13], [sflag:$0x3], $0x80, s5, s16, $0xb8;
	[tilespmem:$0x1D000] =	vst v63  }
0xba: {  	_ =	swait.ge [sflag:s19], $0x4000  }
0xbb: {  	[sflag:s19] =	ssyncset.done $0x0  }
0xbc: {  	[sflag:s19] =	ssyncadd.s32 $0xFFFFC000  }
0xbd: {  	_ =	swait.ge [sflag:s20], $0x4000  }
0xbe: {  	[sflag:s20] =	ssyncset.done $0x0  }
0xbf: {  	s6 =	simm.s32 $0x700;
	[sflag:s20] =	ssyncadd.s32 $0xFFFFC000  }
0xc0: {  	[tilespmem:s13], [sflag:$0x1] =	stream.indirect.gather [hbm4b:s11+s16], $0x80, s6, s16, $0xb8;
	[tilespmem:$0x1D000] =	vst v63  }
0xc1: {  	s0 =	simm.s32 $0xE80  }
0xc2: {  	[spmem:s2] =	stream.indirect.scatter.add.f32 [tilespmem:s18], [sflag:$0x4], $0x80, s0, s16, $0xb8;
	[tilespmem:$0x1D000] =	vst v63  }
0xc3: {  	_ =	swait.ge [sflag:s17], $0x4000  }
0xc4: {  	[sflag:s17] =	ssyncset.done $0x0  }
0xc5: {  	[sflag:s17] =	ssyncadd.s32 $0xFFFFC000  }
0xc6: {  	_ =	swait.ge [sflag:s23], $0x4000  }
0xc7: {  	[sflag:s23] =	ssyncset.done $0x0  }
0xc8: {  	s4 =	simm.s32 $0x780;
	[sflag:s23] =	ssyncadd.s32 $0xFFFFC000  }
0xc9: {  	[tilespmem:s18], [sflag:$0x2] =	stream.indirect.gather [hbm4b:s11+s16], $0x80, s4, s16, $0xb8;
	[tilespmem:$0x1D000] =	vst v63  }
0xca: {  	s5 =	simm.s32 $0xF00  }
0xcb: {  	[spmem:s2] =	stream.indirect.scatter.add.f32 [tilespmem:s13], [sflag:$0x3], $0x80, s5, s16, $0xb8;
	[tilespmem:$0x1D000] =	vst v63  }
0xcc: {  	_ =	swait.ge [sflag:s19], $0x4000  }
0xcd: {  	[sflag:s19] =	ssyncset.done $0x0  }
0xce: {  	[sflag:s19] =	ssyncadd.s32 $0xFFFFC000  }
0xcf: {  	_ =	swait.ge [sflag:s20], $0x4000  }
0xd0: {  	[sflag:s20] =	ssyncset.done $0x0  }
0xd1: {  	s6 =	simm.s32 $0xF80;
	[sflag:s20] =	ssyncadd.s32 $0xFFFFC000  }
0xd2: {  	[spmem:s2] =	stream.indirect.scatter.add.f32 [tilespmem:s18], [sflag:$0x4], $0x80, s6, s16, $0xb8;
	[tilespmem:$0x1D000] =	vst v63  }
0xd3: {  	_ =	swait.ge [sflag:s23], $0x4000  }
0xd4: {  	[sflag:s23] =	ssyncset.done $0x0  }
0xd5: {  	s0 =	sadd.s32 $0x100, s10;
	[sflag:s23] =	ssyncadd.s32 $0xFFFFC000  }
0xd6: {  	[tilespmem:s9], [sflag:$0x5] =	stream.linear.gather [hbm4b:s0+s9], $0x800, $0x38;
	[tilespmem:$0x1D000] =	vst v63  }
0xd7: {  	s4 =	sadd.s32 $0x100, s15  }
0xd8: {  	[tilespmem:s1], [sflag:$0x5] =	stream.linear.gather [hbm4b:s4+s9], $0x800, $0x38;
	[tilespmem:$0x1D000] =	vst v63  }
0xd9: {  	_ =	swait.ge [sflag:s14], $0x800  }
0xda: {  	[sflag:s14] =	ssyncset.done $0x0  }
0xdb: {  	[sflag:s14] =	ssyncadd.s32 $0xFFFFF800  }
0xdc: {  	_ =	swait.ge [sflag:s14], $0x800  }
0xdd: {  	[sflag:s14] =	ssyncset.done $0x0  }
0xde: {  	[sflag:s14] =	ssyncadd.s32 $0xFFFFF800  }
0xdf: {  	[tilespmem:s13], [sflag:$0x1] =	stream.indirect.gather [hbm4b:s11+s16], $0x80, s9, s16, $0xb8;
	[tilespmem:$0x1D000] =	vst v63  }
0xe0: {  	_ =	swait.ge [sflag:s17], $0x4000  }
0xe1: {  	[sflag:s17] =	ssyncset.done $0x0  }
0xe2: {  	[sflag:s17] =	ssyncadd.s32 $0xFFFFC000  }
0xe3: {  	[tilespmem:s18], [sflag:$0x2] =	stream.indirect.gather [hbm4b:s11+s16], $0x80, s16, s16, $0xb8;
	[tilespmem:$0x1D000] =	vst v63  }
0xe4: {  	_ = 	snop  }
0xe5: {  	[spmem:s2] =	stream.indirect.scatter.add.f32 [tilespmem:s13], [sflag:$0x3], $0x80, s1, s16, $0xb8;
	[tilespmem:$0x1D000] =	vst v63  }
0xe6: {  	_ =	swait.ge [sflag:s19], $0x4000  }
0xe7: {  	[sflag:s19] =	ssyncset.done $0x0  }
0xe8: {  	[sflag:s19] =	ssyncadd.s32 $0xFFFFC000  }
0xe9: {  	_ =	swait.ge [sflag:s20], $0x4000  }
0xea: {  	[sflag:s20] =	ssyncset.done $0x0  }
0xeb: {  	s22 =	simm.s32 $0x100;
	[sflag:s20] =	ssyncadd.s32 $0xFFFFC000  }
0xec: {  	[tilespmem:s13], [sflag:$0x1] =	stream.indirect.gather [hbm4b:s11+s16], $0x80, s22, s16, $0xb8;
	[tilespmem:$0x1D000] =	vst v63  }
0xed: {  	s25 =	simm.s32 $0x880  }
0xee: {  	[spmem:s2] =	stream.indirect.scatter.add.f32 [tilespmem:s18], [sflag:$0x4], $0x80, s25, s16, $0xb8;
	[tilespmem:$0x1D000] =	vst v63  }
0xef: {  	_ =	swait.ge [sflag:s17], $0x4000  }
0xf0: {  	[sflag:s17] =	ssyncset.done $0x0  }
0xf1: {  	[sflag:s17] =	ssyncadd.s32 $0xFFFFC000  }
0xf2: {  	_ =	swait.ge [sflag:s23], $0x4000  }
0xf3: {  	[sflag:s23] =	ssyncset.done $0x0  }
0xf4: {  	s21 =	simm.s32 $0x180;
	[sflag:s23] =	ssyncadd.s32 $0xFFFFC000  }
0xf5: {  	[tilespmem:s18], [sflag:$0x2] =	stream.indirect.gather [hbm4b:s11+s16], $0x80, s21, s16, $0xb8;
	[tilespmem:$0x1D000] =	vst v63  }
0xf6: {  	s3 =	simm.s32 $0x900  }
0xf7: {  	[spmem:s2] =	stream.indirect.scatter.add.f32 [tilespmem:s13], [sflag:$0x3], $0x80, s3, s16, $0xb8;
	[tilespmem:$0x1D000] =	vst v63  }
0xf8: {  	_ =	swait.ge [sflag:s19], $0x4000  }
0xf9: {  	[sflag:s19] =	ssyncset.done $0x0  }
0xfa: {  	[sflag:s19] =	ssyncadd.s32 $0xFFFFC000  }
0xfb: {  	_ =	swait.ge [sflag:s20], $0x4000  }
0xfc: {  	[sflag:s20] =	ssyncset.done $0x0  }
0xfd: {  	s25 =	simm.s32 $0x200;
	[sflag:s20] =	ssyncadd.s32 $0xFFFFC000  }
0xfe: {  	[tilespmem:s13], [sflag:$0x1] =	stream.indirect.gather [hbm4b:s11+s16], $0x80, s25, s16, $0xb8;
	[tilespmem:$0x1D000] =	vst v63  }
0xff: {  	s28 =	simm.s32 $0x980  }
0x100: {  	[spmem:s2] =	stream.indirect.scatter.add.f32 [tilespmem:s18], [sflag:$0x4], $0x80, s28, s16, $0xb8;
	[tilespmem:$0x1D000] =	vst v63  }
0x101: {  	_ =	swait.ge [sflag:s17], $0x4000  }
0x102: {  	[sflag:s17] =	ssyncset.done $0x0  }
0x103: {  	[sflag:s17] =	ssyncadd.s32 $0xFFFFC000  }
0x104: {  	_ =	swait.ge [sflag:s23], $0x4000  }
0x105: {  	[sflag:s23] =	ssyncset.done $0x0  }
0x106: {  	s28 =	simm.s32 $0x280;
	[sflag:s23] =	ssyncadd.s32 $0xFFFFC000  }
0x107: {  	[tilespmem:s18], [sflag:$0x2] =	stream.indirect.gather [hbm4b:s11+s16], $0x80, s28, s16, $0xb8;
	[tilespmem:$0x1D000] =	vst v63  }
0x108: {  	s30 =	simm.s32 $0xA00  }
0x109: {  	[spmem:s2] =	stream.indirect.scatter.add.f32 [tilespmem:s13], [sflag:$0x3], $0x80, s30, s16, $0xb8;
	[tilespmem:$0x1D000] =	vst v63  }
0x10a: {  	_ =	swait.ge [sflag:s19], $0x4000  }
0x10b: {  	[sflag:s19] =	ssyncset.done $0x0  }
0x10c: {  	[sflag:s19] =	ssyncadd.s32 $0xFFFFC000  }
0x10d: {  	_ =	swait.ge [sflag:s20], $0x4000  }
0x10e: {  	[sflag:s20] =	ssyncset.done $0x0  }
0x10f: {  	s30 =	simm.s32 $0x300;
	[sflag:s20] =	ssyncadd.s32 $0xFFFFC000  }
0x110: {  	[tilespmem:s13], [sflag:$0x1] =	stream.indirect.gather [hbm4b:s11+s16], $0x80, s30, s16, $0xb8;
	[tilespmem:$0x1D000] =	vst v63  }
0x111: {  	s4 =	simm.s32 $0xA80  }
0x112: {  	[spmem:s2] =	stream.indirect.scatter.add.f32 [tilespmem:s18], [sflag:$0x4], $0x80, s4, s16, $0xb8;
	[tilespmem:$0x1D000] =	vst v63  }
0x113: {  	_ =	swait.ge [sflag:s17], $0x4000  }
0x114: {  	[sflag:s17] =	ssyncset.done $0x0  }
0x115: {  	[sflag:s17] =	ssyncadd.s32 $0xFFFFC000  }
0x116: {  	_ =	swait.ge [sflag:s23], $0x4000  }
0x117: {  	[sflag:s23] =	ssyncset.done $0x0  }
0x118: {  	s21 =	simm.s32 $0x380;
	[sflag:s23] =	ssyncadd.s32 $0xFFFFC000  }
0x119: {  	[tilespmem:s18], [sflag:$0x2] =	stream.indirect.gather [hbm4b:s11+s16], $0x80, s21, s16, $0xb8;
	[tilespmem:$0x1D000] =	vst v63  }
0x11a: {  	s0 =	simm.s32 $0xB00  }
0x11b: {  	[spmem:s2] =	stream.indirect.scatter.add.f32 [tilespmem:s13], [sflag:$0x3], $0x80, s0, s16, $0xb8;
	[tilespmem:$0x1D000] =	vst v63  }
0x11c: {  	_ =	swait.ge [sflag:s19], $0x4000  }
0x11d: {  	[sflag:s19] =	ssyncset.done $0x0  }
0x11e: {  	[sflag:s19] =	ssyncadd.s32 $0xFFFFC000  }
0x11f: {  	_ =	swait.ge [sflag:s20], $0x4000  }
0x120: {  	[sflag:s20] =	ssyncset.done $0x0  }
0x121: {  	s22 =	simm.s32 $0x400;
	[sflag:s20] =	ssyncadd.s32 $0xFFFFC000  }
0x122: {  	[tilespmem:s13], [sflag:$0x1] =	stream.indirect.gather [hbm4b:s11+s16], $0x80, s22, s16, $0xb8;
	[tilespmem:$0x1D000] =	vst v63  }
0x123: {  	s3 =	simm.s32 $0xB80  }
0x124: {  	[spmem:s2] =	stream.indirect.scatter.add.f32 [tilespmem:s18], [sflag:$0x4], $0x80, s3, s16, $0xb8;
	[tilespmem:$0x1D000] =	vst v63  }
0x125: {  	_ =	swait.ge [sflag:s17], $0x4000  }
0x126: {  	[sflag:s17] =	ssyncset.done $0x0  }
0x127: {  	[sflag:s17] =	ssyncadd.s32 $0xFFFFC000  }
0x128: {  	_ =	swait.ge [sflag:s23], $0x4000  }
0x129: {  	[sflag:s23] =	ssyncset.done $0x0  }
0x12a: {  	s8 =	simm.s32 $0x480;
	[sflag:s23] =	ssyncadd.s32 $0xFFFFC000  }
0x12b: {  	[tilespmem:s18], [sflag:$0x2] =	stream.indirect.gather [hbm4b:s11+s16], $0x80, s8, s16, $0xb8;
	[tilespmem:$0x1D000] =	vst v63  }
0x12c: {  	s24 =	simm.s32 $0xC00  }
0x12d: {  	[spmem:s2] =	stream.indirect.scatter.add.f32 [tilespmem:s13], [sflag:$0x3], $0x80, s24, s16, $0xb8;
	[tilespmem:$0x1D000] =	vst v63  }
0x12e: {  	_ =	swait.ge [sflag:s19], $0x4000  }
0x12f: {  	[sflag:s19] =	ssyncset.done $0x0  }
0x130: {  	[sflag:s19] =	ssyncadd.s32 $0xFFFFC000  }
0x131: {  	_ =	swait.ge [sflag:s20], $0x4000  }
0x132: {  	[sflag:s20] =	ssyncset.done $0x0  }
0x133: {  	s24 =	simm.s32 $0x500;
	[sflag:s20] =	ssyncadd.s32 $0xFFFFC000  }
0x134: {  	[tilespmem:s13], [sflag:$0x1] =	stream.indirect.gather [hbm4b:s11+s16], $0x80, s24, s16, $0xb8;
	[tilespmem:$0x1D000] =	vst v63  }
0x135: {  	s26 =	simm.s32 $0xC80  }
0x136: {  	[spmem:s2] =	stream.indirect.scatter.add.f32 [tilespmem:s18], [sflag:$0x4], $0x80, s26, s16, $0xb8;
	[tilespmem:$0x1D000] =	vst v63  }
0x137: {  	_ =	swait.ge [sflag:s17], $0x4000  }
0x138: {  	[sflag:s17] =	ssyncset.done $0x0  }
0x139: {  	[sflag:s17] =	ssyncadd.s32 $0xFFFFC000  }
0x13a: {  	_ =	swait.ge [sflag:s23], $0x4000  }
0x13b: {  	[sflag:s23] =	ssyncset.done $0x0  }
0x13c: {  	s26 =	simm.s32 $0x580;
	[sflag:s23] =	ssyncadd.s32 $0xFFFFC000  }
0x13d: {  	[tilespmem:s18], [sflag:$0x2] =	stream.indirect.gather [hbm4b:s11+s16], $0x80, s26, s16, $0xb8;
	[tilespmem:$0x1D000] =	vst v63  }
0x13e: {  	s29 =	simm.s32 $0xD00  }
0x13f: {  	[spmem:s2] =	stream.indirect.scatter.add.f32 [tilespmem:s13], [sflag:$0x3], $0x80, s29, s16, $0xb8;
	[tilespmem:$0x1D000] =	vst v63  }
0x140: {  	_ =	swait.ge [sflag:s19], $0x4000  }
0x141: {  	[sflag:s19] =	ssyncset.done $0x0  }
0x142: {  	[sflag:s19] =	ssyncadd.s32 $0xFFFFC000  }
0x143: {  	_ =	swait.ge [sflag:s20], $0x4000  }
0x144: {  	[sflag:s20] =	ssyncset.done $0x0  }
0x145: {  	s29 =	simm.s32 $0x600;
	[sflag:s20] =	ssyncadd.s32 $0xFFFFC000  }
0x146: {  	[tilespmem:s13], [sflag:$0x1] =	stream.indirect.gather [hbm4b:s11+s16], $0x80, s29, s16, $0xb8;
	[tilespmem:$0x1D000] =	vst v63  }
0x147: {  	s31 =	simm.s32 $0xD80  }
0x148: {  	[spmem:s2] =	stream.indirect.scatter.add.f32 [tilespmem:s18], [sflag:$0x4], $0x80, s31, s16, $0xb8;
	[tilespmem:$0x1D000] =	vst v63  }
0x149: {  	_ =	swait.ge [sflag:s17], $0x4000  }
0x14a: {  	[sflag:s17] =	ssyncset.done $0x0  }
0x14b: {  	[sflag:s17] =	ssyncadd.s32 $0xFFFFC000  }
0x14c: {  	_ =	swait.ge [sflag:s23], $0x4000  }
0x14d: {  	[sflag:s23] =	ssyncset.done $0x0  }
0x14e: {  	s31 =	simm.s32 $0x680;
	[sflag:s23] =	ssyncadd.s32 $0xFFFFC000  }
0x14f: {  	[tilespmem:s18], [sflag:$0x2] =	stream.indirect.gather [hbm4b:s11+s16], $0x80, s31, s16, $0xb8;
	[tilespmem:$0x1D000] =	vst v63  }
0x150: {  	s12 =	simm.s32 $0xE00  }
0x151: {  	[spmem:s2] =	stream.indirect.scatter.add.f32 [tilespmem:s13], [sflag:$0x3], $0x80, s12, s16, $0xb8;
	[tilespmem:$0x1D000] =	vst v63  }
0x152: {  	_ =	swait.ge [sflag:s19], $0x4000  }
0x153: {  	[sflag:s19] =	ssyncset.done $0x0  }
0x154: {  	[sflag:s19] =	ssyncadd.s32 $0xFFFFC000  }
0x155: {  	_ =	swait.ge [sflag:s20], $0x4000  }
0x156: {  	[sflag:s20] =	ssyncset.done $0x0  }
0x157: {  	s12 =	simm.s32 $0x700;
	[sflag:s20] =	ssyncadd.s32 $0xFFFFC000  }
0x158: {  	[tilespmem:s13], [sflag:$0x1] =	stream.indirect.gather [hbm4b:s11+s16], $0x80, s12, s16, $0xb8;
	[tilespmem:$0x1D000] =	vst v63  }
0x159: {  	s31 =	simm.s32 $0xE80  }
0x15a: {  	[spmem:s2] =	stream.indirect.scatter.add.f32 [tilespmem:s18], [sflag:$0x4], $0x80, s31, s16, $0xb8;
	[tilespmem:$0x1D000] =	vst v63  }
0x15b: {  	_ =	swait.ge [sflag:s17], $0x4000  }
0x15c: {  	[sflag:s17] =	ssyncset.done $0x0  }
0x15d: {  	[sflag:s17] =	ssyncadd.s32 $0xFFFFC000  }
0x15e: {  	_ =	swait.ge [sflag:s23], $0x4000  }
0x15f: {  	[sflag:s23] =	ssyncset.done $0x0  }
0x160: {  	s31 =	simm.s32 $0x780;
	[sflag:s23] =	ssyncadd.s32 $0xFFFFC000  }
0x161: {  	[tilespmem:s18], [sflag:$0x2] =	stream.indirect.gather [hbm4b:s11+s16], $0x80, s31, s16, $0xb8;
	[tilespmem:$0x1D000] =	vst v63  }
0x162: {  	s5 =	simm.s32 $0xF00  }
0x163: {  	[spmem:s2] =	stream.indirect.scatter.add.f32 [tilespmem:s13], [sflag:$0x3], $0x80, s5, s16, $0xb8;
	[tilespmem:$0x1D000] =	vst v63  }
0x164: {  	_ =	swait.ge [sflag:s19], $0x4000  }
0x165: {  	[sflag:s19] =	ssyncset.done $0x0  }
0x166: {  	[sflag:s19] =	ssyncadd.s32 $0xFFFFC000  }
0x167: {  	_ =	swait.ge [sflag:s20], $0x4000  }
0x168: {  	[sflag:s20] =	ssyncset.done $0x0  }
0x169: {  	s6 =	simm.s32 $0xF80;
	[sflag:s20] =	ssyncadd.s32 $0xFFFFC000  }
0x16a: {  	[spmem:s2] =	stream.indirect.scatter.add.f32 [tilespmem:s18], [sflag:$0x4], $0x80, s6, s16, $0xb8;
	[tilespmem:$0x1D000] =	vst v63  }
0x16b: {  	_ =	swait.ge [sflag:s23], $0x4000  }
0x16c: {  	[sflag:s23] =	ssyncset.done $0x0  }
0x16d: {  	s8 =	sadd.s32 $0x200, s10;
	[sflag:s23] =	ssyncadd.s32 $0xFFFFC000  }
0x16e: {  	[tilespmem:s9], [sflag:$0x5] =	stream.linear.gather [hbm4b:s8+s9], $0x800, $0x38;
	[tilespmem:$0x1D000] =	vst v63  }
0x16f: {  	s8 =	sadd.s32 $0x200, s15  }
0x170: {  	[tilespmem:s1], [sflag:$0x5] =	stream.linear.gather [hbm4b:s8+s9], $0x800, $0x38;
	[tilespmem:$0x1D000] =	vst v63  }
0x171: {  	_ =	swait.ge [sflag:s14], $0x800  }
0x172: {  	[sflag:s14] =	ssyncset.done $0x0  }
0x173: {  	[sflag:s14] =	ssyncadd.s32 $0xFFFFF800  }
0x174: {  	_ =	swait.ge [sflag:s14], $0x800  }
0x175: {  	[sflag:s14] =	ssyncset.done $0x0  }
0x176: {  	[sflag:s14] =	ssyncadd.s32 $0xFFFFF800  }
0x177: {  	[tilespmem:s13], [sflag:$0x1] =	stream.indirect.gather [hbm4b:s11+s16], $0x80, s9, s16, $0xb8;
	[tilespmem:$0x1D000] =	vst v63  }
0x178: {  	_ =	swait.ge [sflag:s17], $0x4000  }
0x179: {  	[sflag:s17] =	ssyncset.done $0x0  }
0x17a: {  	[sflag:s17] =	ssyncadd.s32 $0xFFFFC000  }
0x17b: {  	[tilespmem:s18], [sflag:$0x2] =	stream.indirect.gather [hbm4b:s11+s16], $0x80, s16, s16, $0xb8;
	[tilespmem:$0x1D000] =	vst v63  }
0x17c: {  	_ = 	snop  }
0x17d: {  	[spmem:s2] =	stream.indirect.scatter.add.f32 [tilespmem:s13], [sflag:$0x3], $0x80, s1, s16, $0xb8;
	[tilespmem:$0x1D000] =	vst v63  }
0x17e: {  	_ =	swait.ge [sflag:s19], $0x4000  }
0x17f: {  	[sflag:s19] =	ssyncset.done $0x0  }
0x180: {  	[sflag:s19] =	ssyncadd.s32 $0xFFFFC000  }
0x181: {  	_ =	swait.ge [sflag:s20], $0x4000  }
0x182: {  	[sflag:s20] =	ssyncset.done $0x0  }
0x183: {  	s8 =	simm.s32 $0x100;
	[sflag:s20] =	ssyncadd.s32 $0xFFFFC000  }
0x184: {  	[tilespmem:s13], [sflag:$0x1] =	stream.indirect.gather [hbm4b:s11+s16], $0x80, s8, s16, $0xb8;
	[tilespmem:$0x1D000] =	vst v63  }
0x185: {  	s8 =	simm.s32 $0x880  }
0x186: {  	[spmem:s2] =	stream.indirect.scatter.add.f32 [tilespmem:s18], [sflag:$0x4], $0x80, s8, s16, $0xb8;
	[tilespmem:$0x1D000] =	vst v63  }
0x187: {  	_ =	swait.ge [sflag:s17], $0x4000  }
0x188: {  	[sflag:s17] =	ssyncset.done $0x0  }
0x189: {  	[sflag:s17] =	ssyncadd.s32 $0xFFFFC000  }
0x18a: {  	_ =	swait.ge [sflag:s23], $0x4000  }
0x18b: {  	[sflag:s23] =	ssyncset.done $0x0  }
0x18c: {  	s8 =	simm.s32 $0x180;
	[sflag:s23] =	ssyncadd.s32 $0xFFFFC000  }
0x18d: {  	[tilespmem:s18], [sflag:$0x2] =	stream.indirect.gather [hbm4b:s11+s16], $0x80, s8, s16, $0xb8;
	[tilespmem:$0x1D000] =	vst v63  }
0x18e: {  	s8 =	simm.s32 $0x900  }
0x18f: {  	[spmem:s2] =	stream.indirect.scatter.add.f32 [tilespmem:s13], [sflag:$0x3], $0x80, s8, s16, $0xb8;
	[tilespmem:$0x1D000] =	vst v63  }
0x190: {  	_ =	swait.ge [sflag:s19], $0x4000  }
0x191: {  	[sflag:s19] =	ssyncset.done $0x0  }
0x192: {  	[sflag:s19] =	ssyncadd.s32 $0xFFFFC000  }
0x193: {  	_ =	swait.ge [sflag:s20], $0x4000  }
0x194: {  	[sflag:s20] =	ssyncset.done $0x0  }
0x195: {  	[sflag:s20] =	ssyncadd.s32 $0xFFFFC000  }
0x196: {  	[tilespmem:s13], [sflag:$0x1] =	stream.indirect.gather [hbm4b:s11+s16], $0x80, s25, s16, $0xb8;
	[tilespmem:$0x1D000] =	vst v63  }
0x197: {  	s8 =	simm.s32 $0x980  }
0x198: {  	[spmem:s2] =	stream.indirect.scatter.add.f32 [tilespmem:s18], [sflag:$0x4], $0x80, s8, s16, $0xb8;
	[tilespmem:$0x1D000] =	vst v63  }
0x199: {  	_ =	swait.ge [sflag:s17], $0x4000  }
0x19a: {  	[sflag:s17] =	ssyncset.done $0x0  }
0x19b: {  	[sflag:s17] =	ssyncadd.s32 $0xFFFFC000  }
0x19c: {  	_ =	swait.ge [sflag:s23], $0x4000  }
0x19d: {  	[sflag:s23] =	ssyncset.done $0x0  }
0x19e: {  	[sflag:s23] =	ssyncadd.s32 $0xFFFFC000  }
0x19f: {  	[tilespmem:s18], [sflag:$0x2] =	stream.indirect.gather [hbm4b:s11+s16], $0x80, s28, s16, $0xb8;
	[tilespmem:$0x1D000] =	vst v63  }
0x1a0: {  	s8 =	simm.s32 $0xA00  }
0x1a1: {  	[spmem:s2] =	stream.indirect.scatter.add.f32 [tilespmem:s13], [sflag:$0x3], $0x80, s8, s16, $0xb8;
	[tilespmem:$0x1D000] =	vst v63  }
0x1a2: {  	_ =	swait.ge [sflag:s19], $0x4000  }
0x1a3: {  	[sflag:s19] =	ssyncset.done $0x0  }
0x1a4: {  	[sflag:s19] =	ssyncadd.s32 $0xFFFFC000  }
0x1a5: {  	_ =	swait.ge [sflag:s20], $0x4000  }
0x1a6: {  	[sflag:s20] =	ssyncset.done $0x0  }
0x1a7: {  	[sflag:s20] =	ssyncadd.s32 $0xFFFFC000  }
0x1a8: {  	[tilespmem:s13], [sflag:$0x1] =	stream.indirect.gather [hbm4b:s11+s16], $0x80, s30, s16, $0xb8;
	[tilespmem:$0x1D000] =	vst v63  }
0x1a9: {  	_ = 	snop  }
0x1aa: {  	[spmem:s2] =	stream.indirect.scatter.add.f32 [tilespmem:s18], [sflag:$0x4], $0x80, s4, s16, $0xb8;
	[tilespmem:$0x1D000] =	vst v63  }
0x1ab: {  	_ =	swait.ge [sflag:s17], $0x4000  }
0x1ac: {  	[sflag:s17] =	ssyncset.done $0x0  }
0x1ad: {  	[sflag:s17] =	ssyncadd.s32 $0xFFFFC000  }
0x1ae: {  	_ =	swait.ge [sflag:s23], $0x4000  }
0x1af: {  	[sflag:s23] =	ssyncset.done $0x0  }
0x1b0: {  	[sflag:s23] =	ssyncadd.s32 $0xFFFFC000  }
0x1b1: {  	[tilespmem:s18], [sflag:$0x2] =	stream.indirect.gather [hbm4b:s11+s16], $0x80, s21, s16, $0xb8;
	[tilespmem:$0x1D000] =	vst v63  }
0x1b2: {  	_ = 	snop  }
0x1b3: {  	[spmem:s2] =	stream.indirect.scatter.add.f32 [tilespmem:s13], [sflag:$0x3], $0x80, s0, s16, $0xb8;
	[tilespmem:$0x1D000] =	vst v63  }
0x1b4: {  	_ =	swait.ge [sflag:s19], $0x4000  }
0x1b5: {  	[sflag:s19] =	ssyncset.done $0x0  }
0x1b6: {  	[sflag:s19] =	ssyncadd.s32 $0xFFFFC000  }
0x1b7: {  	_ =	swait.ge [sflag:s20], $0x4000  }
0x1b8: {  	[sflag:s20] =	ssyncset.done $0x0  }
0x1b9: {  	[sflag:s20] =	ssyncadd.s32 $0xFFFFC000  }
0x1ba: {  	[tilespmem:s13], [sflag:$0x1] =	stream.indirect.gather [hbm4b:s11+s16], $0x80, s22, s16, $0xb8;
	[tilespmem:$0x1D000] =	vst v63  }
0x1bb: {  	_ = 	snop  }
0x1bc: {  	[spmem:s2] =	stream.indirect.scatter.add.f32 [tilespmem:s18], [sflag:$0x4], $0x80, s3, s16, $0xb8;
	[tilespmem:$0x1D000] =	vst v63  }
0x1bd: {  	_ =	swait.ge [sflag:s17], $0x4000  }
0x1be: {  	[sflag:s17] =	ssyncset.done $0x0  }
0x1bf: {  	[sflag:s17] =	ssyncadd.s32 $0xFFFFC000  }
0x1c0: {  	_ =	swait.ge [sflag:s23], $0x4000  }
0x1c1: {  	[sflag:s23] =	ssyncset.done $0x0  }
0x1c2: {  	s21 =	simm.s32 $0x480;
	[sflag:s23] =	ssyncadd.s32 $0xFFFFC000  }
0x1c3: {  	[tilespmem:s18], [sflag:$0x2] =	stream.indirect.gather [hbm4b:s11+s16], $0x80, s21, s16, $0xb8;
	[tilespmem:$0x1D000] =	vst v63  }
0x1c4: {  	s21 =	simm.s32 $0xC00  }
0x1c5: {  	[spmem:s2] =	stream.indirect.scatter.add.f32 [tilespmem:s13], [sflag:$0x3], $0x80, s21, s16, $0xb8;
	[tilespmem:$0x1D000] =	vst v63  }
0x1c6: {  	_ =	swait.ge [sflag:s19], $0x4000  }
0x1c7: {  	[sflag:s19] =	ssyncset.done $0x0  }
0x1c8: {  	[sflag:s19] =	ssyncadd.s32 $0xFFFFC000  }
0x1c9: {  	_ =	swait.ge [sflag:s20], $0x4000  }
0x1ca: {  	[sflag:s20] =	ssyncset.done $0x0  }
0x1cb: {  	s24 =	simm.s32 $0x500;
	[sflag:s20] =	ssyncadd.s32 $0xFFFFC000  }
0x1cc: {  	[tilespmem:s13], [sflag:$0x1] =	stream.indirect.gather [hbm4b:s11+s16], $0x80, s24, s16, $0xb8;
	[tilespmem:$0x1D000] =	vst v63  }
0x1cd: {  	s24 =	simm.s32 $0xC80  }
0x1ce: {  	[spmem:s2] =	stream.indirect.scatter.add.f32 [tilespmem:s18], [sflag:$0x4], $0x80, s24, s16, $0xb8;
	[tilespmem:$0x1D000] =	vst v63  }
0x1cf: {  	_ =	swait.ge [sflag:s17], $0x4000  }
0x1d0: {  	[sflag:s17] =	ssyncset.done $0x0  }
0x1d1: {  	[sflag:s17] =	ssyncadd.s32 $0xFFFFC000  }
0x1d2: {  	_ =	swait.ge [sflag:s23], $0x4000  }
0x1d3: {  	[sflag:s23] =	ssyncset.done $0x0  }
0x1d4: {  	s26 =	simm.s32 $0x580;
	[sflag:s23] =	ssyncadd.s32 $0xFFFFC000  }
0x1d5: {  	[tilespmem:s18], [sflag:$0x2] =	stream.indirect.gather [hbm4b:s11+s16], $0x80, s26, s16, $0xb8;
	[tilespmem:$0x1D000] =	vst v63  }
0x1d6: {  	s26 =	simm.s32 $0xD00  }
0x1d7: {  	[spmem:s2] =	stream.indirect.scatter.add.f32 [tilespmem:s13], [sflag:$0x3], $0x80, s26, s16, $0xb8;
	[tilespmem:$0x1D000] =	vst v63  }
0x1d8: {  	_ =	swait.ge [sflag:s19], $0x4000  }
0x1d9: {  	[sflag:s19] =	ssyncset.done $0x0  }
0x1da: {  	[sflag:s19] =	ssyncadd.s32 $0xFFFFC000  }
0x1db: {  	_ =	swait.ge [sflag:s20], $0x4000  }
0x1dc: {  	[sflag:s20] =	ssyncset.done $0x0  }
0x1dd: {  	s29 =	simm.s32 $0x600;
	[sflag:s20] =	ssyncadd.s32 $0xFFFFC000  }
0x1de: {  	[tilespmem:s13], [sflag:$0x1] =	stream.indirect.gather [hbm4b:s11+s16], $0x80, s29, s16, $0xb8;
	[tilespmem:$0x1D000] =	vst v63  }
0x1df: {  	s29 =	simm.s32 $0xD80  }
0x1e0: {  	[spmem:s2] =	stream.indirect.scatter.add.f32 [tilespmem:s18], [sflag:$0x4], $0x80, s29, s16, $0xb8;
	[tilespmem:$0x1D000] =	vst v63  }
0x1e1: {  	_ =	swait.ge [sflag:s17], $0x4000  }
0x1e2: {  	[sflag:s17] =	ssyncset.done $0x0  }
0x1e3: {  	[sflag:s17] =	ssyncadd.s32 $0xFFFFC000  }
0x1e4: {  	_ =	swait.ge [sflag:s23], $0x4000  }
0x1e5: {  	[sflag:s23] =	ssyncset.done $0x0  }
0x1e6: {  	s29 =	simm.s32 $0x680;
	[sflag:s23] =	ssyncadd.s32 $0xFFFFC000  }
0x1e7: {  	[tilespmem:s18], [sflag:$0x2] =	stream.indirect.gather [hbm4b:s11+s16], $0x80, s29, s16, $0xb8;
	[tilespmem:$0x1D000] =	vst v63  }
0x1e8: {  	s29 =	simm.s32 $0xE00  }
0x1e9: {  	[spmem:s2] =	stream.indirect.scatter.add.f32 [tilespmem:s13], [sflag:$0x3], $0x80, s29, s16, $0xb8;
	[tilespmem:$0x1D000] =	vst v63  }
0x1ea: {  	_ =	swait.ge [sflag:s19], $0x4000  }
0x1eb: {  	[sflag:s19] =	ssyncset.done $0x0  }
0x1ec: {  	[sflag:s19] =	ssyncadd.s32 $0xFFFFC000  }
0x1ed: {  	_ =	swait.ge [sflag:s20], $0x4000  }
0x1ee: {  	[sflag:s20] =	ssyncset.done $0x0  }
0x1ef: {  	s12 =	simm.s32 $0x700;
	[sflag:s20] =	ssyncadd.s32 $0xFFFFC000  }
0x1f0: {  	[tilespmem:s13], [sflag:$0x1] =	stream.indirect.gather [hbm4b:s11+s16], $0x80, s12, s16, $0xb8;
	[tilespmem:$0x1D000] =	vst v63  }
0x1f1: {  	s12 =	simm.s32 $0xE80  }
0x1f2: {  	[spmem:s2] =	stream.indirect.scatter.add.f32 [tilespmem:s18], [sflag:$0x4], $0x80, s12, s16, $0xb8;
	[tilespmem:$0x1D000] =	vst v63  }
0x1f3: {  	_ =	swait.ge [sflag:s17], $0x4000  }
0x1f4: {  	[sflag:s17] =	ssyncset.done $0x0  }
0x1f5: {  	[sflag:s17] =	ssyncadd.s32 $0xFFFFC000  }
0x1f6: {  	_ =	swait.ge [sflag:s23], $0x4000  }
0x1f7: {  	[sflag:s23] =	ssyncset.done $0x0  }
0x1f8: {  	s31 =	simm.s32 $0x780;
	[sflag:s23] =	ssyncadd.s32 $0xFFFFC000  }
0x1f9: {  	[tilespmem:s18], [sflag:$0x2] =	stream.indirect.gather [hbm4b:s11+s16], $0x80, s31, s16, $0xb8;
	[tilespmem:$0x1D000] =	vst v63  }
0x1fa: {  	s5 =	simm.s32 $0xF00  }
0x1fb: {  	[spmem:s2] =	stream.indirect.scatter.add.f32 [tilespmem:s13], [sflag:$0x3], $0x80, s5, s16, $0xb8;
	[tilespmem:$0x1D000] =	vst v63  }
0x1fc: {  	_ =	swait.ge [sflag:s19], $0x4000  }
0x1fd: {  	[sflag:s19] =	ssyncset.done $0x0  }
0x1fe: {  	[sflag:s19] =	ssyncadd.s32 $0xFFFFC000  }
0x1ff: {  	_ =	swait.ge [sflag:s20], $0x4000  }
0x200: {  	[sflag:s20] =	ssyncset.done $0x0  }
0x201: {  	s6 =	simm.s32 $0xF80;
	[sflag:s20] =	ssyncadd.s32 $0xFFFFC000  }
0x202: {  	[spmem:s2] =	stream.indirect.scatter.add.f32 [tilespmem:s18], [sflag:$0x4], $0x80, s6, s16, $0xb8;
	[tilespmem:$0x1D000] =	vst v63  }
0x203: {  	_ =	swait.ge [sflag:s23], $0x4000  }
0x204: {  	[sflag:s23] =	ssyncset.done $0x0  }
0x205: {  	s5 =	sadd.s32 $0x300, s10;
	[sflag:s23] =	ssyncadd.s32 $0xFFFFC000  }
0x206: {  	[tilespmem:s9], [sflag:$0x5] =	stream.linear.gather [hbm4b:s5+s9], $0x800, $0x38;
	[tilespmem:$0x1D000] =	vst v63  }
0x207: {  	s6 =	sadd.s32 $0x300, s15  }
0x208: {  	[tilespmem:s1], [sflag:$0x5] =	stream.linear.gather [hbm4b:s6+s9], $0x800, $0x38;
	[tilespmem:$0x1D000] =	vst v63  }
0x209: {  	_ =	swait.ge [sflag:s14], $0x800  }
0x20a: {  	[sflag:s14] =	ssyncset.done $0x0  }
0x20b: {  	[sflag:s14] =	ssyncadd.s32 $0xFFFFF800  }
0x20c: {  	_ =	swait.ge [sflag:s14], $0x800  }
0x20d: {  	[sflag:s14] =	ssyncset.done $0x0  }
0x20e: {  	[sflag:s14] =	ssyncadd.s32 $0xFFFFF800  }
0x20f: {  	[tilespmem:s13], [sflag:$0x1] =	stream.indirect.gather [hbm4b:s11+s16], $0x80, s9, s16, $0xb8;
	[tilespmem:$0x1D000] =	vst v63  }
0x210: {  	_ =	swait.ge [sflag:s17], $0x4000  }
0x211: {  	[sflag:s17] =	ssyncset.done $0x0  }
0x212: {  	[sflag:s17] =	ssyncadd.s32 $0xFFFFC000  }
0x213: {  	[tilespmem:s18], [sflag:$0x2] =	stream.indirect.gather [hbm4b:s11+s16], $0x80, s16, s16, $0xb8;
	[tilespmem:$0x1D000] =	vst v63  }
0x214: {  	_ = 	snop  }
0x215: {  	[spmem:s2] =	stream.indirect.scatter.add.f32 [tilespmem:s13], [sflag:$0x3], $0x80, s1, s16, $0xb8;
	[tilespmem:$0x1D000] =	vst v63  }
0x216: {  	_ =	swait.ge [sflag:s19], $0x4000  }
0x217: {  	[sflag:s19] =	ssyncset.done $0x0  }
0x218: {  	[sflag:s19] =	ssyncadd.s32 $0xFFFFC000  }
0x219: {  	_ =	swait.ge [sflag:s20], $0x4000  }
0x21a: {  	[sflag:s20] =	ssyncset.done $0x0  }
0x21b: {  	s12 =	simm.s32 $0x100;
	[sflag:s20] =	ssyncadd.s32 $0xFFFFC000  }
0x21c: {  	[tilespmem:s13], [sflag:$0x1] =	stream.indirect.gather [hbm4b:s11+s16], $0x80, s12, s16, $0xb8;
	[tilespmem:$0x1D000] =	vst v63  }
0x21d: {  	s6 =	simm.s32 $0x880  }
0x21e: {  	[spmem:s2] =	stream.indirect.scatter.add.f32 [tilespmem:s18], [sflag:$0x4], $0x80, s6, s16, $0xb8;
	[tilespmem:$0x1D000] =	vst v63  }
0x21f: {  	_ =	swait.ge [sflag:s17], $0x4000  }
0x220: {  	[sflag:s17] =	ssyncset.done $0x0  }
0x221: {  	[sflag:s17] =	ssyncadd.s32 $0xFFFFC000  }
0x222: {  	_ =	swait.ge [sflag:s23], $0x4000  }
0x223: {  	[sflag:s23] =	ssyncset.done $0x0  }
0x224: {  	s8 =	simm.s32 $0x180;
	[sflag:s23] =	ssyncadd.s32 $0xFFFFC000  }
0x225: {  	[tilespmem:s18], [sflag:$0x2] =	stream.indirect.gather [hbm4b:s11+s16], $0x80, s8, s16, $0xb8;
	[tilespmem:$0x1D000] =	vst v63  }
0x226: {  	s12 =	simm.s32 $0x900  }
0x227: {  	[spmem:s2] =	stream.indirect.scatter.add.f32 [tilespmem:s13], [sflag:$0x3], $0x80, s12, s16, $0xb8;
	[tilespmem:$0x1D000] =	vst v63  }
0x228: {  	_ =	swait.ge [sflag:s19], $0x4000  }
0x229: {  	[sflag:s19] =	ssyncset.done $0x0  }
0x22a: {  	[sflag:s19] =	ssyncadd.s32 $0xFFFFC000  }
0x22b: {  	_ =	swait.ge [sflag:s20], $0x4000  }
0x22c: {  	[sflag:s20] =	ssyncset.done $0x0  }
0x22d: {  	s25 =	simm.s32 $0x200;
	[sflag:s20] =	ssyncadd.s32 $0xFFFFC000  }
0x22e: {  	[tilespmem:s13], [sflag:$0x1] =	stream.indirect.gather [hbm4b:s11+s16], $0x80, s25, s16, $0xb8;
	[tilespmem:$0x1D000] =	vst v63  }
0x22f: {  	s25 =	simm.s32 $0x980  }
0x230: {  	[spmem:s2] =	stream.indirect.scatter.add.f32 [tilespmem:s18], [sflag:$0x4], $0x80, s25, s16, $0xb8;
	[tilespmem:$0x1D000] =	vst v63  }
0x231: {  	_ =	swait.ge [sflag:s17], $0x4000  }
0x232: {  	[sflag:s17] =	ssyncset.done $0x0  }
0x233: {  	[sflag:s17] =	ssyncadd.s32 $0xFFFFC000  }
0x234: {  	_ =	swait.ge [sflag:s23], $0x4000  }
0x235: {  	[sflag:s23] =	ssyncset.done $0x0  }
0x236: {  	s28 =	simm.s32 $0x280;
	[sflag:s23] =	ssyncadd.s32 $0xFFFFC000  }
0x237: {  	[tilespmem:s18], [sflag:$0x2] =	stream.indirect.gather [hbm4b:s11+s16], $0x80, s28, s16, $0xb8;
	[tilespmem:$0x1D000] =	vst v63  }
0x238: {  	s8 =	simm.s32 $0xA00  }
0x239: {  	[spmem:s2] =	stream.indirect.scatter.add.f32 [tilespmem:s13], [sflag:$0x3], $0x80, s8, s16, $0xb8;
	[tilespmem:$0x1D000] =	vst v63  }
0x23a: {  	_ =	swait.ge [sflag:s19], $0x4000  }
0x23b: {  	[sflag:s19] =	ssyncset.done $0x0  }
0x23c: {  	[sflag:s19] =	ssyncadd.s32 $0xFFFFC000  }
0x23d: {  	_ =	swait.ge [sflag:s20], $0x4000  }
0x23e: {  	[sflag:s20] =	ssyncset.done $0x0  }
0x23f: {  	s30 =	simm.s32 $0x300;
	[sflag:s20] =	ssyncadd.s32 $0xFFFFC000  }
0x240: {  	[tilespmem:s13], [sflag:$0x1] =	stream.indirect.gather [hbm4b:s11+s16], $0x80, s30, s16, $0xb8;
	[tilespmem:$0x1D000] =	vst v63  }
0x241: {  	s12 =	simm.s32 $0xA80  }
0x242: {  	[spmem:s2] =	stream.indirect.scatter.add.f32 [tilespmem:s18], [sflag:$0x4], $0x80, s12, s16, $0xb8;
	[tilespmem:$0x1D000] =	vst v63  }
0x243: {  	_ =	swait.ge [sflag:s17], $0x4000  }
0x244: {  	[sflag:s17] =	ssyncset.done $0x0  }
0x245: {  	[sflag:s17] =	ssyncadd.s32 $0xFFFFC000  }
0x246: {  	_ =	swait.ge [sflag:s23], $0x4000  }
0x247: {  	[sflag:s23] =	ssyncset.done $0x0  }
0x248: {  	s4 =	simm.s32 $0x380;
	[sflag:s23] =	ssyncadd.s32 $0xFFFFC000  }
0x249: {  	[tilespmem:s18], [sflag:$0x2] =	stream.indirect.gather [hbm4b:s11+s16], $0x80, s4, s16, $0xb8;
	[tilespmem:$0x1D000] =	vst v63  }
0x24a: {  	s0 =	simm.s32 $0xB00  }
0x24b: {  	[spmem:s2] =	stream.indirect.scatter.add.f32 [tilespmem:s13], [sflag:$0x3], $0x80, s0, s16, $0xb8;
	[tilespmem:$0x1D000] =	vst v63  }
0x24c: {  	_ =	swait.ge [sflag:s19], $0x4000  }
0x24d: {  	[sflag:s19] =	ssyncset.done $0x0  }
0x24e: {  	[sflag:s19] =	ssyncadd.s32 $0xFFFFC000  }
0x24f: {  	_ =	swait.ge [sflag:s20], $0x4000  }
0x250: {  	[sflag:s20] =	ssyncset.done $0x0  }
0x251: {  	s22 =	simm.s32 $0x400;
	[sflag:s20] =	ssyncadd.s32 $0xFFFFC000  }
0x252: {  	[tilespmem:s13], [sflag:$0x1] =	stream.indirect.gather [hbm4b:s11+s16], $0x80, s22, s16, $0xb8;
	[tilespmem:$0x1D000] =	vst v63  }
0x253: {  	s3 =	simm.s32 $0xB80  }
0x254: {  	[spmem:s2] =	stream.indirect.scatter.add.f32 [tilespmem:s18], [sflag:$0x4], $0x80, s3, s16, $0xb8;
	[tilespmem:$0x1D000] =	vst v63  }
0x255: {  	_ =	swait.ge [sflag:s17], $0x4000  }
0x256: {  	[sflag:s17] =	ssyncset.done $0x0  }
0x257: {  	[sflag:s17] =	ssyncadd.s32 $0xFFFFC000  }
0x258: {  	_ =	swait.ge [sflag:s23], $0x4000  }
0x259: {  	[sflag:s23] =	ssyncset.done $0x0  }
0x25a: {  	s22 =	simm.s32 $0x480;
	[sflag:s23] =	ssyncadd.s32 $0xFFFFC000  }
0x25b: {  	[tilespmem:s18], [sflag:$0x2] =	stream.indirect.gather [hbm4b:s11+s16], $0x80, s22, s16, $0xb8;
	[tilespmem:$0x1D000] =	vst v63  }
0x25c: {  	s8 =	simm.s32 $0xC00  }
0x25d: {  	[spmem:s2] =	stream.indirect.scatter.add.f32 [tilespmem:s13], [sflag:$0x3], $0x80, s8, s16, $0xb8;
	[tilespmem:$0x1D000] =	vst v63  }
0x25e: {  	_ =	swait.ge [sflag:s19], $0x4000  }
0x25f: {  	[sflag:s19] =	ssyncset.done $0x0  }
0x260: {  	[sflag:s19] =	ssyncadd.s32 $0xFFFFC000  }
0x261: {  	_ =	swait.ge [sflag:s20], $0x4000  }
0x262: {  	[sflag:s20] =	ssyncset.done $0x0  }
0x263: {  	s21 =	simm.s32 $0x500;
	[sflag:s20] =	ssyncadd.s32 $0xFFFFC000  }
0x264: {  	[tilespmem:s13], [sflag:$0x1] =	stream.indirect.gather [hbm4b:s11+s16], $0x80, s21, s16, $0xb8;
	[tilespmem:$0x1D000] =	vst v63  }
0x265: {  	s22 =	simm.s32 $0xC80  }
0x266: {  	[spmem:s2] =	stream.indirect.scatter.add.f32 [tilespmem:s18], [sflag:$0x4], $0x80, s22, s16, $0xb8;
	[tilespmem:$0x1D000] =	vst v63  }
0x267: {  	_ =	swait.ge [sflag:s17], $0x4000  }
0x268: {  	[sflag:s17] =	ssyncset.done $0x0  }
0x269: {  	[sflag:s17] =	ssyncadd.s32 $0xFFFFC000  }
0x26a: {  	_ =	swait.ge [sflag:s23], $0x4000  }
0x26b: {  	[sflag:s23] =	ssyncset.done $0x0  }
0x26c: {  	s24 =	simm.s32 $0x580;
	[sflag:s23] =	ssyncadd.s32 $0xFFFFC000  }
0x26d: {  	[tilespmem:s18], [sflag:$0x2] =	stream.indirect.gather [hbm4b:s11+s16], $0x80, s24, s16, $0xb8;
	[tilespmem:$0x1D000] =	vst v63  }
0x26e: {  	s24 =	simm.s32 $0xD00  }
0x26f: {  	[spmem:s2] =	stream.indirect.scatter.add.f32 [tilespmem:s13], [sflag:$0x3], $0x80, s24, s16, $0xb8;
	[tilespmem:$0x1D000] =	vst v63  }
0x270: {  	_ =	swait.ge [sflag:s19], $0x4000  }
0x271: {  	[sflag:s19] =	ssyncset.done $0x0  }
0x272: {  	[sflag:s19] =	ssyncadd.s32 $0xFFFFC000  }
0x273: {  	_ =	swait.ge [sflag:s20], $0x4000  }
0x274: {  	[sflag:s20] =	ssyncset.done $0x0  }
0x275: {  	s26 =	simm.s32 $0x600;
	[sflag:s20] =	ssyncadd.s32 $0xFFFFC000  }
0x276: {  	[tilespmem:s13], [sflag:$0x1] =	stream.indirect.gather [hbm4b:s11+s16], $0x80, s26, s16, $0xb8;
	[tilespmem:$0x1D000] =	vst v63  }
0x277: {  	s26 =	simm.s32 $0xD80  }
0x278: {  	[spmem:s2] =	stream.indirect.scatter.add.f32 [tilespmem:s18], [sflag:$0x4], $0x80, s26, s16, $0xb8;
	[tilespmem:$0x1D000] =	vst v63  }
0x279: {  	_ =	swait.ge [sflag:s17], $0x4000  }
0x27a: {  	[sflag:s17] =	ssyncset.done $0x0  }
0x27b: {  	[sflag:s17] =	ssyncadd.s32 $0xFFFFC000  }
0x27c: {  	_ =	swait.ge [sflag:s23], $0x4000  }
0x27d: {  	[sflag:s23] =	ssyncset.done $0x0  }
0x27e: {  	s24 =	simm.s32 $0x680;
	[sflag:s23] =	ssyncadd.s32 $0xFFFFC000  }
0x27f: {  	[tilespmem:s18], [sflag:$0x2] =	stream.indirect.gather [hbm4b:s11+s16], $0x80, s24, s16, $0xb8;
	[tilespmem:$0x1D000] =	vst v63  }
0x280: {  	s26 =	simm.s32 $0xE00  }
0x281: {  	[spmem:s2] =	stream.indirect.scatter.add.f32 [tilespmem:s13], [sflag:$0x3], $0x80, s26, s16, $0xb8;
	[tilespmem:$0x1D000] =	vst v63  }
0x282: {  	_ =	swait.ge [sflag:s19], $0x4000  }
0x283: {  	[sflag:s19] =	ssyncset.done $0x0  }
0x284: {  	[sflag:s19] =	ssyncadd.s32 $0xFFFFC000  }
0x285: {  	_ =	swait.ge [sflag:s20], $0x4000  }
0x286: {  	[sflag:s20] =	ssyncset.done $0x0  }
0x287: {  	s29 =	simm.s32 $0x700;
	[sflag:s20] =	ssyncadd.s32 $0xFFFFC000  }
0x288: {  	[tilespmem:s13], [sflag:$0x1] =	stream.indirect.gather [hbm4b:s11+s16], $0x80, s29, s16, $0xb8;
	[tilespmem:$0x1D000] =	vst v63  }
0x289: {  	s29 =	simm.s32 $0xE80  }
0x28a: {  	[spmem:s2] =	stream.indirect.scatter.add.f32 [tilespmem:s18], [sflag:$0x4], $0x80, s29, s16, $0xb8;
	[tilespmem:$0x1D000] =	vst v63  }
0x28b: {  	_ =	swait.ge [sflag:s17], $0x4000  }
0x28c: {  	[sflag:s17] =	ssyncset.done $0x0  }
0x28d: {  	[sflag:s17] =	ssyncadd.s32 $0xFFFFC000  }
0x28e: {  	_ =	swait.ge [sflag:s23], $0x4000  }
0x28f: {  	[sflag:s23] =	ssyncset.done $0x0  }
0x290: {  	s31 =	simm.s32 $0x780;
	[sflag:s23] =	ssyncadd.s32 $0xFFFFC000  }
0x291: {  	[tilespmem:s18], [sflag:$0x2] =	stream.indirect.gather [hbm4b:s11+s16], $0x80, s31, s16, $0xb8;
	[tilespmem:$0x1D000] =	vst v63  }
0x292: {  	s31 =	simm.s32 $0xF00  }
0x293: {  	[spmem:s2] =	stream.indirect.scatter.add.f32 [tilespmem:s13], [sflag:$0x3], $0x80, s31, s16, $0xb8;
	[tilespmem:$0x1D000] =	vst v63  }
0x294: {  	_ =	swait.ge [sflag:s19], $0x4000  }
0x295: {  	[sflag:s19] =	ssyncset.done $0x0  }
0x296: {  	[sflag:s19] =	ssyncadd.s32 $0xFFFFC000  }
0x297: {  	_ =	swait.ge [sflag:s20], $0x4000  }
0x298: {  	[sflag:s20] =	ssyncset.done $0x0  }
0x299: {  	s8 =	simm.s32 $0xF80;
	[sflag:s20] =	ssyncadd.s32 $0xFFFFC000  }
0x29a: {  	[spmem:s2] =	stream.indirect.scatter.add.f32 [tilespmem:s18], [sflag:$0x4], $0x80, s8, s16, $0xb8;
	[tilespmem:$0x1D000] =	vst v63  }
0x29b: {  	_ =	swait.ge [sflag:s23], $0x4000  }
0x29c: {  	[sflag:s23] =	ssyncset.done $0x0  }
0x29d: {  	s10 =	sadd.s32 $0x400, s10;
	[sflag:s23] =	ssyncadd.s32 $0xFFFFC000  }
0x29e: {  	[tilespmem:s9], [sflag:$0x5] =	stream.linear.gather [hbm4b:s10+s9], $0x800, $0x38;
	[tilespmem:$0x1D000] =	vst v63  }
0x29f: {  	s15 =	sadd.s32 $0x400, s15  }
0x2a0: {  	[tilespmem:s1], [sflag:$0x5] =	stream.linear.gather [hbm4b:s15+s9], $0x800, $0x38;
	[tilespmem:$0x1D000] =	vst v63  }
0x2a1: {  	_ =	swait.ge [sflag:s14], $0x800  }
0x2a2: {  	[sflag:s14] =	ssyncset.done $0x0  }
0x2a3: {  	[sflag:s14] =	ssyncadd.s32 $0xFFFFF800  }
0x2a4: {  	_ =	swait.ge [sflag:s14], $0x800  }
0x2a5: {  	[sflag:s14] =	ssyncset.done $0x0  }
0x2a6: {  	[sflag:s14] =	ssyncadd.s32 $0xFFFFF800  }
0x2a7: {  	[tilespmem:s13], [sflag:$0x1] =	stream.indirect.gather [hbm4b:s11+s16], $0x80, s9, s16, $0xb8;
	[tilespmem:$0x1D000] =	vst v63  }
0x2a8: {  	_ =	swait.ge [sflag:s17], $0x4000  }
0x2a9: {  	[sflag:s17] =	ssyncset.done $0x0  }
0x2aa: {  	[sflag:s17] =	ssyncadd.s32 $0xFFFFC000  }
0x2ab: {  	[tilespmem:s18], [sflag:$0x2] =	stream.indirect.gather [hbm4b:s11+s16], $0x80, s16, s16, $0xb8;
	[tilespmem:$0x1D000] =	vst v63  }
0x2ac: {  	_ = 	snop  }
0x2ad: {  	[spmem:s2] =	stream.indirect.scatter.add.f32 [tilespmem:s13], [sflag:$0x3], $0x80, s1, s16, $0xb8;
	[tilespmem:$0x1D000] =	vst v63  }
0x2ae: {  	_ =	swait.ge [sflag:s19], $0x4000  }
0x2af: {  	[sflag:s19] =	ssyncset.done $0x0  }
0x2b0: {  	[sflag:s19] =	ssyncadd.s32 $0xFFFFC000  }
0x2b1: {  	_ =	swait.ge [sflag:s20], $0x4000  }
0x2b2: {  	[sflag:s20] =	ssyncset.done $0x0  }
0x2b3: {  	s10 =	simm.s32 $0x100;
	[sflag:s20] =	ssyncadd.s32 $0xFFFFC000  }
0x2b4: {  	[tilespmem:s13], [sflag:$0x1] =	stream.indirect.gather [hbm4b:s11+s16], $0x80, s10, s16, $0xb8;
	[tilespmem:$0x1D000] =	vst v63  }
0x2b5: {  	s15 =	simm.s32 $0x880  }
0x2b6: {  	[spmem:s2] =	stream.indirect.scatter.add.f32 [tilespmem:s18], [sflag:$0x4], $0x80, s15, s16, $0xb8;
	[tilespmem:$0x1D000] =	vst v63  }
0x2b7: {  	_ =	swait.ge [sflag:s17], $0x4000  }
0x2b8: {  	[sflag:s17] =	ssyncset.done $0x0  }
0x2b9: {  	[sflag:s17] =	ssyncadd.s32 $0xFFFFC000  }
0x2ba: {  	_ =	swait.ge [sflag:s23], $0x4000  }
0x2bb: {  	[sflag:s23] =	ssyncset.done $0x0  }
0x2bc: {  	s8 =	simm.s32 $0x180;
	[sflag:s23] =	ssyncadd.s32 $0xFFFFC000  }
0x2bd: {  	[tilespmem:s18], [sflag:$0x2] =	stream.indirect.gather [hbm4b:s11+s16], $0x80, s8, s16, $0xb8;
	[tilespmem:$0x1D000] =	vst v63  }
0x2be: {  	s10 =	simm.s32 $0x900  }
0x2bf: {  	[spmem:s2] =	stream.indirect.scatter.add.f32 [tilespmem:s13], [sflag:$0x3], $0x80, s10, s16, $0xb8;
	[tilespmem:$0x1D000] =	vst v63  }
0x2c0: {  	_ =	swait.ge [sflag:s19], $0x4000  }
0x2c1: {  	[sflag:s19] =	ssyncset.done $0x0  }
0x2c2: {  	[sflag:s19] =	ssyncadd.s32 $0xFFFFC000  }
0x2c3: {  	_ =	swait.ge [sflag:s20], $0x4000  }
0x2c4: {  	[sflag:s20] =	ssyncset.done $0x0  }
0x2c5: {  	s6 =	simm.s32 $0x200;
	[sflag:s20] =	ssyncadd.s32 $0xFFFFC000  }
0x2c6: {  	[tilespmem:s13], [sflag:$0x1] =	stream.indirect.gather [hbm4b:s11+s16], $0x80, s6, s16, $0xb8;
	[tilespmem:$0x1D000] =	vst v63  }
0x2c7: {  	s15 =	simm.s32 $0x980  }
0x2c8: {  	[spmem:s2] =	stream.indirect.scatter.add.f32 [tilespmem:s18], [sflag:$0x4], $0x80, s15, s16, $0xb8;
	[tilespmem:$0x1D000] =	vst v63  }
0x2c9: {  	_ =	swait.ge [sflag:s17], $0x4000  }
0x2ca: {  	[sflag:s17] =	ssyncset.done $0x0  }
0x2cb: {  	[sflag:s17] =	ssyncadd.s32 $0xFFFFC000  }
0x2cc: {  	_ =	swait.ge [sflag:s23], $0x4000  }
0x2cd: {  	[sflag:s23] =	ssyncset.done $0x0  }
0x2ce: {  	s25 =	simm.s32 $0x280;
	[sflag:s23] =	ssyncadd.s32 $0xFFFFC000  }
0x2cf: {  	[tilespmem:s18], [sflag:$0x2] =	stream.indirect.gather [hbm4b:s11+s16], $0x80, s25, s16, $0xb8;
	[tilespmem:$0x1D000] =	vst v63  }
0x2d0: {  	s25 =	simm.s32 $0xA00  }
0x2d1: {  	[spmem:s2] =	stream.indirect.scatter.add.f32 [tilespmem:s13], [sflag:$0x3], $0x80, s25, s16, $0xb8;
	[tilespmem:$0x1D000] =	vst v63  }
0x2d2: {  	_ =	swait.ge [sflag:s19], $0x4000  }
0x2d3: {  	[sflag:s19] =	ssyncset.done $0x0  }
0x2d4: {  	[sflag:s19] =	ssyncadd.s32 $0xFFFFC000  }
0x2d5: {  	_ =	swait.ge [sflag:s20], $0x4000  }
0x2d6: {  	[sflag:s20] =	ssyncset.done $0x0  }
0x2d7: {  	s28 =	simm.s32 $0x300;
	[sflag:s20] =	ssyncadd.s32 $0xFFFFC000  }
0x2d8: {  	[tilespmem:s13], [sflag:$0x1] =	stream.indirect.gather [hbm4b:s11+s16], $0x80, s28, s16, $0xb8;
	[tilespmem:$0x1D000] =	vst v63  }
0x2d9: {  	s5 =	simm.s32 $0xA80  }
0x2da: {  	[spmem:s2] =	stream.indirect.scatter.add.f32 [tilespmem:s18], [sflag:$0x4], $0x80, s5, s16, $0xb8;
	[tilespmem:$0x1D000] =	vst v63  }
0x2db: {  	_ =	swait.ge [sflag:s17], $0x4000  }
0x2dc: {  	[sflag:s17] =	ssyncset.done $0x0  }
0x2dd: {  	[sflag:s17] =	ssyncadd.s32 $0xFFFFC000  }
0x2de: {  	_ =	swait.ge [sflag:s23], $0x4000  }
0x2df: {  	[sflag:s23] =	ssyncset.done $0x0  }
0x2e0: {  	s30 =	simm.s32 $0x380;
	[sflag:s23] =	ssyncadd.s32 $0xFFFFC000  }
0x2e1: {  	[tilespmem:s18], [sflag:$0x2] =	stream.indirect.gather [hbm4b:s11+s16], $0x80, s30, s16, $0xb8;
	[tilespmem:$0x1D000] =	vst v63  }
0x2e2: {  	s4 =	simm.s32 $0xB00  }
0x2e3: {  	[spmem:s2] =	stream.indirect.scatter.add.f32 [tilespmem:s13], [sflag:$0x3], $0x80, s4, s16, $0xb8;
	[tilespmem:$0x1D000] =	vst v63  }
0x2e4: {  	_ =	swait.ge [sflag:s19], $0x4000  }
0x2e5: {  	[sflag:s19] =	ssyncset.done $0x0  }
0x2e6: {  	[sflag:s19] =	ssyncadd.s32 $0xFFFFC000  }
0x2e7: {  	_ =	swait.ge [sflag:s20], $0x4000  }
0x2e8: {  	[sflag:s20] =	ssyncset.done $0x0  }
0x2e9: {  	s12 =	simm.s32 $0x400;
	[sflag:s20] =	ssyncadd.s32 $0xFFFFC000  }
0x2ea: {  	[tilespmem:s13], [sflag:$0x1] =	stream.indirect.gather [hbm4b:s11+s16], $0x80, s12, s16, $0xb8;
	[tilespmem:$0x1D000] =	vst v63  }
0x2eb: {  	s0 =	simm.s32 $0xB80  }
0x2ec: {  	[spmem:s2] =	stream.indirect.scatter.add.f32 [tilespmem:s18], [sflag:$0x4], $0x80, s0, s16, $0xb8;
	[tilespmem:$0x1D000] =	vst v63  }
0x2ed: {  	_ =	swait.ge [sflag:s17], $0x4000  }
0x2ee: {  	[sflag:s17] =	ssyncset.done $0x0  }
0x2ef: {  	[sflag:s17] =	ssyncadd.s32 $0xFFFFC000  }
0x2f0: {  	_ =	swait.ge [sflag:s23], $0x4000  }
0x2f1: {  	[sflag:s23] =	ssyncset.done $0x0  }
0x2f2: {  	s6 =	simm.s32 $0x480;
	[sflag:s23] =	ssyncadd.s32 $0xFFFFC000  }
0x2f3: {  	[tilespmem:s18], [sflag:$0x2] =	stream.indirect.gather [hbm4b:s11+s16], $0x80, s6, s16, $0xb8;
	[tilespmem:$0x1D000] =	vst v63  }
0x2f4: {  	s8 =	simm.s32 $0xC00  }
0x2f5: {  	[spmem:s2] =	stream.indirect.scatter.add.f32 [tilespmem:s13], [sflag:$0x3], $0x80, s8, s16, $0xb8;
	[tilespmem:$0x1D000] =	vst v63  }
0x2f6: {  	_ =	swait.ge [sflag:s19], $0x4000  }
0x2f7: {  	[sflag:s19] =	ssyncset.done $0x0  }
0x2f8: {  	[sflag:s19] =	ssyncadd.s32 $0xFFFFC000  }
0x2f9: {  	_ =	swait.ge [sflag:s20], $0x4000  }
0x2fa: {  	[sflag:s20] =	ssyncset.done $0x0  }
0x2fb: {  	s3 =	simm.s32 $0x500;
	[sflag:s20] =	ssyncadd.s32 $0xFFFFC000  }
0x2fc: {  	[tilespmem:s13], [sflag:$0x1] =	stream.indirect.gather [hbm4b:s11+s16], $0x80, s3, s16, $0xb8;
	[tilespmem:$0x1D000] =	vst v63  }
0x2fd: {  	s10 =	simm.s32 $0xC80  }
0x2fe: {  	[spmem:s2] =	stream.indirect.scatter.add.f32 [tilespmem:s18], [sflag:$0x4], $0x80, s10, s16, $0xb8;
	[tilespmem:$0x1D000] =	vst v63  }
0x2ff: {  	_ =	swait.ge [sflag:s17], $0x4000  }
0x300: {  	[sflag:s17] =	ssyncset.done $0x0  }
0x301: {  	[sflag:s17] =	ssyncadd.s32 $0xFFFFC000  }
0x302: {  	_ =	swait.ge [sflag:s23], $0x4000  }
0x303: {  	[sflag:s23] =	ssyncset.done $0x0  }
0x304: {  	s21 =	simm.s32 $0x580;
	[sflag:s23] =	ssyncadd.s32 $0xFFFFC000  }
0x305: {  	[tilespmem:s18], [sflag:$0x2] =	stream.indirect.gather [hbm4b:s11+s16], $0x80, s21, s16, $0xb8;
	[tilespmem:$0x1D000] =	vst v63  }
0x306: {  	s12 =	simm.s32 $0xD00  }
0x307: {  	[spmem:s2] =	stream.indirect.scatter.add.f32 [tilespmem:s13], [sflag:$0x3], $0x80, s12, s16, $0xb8;
	[tilespmem:$0x1D000] =	vst v63  }
0x308: {  	_ =	swait.ge [sflag:s19], $0x4000  }
0x309: {  	[sflag:s19] =	ssyncset.done $0x0  }
0x30a: {  	[sflag:s19] =	ssyncadd.s32 $0xFFFFC000  }
0x30b: {  	_ =	swait.ge [sflag:s20], $0x4000  }
0x30c: {  	[sflag:s20] =	ssyncset.done $0x0  }
0x30d: {  	s22 =	simm.s32 $0x600;
	[sflag:s20] =	ssyncadd.s32 $0xFFFFC000  }
0x30e: {  	[tilespmem:s13], [sflag:$0x1] =	stream.indirect.gather [hbm4b:s11+s16], $0x80, s22, s16, $0xb8;
	[tilespmem:$0x1D000] =	vst v63  }
0x30f: {  	s15 =	simm.s32 $0xD80  }
0x310: {  	[spmem:s2] =	stream.indirect.scatter.add.f32 [tilespmem:s18], [sflag:$0x4], $0x80, s15, s16, $0xb8;
	[tilespmem:$0x1D000] =	vst v63  }
0x311: {  	_ =	swait.ge [sflag:s17], $0x4000  }
0x312: {  	[sflag:s17] =	ssyncset.done $0x0  }
0x313: {  	[sflag:s17] =	ssyncadd.s32 $0xFFFFC000  }
0x314: {  	_ =	swait.ge [sflag:s23], $0x4000  }
0x315: {  	[sflag:s23] =	ssyncset.done $0x0  }
0x316: {  	s21 =	simm.s32 $0x680;
	[sflag:s23] =	ssyncadd.s32 $0xFFFFC000  }
0x317: {  	[tilespmem:s18], [sflag:$0x2] =	stream.indirect.gather [hbm4b:s11+s16], $0x80, s21, s16, $0xb8;
	[tilespmem:$0x1D000] =	vst v63  }
0x318: {  	s22 =	simm.s32 $0xE00  }
0x319: {  	[spmem:s2] =	stream.indirect.scatter.add.f32 [tilespmem:s13], [sflag:$0x3], $0x80, s22, s16, $0xb8;
	[tilespmem:$0x1D000] =	vst v63  }
0x31a: {  	_ =	swait.ge [sflag:s19], $0x4000  }
0x31b: {  	[sflag:s19] =	ssyncset.done $0x0  }
0x31c: {  	[sflag:s19] =	ssyncadd.s32 $0xFFFFC000  }
0x31d: {  	_ =	swait.ge [sflag:s20], $0x4000  }
0x31e: {  	[sflag:s20] =	ssyncset.done $0x0  }
0x31f: {  	s24 =	simm.s32 $0x700;
	[sflag:s20] =	ssyncadd.s32 $0xFFFFC000  }
0x320: {  	[tilespmem:s13], [sflag:$0x1] =	stream.indirect.gather [hbm4b:s11+s16], $0x80, s24, s16, $0xb8;
	[tilespmem:$0x1D000] =	vst v63  }
0x321: {  	s29 =	simm.s32 $0xE80  }
0x322: {  	[spmem:s2] =	stream.indirect.scatter.add.f32 [tilespmem:s18], [sflag:$0x4], $0x80, s29, s16, $0xb8;
	[tilespmem:$0x1D000] =	vst v63  }
0x323: {  	_ =	swait.ge [sflag:s17], $0x4000  }
0x324: {  	[sflag:s17] =	ssyncset.done $0x0  }
0x325: {  	[sflag:s17] =	ssyncadd.s32 $0xFFFFC000  }
0x326: {  	_ =	swait.ge [sflag:s23], $0x4000  }
0x327: {  	[sflag:s23] =	ssyncset.done $0x0  }
0x328: {  	s26 =	simm.s32 $0x780;
	[sflag:s23] =	ssyncadd.s32 $0xFFFFC000  }
0x329: {  	[tilespmem:s18], [sflag:$0x2] =	stream.indirect.gather [hbm4b:s11+s16], $0x80, s26, s16, $0xb8;
	[tilespmem:$0x1D000] =	vst v63  }
0x32a: {  	s31 =	simm.s32 $0xF00  }
0x32b: {  	[spmem:s2] =	stream.indirect.scatter.add.f32 [tilespmem:s13], [sflag:$0x3], $0x80, s31, s16, $0xb8;
	[tilespmem:$0x1D000] =	vst v63  }
0x32c: {  	_ =	swait.ge [sflag:s19], $0x4000  }
0x32d: {  	[sflag:s19] =	ssyncset.done $0x0  }
0x32e: {  	[sflag:s19] =	ssyncadd.s32 $0xFFFFC000  }
0x32f: {  	_ =	swait.ge [sflag:s20], $0x4000  }
0x330: {  	[sflag:s20] =	ssyncset.done $0x0  }
0x331: {  	s25 =	simm.s32 $0xF80;
	[sflag:s20] =	ssyncadd.s32 $0xFFFFC000  }
0x332: {  	[spmem:s2] =	stream.indirect.scatter.add.f32 [tilespmem:s18], [sflag:$0x4], $0x80, s25, s16, $0xb8;
	[tilespmem:$0x1D000] =	vst v63  }
0x333: {  	_ =	swait.ge [sflag:s23], $0x4000  }
0x334: {  	[sflag:s23] =	ssyncset.done $0x0  }
0x335: {  	[sflag:s23] =	ssyncadd.s32 $0xFFFFC000  }
0x336: {  	s26 =	stileid.u32;
	[bflag:$0x0] =	sbarrier.arrive $0xFFFF  }
0x337: {  	s8 =	sshll.u32 s26, $0x6;
	s28 =	rddreg [dreg:$0x3]  }
0x338: {  	s8 =	sor.u32 $0x1C05, s8;
	s30 =	rddreg [dreg:$0x9];
	s29 =	sshrl.u32 s28, $0x3  }
0x339: {  	[hbm:s30], [sflag:s8] =	dma.local [spmem:s29], $0x2800  }
0x33a: {  	_ =	swait.ge [sflag:s14], $0x2800  }
0x33b: {  	s7 =	sadd.s32 $0x1, s7;
	s31 =	rddreg [dreg:$0x8]  }
0x33c: {  	p0 =	sne.s32 s7, s31  }
.Ltmp1:
0x33d: {  	_ = 	snop;
	(pc) =	sbr.rel @p0 .LBB2_1-.Ltmp1, $3  }
0x33e: {  	_ =	sdelay $0x1  }
0x33f: {  	[sflag:s14] =	ssyncset.done $0x0  }
0x340: {  	[sflag:s14] =	ssyncadd.s32 $0xFFFFD800  }
0x341: {  	_ =	sfence.sel $0x180000  }
0x342: {  	[bflag:$0x0] =	sbarrier.arrive $0xFFFF  }
0x343: {  	_ =	strace $0x9000004A  }
0x344: {  	s0 =	stileid.u32;
	[bflag:$0x2] =	sbarrier.arrive $0xFFFF  }
0x345: {  	p0 =	sne.s32 s0, $0x0;
	s0 =	rddreg [dreg:$0x2]  }
0x346: {  	s0 =	sadd.s32 @!p0 $0x100000, s0  }
0x347: {  	[sflag:s0] =	ssyncadd.tile.s32 @!p0 $0x1;
	_ =	shalt  }
.Lfunc_end2:
_tile_overlayer_lowered:
.L_overlay_start_2:
0x348: {  	(tag) =	ssettag $0x2  }
0x349: {  	s0 =	rddreg [dreg:$0x0];
	s2 =	stileid.u32  }
0x34a: {  	s1 =	rddreg [dreg:$0x1];
	p0 =	sne.s32 s2, $0x0  }
0x34b: {  	s3 =	rddreg [dreg:$0x2];
	[bflag:$0x3] =	sbarrier.arrive $0xFFFF;
	s2 =	simm.s32 @!p0 $0x1C06  }
0x34c: {  	[timem:s3], [sflag:s2] =	dma.local @!p0 [hbm:s0], s1  }
0x34d: {  	s0 =	simm.s32 @!p0 $0x6  }
0x34e: {  	_ =	swait.ge @!p0 [sflag:s0], s1  }
0x34f: {  	s1 =	ssub.s32 @!p0 $0x0, s1;
	[sflag:s0] =	ssyncset.done @!p0 $0x0  }
0x350: {  	[sflag:s0] =	ssyncadd.s32 @!p0 s1  }
0x351: {  	[bflag:$0x3] =	sbarrier.arrive $0xFFFF  }
0x352: {  	_ =	shalt  }

// kernel: kernel.8.cloned.1.call-start
scs
__scs_entry_jumppad:
0x0: {  	(pc) =	sbr.rel $0x88, $3  }
0x1: {  	(tag) =	ssettag $0x0;
	lr =	simm.s32 $0x1  }
0x2: {  	[smem:$0x3F9C] =	sst lr;
	_ =	strace $0xD0000000  }
0x3: {  	_ = 	snop  }
0x4: {  	_ = 	snop  }
0x5: {  	_ = 	snop  }
0x6: {  	_ = 	snop  }
0x7: {  	_ = 	snop  }
__scs_overlays_trampoline_lowered:
0x8: {  	[smem:$0x3FAB] =	sst s0  }
0x9: {  	[smem:$0x3FAC] =	sst s1  }
0xa: {  	[smem:$0x3FAD] =	sst s2  }
0xb: {  	[smem:$0x3FAE] =	sst s3  }
0xc: {  	[smem:$0x3FAF] =	sst s4  }
0xd: {  	[smem:$0x3FB0] =	sst s5  }
0xe: {  	[smem:$0x3FB1] =	sst s6  }
0xf: {  	[smem:$0x3FB2] =	sst s7  }
0x10: {  	[smem:$0x3FB3] =	sst s8  }
0x11: {  	[smem:$0x3FB4] =	sst s9;
	s0 =	simm.s32 @!p0 $0x0  }
0x12: {  	s1 =	sld [smem:$0x3F9A];
	s0 =	simm.s32 @p0 $0x1  }
0x13: {  	[smem:$0x3FB5] =	sst s0;
	s0 =	simm.s32 @!p1 $0x0  }
0x14: {  	s2 =	sld [smem:$0x3F99];
	s0 =	simm.s32 @p1 $0x1  }
0x15: {  	[smem:$0x3FB6] =	sst s0;
	s0 =	simm.s32 @!p2 $0x0  }
0x16: {  	s3 =	sld [smem:$0x3FDB];
	s0 =	simm.s32 @p2 $0x1  }
0x17: {  	s4 =	simm.s32 $0x1BF5;
	[smem:$0x3FB8] =	sst s0  }
0x18: {  	s0 =	sld [smem:$0x3F9B];
	_ =	swait.ge [sflag:s4], $0x0  }
0x19: {  	s7 =	sld [smem:$0x3F9C]  }
0x1a: {  	s8 =	sadd.s32 $0xFFFFE003, lr  }
0x1b: {  	s9 =	sadd.s32 $0xFFFFFEF7, lr;
	s5 =	simm.s32 $0xFFFFFFFF;
	p2 =	slt.u32 s8, $0xFFFFF086  }
0x1c: {  	p1 =	slt.u32 s9, $0xF7A;
	s5 =	simm.s32 @!p2 $0x0  }
0x1d: {  	s5 =	simm.s32 @p1 $0x1;
	p0 =	seq.s32 s7, s2  }
0x1e: {  	s7 =	smul.u32 @!p0 $0xF7A, s2;
	p2 =	seq.s32 @!p0 s5, $0x0  }
0x1f: {  	s9 =	smul.u32 $0xF7A, s1;
	s8 =	simm.s32 @!p0 $0x1BF5;
	p2 =	por !p2, p0  }
0x20: {  	[sflag:s8] =	ssyncset.s32 @!p0 $0xFFFFF086;
	s6 =	sadd.s32 @!p0 s3, s7;
	s7 =	simm.s32 @!p0 $0x108  }
0x21: {  	s3 =	sadd.s32 s3, s9;
	s6 =	sadd.s32 @!p0 $0x88, s6;
	s7 =	simm.s32 @p2 $0x1082  }
0x22: {  	[simem:s7], [sflag:s8] =	dma.local @!p0 [hbm:s6], $0xF7A  }
0x23: {  	s9 =	sor.u32 $0xD0000000, s2;
	s6 =	simm.s32 $0x108;
	_ =	swait.ge @!p0 [sflag:s8], $0x0  }
0x24: {  	s3 =	sadd.s32 $0x88, s3;
	s6 =	simm.s32 @!p1 $0x1082;
	[sflag:s4] =	ssyncset.s32 $0xFFFFF086  }
0x25: {  	[simem:s6], [sflag:s4] =	dma.local [hbm:s3], $0xF7A  }
0x26: {  	[smem:$0x3F9C] =	sst s1;
	(tag) =	ssettag s2;
	_ =	strace s9  }
0x27: {  	s1 =	sld [smem:$0x3FAC]  }
0x28: {  	s2 =	sld [smem:$0x3FAD]  }
0x29: {  	s4 =	sld [smem:$0x3FAF]  }
0x2a: {  	p0 =	seq.s32 s5, $0x0;
	s5 =	sld [smem:$0x3FB0]  }
0x2b: {  	s6 =	sld [smem:$0x3FB1]  }
0x2c: {  	s7 =	sld [smem:$0x3FB2]  }
0x2d: {  	s3 =	simm.s32 $0x108;
	s8 =	sld [smem:$0x3FB3]  }
0x2e: {  	s3 =	simm.s32 @!p0 $0x1082;
	s9 =	sld [smem:$0x3FB4]  }
0x2f: {  	lr =	sadd.s32 s0, s3;
	s0 =	sld [smem:$0x3FAB]  }
0x30: {  	s3 =	sld [smem:$0x3FAE]  }
0x31: {  	[smem:$0x3FB7] =	sst s10  }
0x32: {  	s10 =	sld [smem:$0x3FB5];
	_ =	sdelay $0x3  }
0x33: {  	p0 =	seq.s32 s10, $0x1;
	s10 =	sld [smem:$0x3FB7];
	_ =	sdelay $0x3  }
0x34: {  	[smem:$0x3FB7] =	sst s10  }
0x35: {  	s10 =	sld [smem:$0x3FB6];
	_ =	sdelay $0x3  }
0x36: {  	p1 =	seq.s32 s10, $0x1;
	s10 =	sld [smem:$0x3FB7];
	_ =	sdelay $0x3  }
0x37: {  	[smem:$0x3FB7] =	sst s10  }
0x38: {  	s10 =	sld [smem:$0x3FB8]  }
0x39: {  	_ = 	snop;
	(pc) =	sbr.ind lr, $3  }
0x3a: {  	_ = 	snop  }
0x3b: {  	_ = 	snop  }
0x3c: {  	p2 =	seq.s32 s10, $0x1;
	s10 =	sld [smem:$0x3FB7]  }
0x3d: {  	_ =	shalt  }
0x3e: {  	_ =	shalt  }
0x3f: {  	_ =	shalt  }
0x40: {  	_ =	shalt  }
0x41: {  	_ =	shalt  }
0x42: {  	_ =	shalt  }
0x43: {  	_ =	shalt  }
0x44: {  	_ =	shalt  }
0x45: {  	_ =	shalt  }
0x46: {  	_ =	shalt  }
0x47: {  	_ =	shalt  }
0x48: {  	_ =	shalt  }
0x49: {  	_ =	shalt  }
0x4a: {  	_ =	shalt  }
0x4b: {  	_ =	shalt  }
0x4c: {  	_ =	shalt  }
0x4d: {  	_ =	shalt  }
0x4e: {  	_ =	shalt  }
0x4f: {  	_ =	shalt  }
0x50: {  	_ =	shalt  }
0x51: {  	_ =	shalt  }
0x52: {  	_ =	shalt  }
0x53: {  	_ =	shalt  }
0x54: {  	_ =	shalt  }
0x55: {  	_ =	shalt  }
0x56: {  	_ =	shalt  }
0x57: {  	_ =	shalt  }
0x58: {  	_ =	shalt  }
0x59: {  	_ =	shalt  }
0x5a: {  	_ =	shalt  }
0x5b: {  	_ =	shalt  }
0x5c: {  	_ =	shalt  }
0x5d: {  	_ =	shalt  }
0x5e: {  	_ =	shalt  }
0x5f: {  	_ =	shalt  }
0x60: {  	_ =	shalt  }
0x61: {  	_ =	shalt  }
0x62: {  	_ =	shalt  }
0x63: {  	_ =	shalt  }
0x64: {  	_ =	shalt  }
0x65: {  	_ =	shalt  }
0x66: {  	_ =	shalt  }
0x67: {  	_ =	shalt  }
0x68: {  	_ =	shalt  }
0x69: {  	_ =	shalt  }
0x6a: {  	_ =	shalt  }
0x6b: {  	_ =	shalt  }
0x6c: {  	_ =	shalt  }
0x6d: {  	_ =	shalt  }
0x6e: {  	_ =	shalt  }
0x6f: {  	_ =	shalt  }
0x70: {  	_ =	shalt  }
0x71: {  	_ =	shalt  }
0x72: {  	_ =	shalt  }
0x73: {  	_ =	shalt  }
0x74: {  	_ =	shalt  }
0x75: {  	_ =	shalt  }
0x76: {  	_ =	shalt  }
0x77: {  	_ =	shalt  }
0x78: {  	_ =	shalt  }
0x79: {  	_ =	shalt  }
0x7a: {  	_ =	shalt  }
0x7b: {  	_ =	shalt  }
0x7c: {  	_ =	shalt  }
0x7d: {  	_ =	shalt  }
0x7e: {  	_ =	shalt  }
0x7f: {  	_ =	shalt  }
0x80: {  	_ =	shalt  }
0x81: {  	_ =	shalt  }
0x82: {  	_ =	shalt  }
0x83: {  	_ =	shalt  }
0x84: {  	_ =	shalt  }
0x85: {  	_ =	shalt  }
0x86: {  	_ =	shalt  }
0x87: {  	_ =	shalt  }
.Lfunc_end0:
.L_simem_size_0:
called_computation_lowered:
.L_overlay_start_0:
0x88: {  	s2 =	sld [smem:$0x3FD9]  }
0x89: {  	s3 =	sld [smem:$0x3FFE];
	_ =	sdelay $0x1  }
0x8a: {  	s1 =	srdreg.scid  }
0x8b: {  	s0 =	sand.u32 $0x1, s1  }
0x8c: {  	s17 =	sshll.u32 s0, $0xA;
	s2 =	sadd.s32 s3, s2  }
0x8d: {  	s2 =	sadd.s32 s2, s17  }
0x8e: {  	[smem:$0x3FC3] =	sst s2  }
0x8f: {  	_ = 	snop  }
0x90: {  	s2 =	sld [smem:$0x3FD0];
	(tm) =	ssettm $0x1  }
0x91: {  	s18 =	sld [smem:$0x3FFB];
	_ =	sdelay $0x3  }
0x92: {  	_ =	strace s18  }
0x93: {  	s3 =	sld [smem:$0x3FFC];
	_ =	sdelay $0x3  }
0x94: {  	_ =	strace s3  }
0x95: {  	s3 =	sld [smem:$0x3FFD];
	_ =	sdelay $0x3  }
0x96: {  	_ =	strace s3  }
0x97: {  	_ =	strace $0x8FFFFFFF  }
0x98: {  	s19 =	sld [smem:$0x3FDB];
	_ =	sdelay $0x1  }
0x99: {  	s4 =	simm.s32 $_scs_section_size  }
0x9a: {  	s5 =	simm.s32 $_size__tile_overlayer_lowered;
	s6 =	simm.s32 $_tile_overlayer_lowered  }
0x9b: {  	s22 =	simm.s32 $0x1BFF;
	s21 =	sshll.u32 s6, $0x1;
	s3 =	sadd.s32 s4, s19  }
0x9c: {  	s7 =	simm.s32 $0x0;
	s20 =	sshll.u32 s5, $0x1;
	s5 =	sadd.s32 s21, s3  }
0x9d: {  	[timem:s7], [sflag:s22] =	dma.local [hbm:s5], s20  }
0x9e: {  	_ =	swait.ge [sflag:s22], s20  }
0x9f: {  	s4 =	ssub.s32 $0x0, s20;
	[sflag:s22] =	ssyncset.done $0x0  }
0xa0: {  	[sflag:s22] =	ssyncadd.s32 s4;
	_ =	sdelay $0x1  }
0xa1: {  	s23 =	simm.s32 $0x1B8B  }
0xa2: {  	_ =	swait.ge [sflag:s23], $0x1  }
0xa3: {  	[sflag:s23] =	ssyncset.done $0x0  }
0xa4: {  	s25 =	simm.s32 $0x1B8E;
	s24 =	sld [smem:$0x3FFE];
	[sflag:s23] =	ssyncadd.s32 $0xFFFFFFFF  }
0xa5: {  	s26 =	simm.s32 $execute0_lowered;
	[smem:$0x3FD2] =	sst s25  }
0xa6: {  	s5 =	sshll.u32 s26, $0x1;
	_ =	strace $0x80000046;
	[dreg:$0x1] =	wrdreg $0xFFFFFFFF  }
0xa7: {  	s28 =	simm.s32 $_size_execute0_lowered;
	s3 =	sadd.s32 s3, s5;
	[dreg:$0x0] =	wrdreg $0x0  }
0xa8: {  	s5 =	sshll.u32 s28, $0x1;
	[dreg:$0x2] =	wrdreg s3  }
0xa9: {  	[dreg:$0x3] =	wrdreg s5  }
0xaa: {  	[dreg:$0x4] =	wrdreg $0xC0  }
0xab: {  	_ =	task [dreg:s7], $0x5FFFF  }
0xac: {  	[dreg:$0x1] =	wrdreg $0xFFFFFFFF  }
0xad: {  	[dreg:$0x0] =	wrdreg $0x60  }
0xae: {  	[dreg:$0x2] =	wrdreg s2  }
0xaf: {  	[dreg:$0x3] =	wrdreg s24  }
0xb0: {  	[dreg:$0x4] =	wrdreg $0x9  }
0xb1: {  	_ =	task.clear_ibuf [dreg:s7], $0x5FFFF;
	_ =	strace $0x90000046  }
0xb2: {  	s29 =	simm.s32 $0x9;
	_ =	strace $0x80000048  }
0xb3: {  	_ =	swait.ge [sflag:s29], $0x1  }
0xb4: {  	[sflag:s29] =	ssyncadd.s32 $0xFFFFFFFF  }
0xb5: {  	_ =	strace $0x90000048  }
0xb6: {  	_ =	sfence  }
0xb7: {  	s30 =	sld [smem:$0x0];
	_ =	sdelay $0x2  }
0xb8: {  	s31 =	sshll.u32 s1, $0xD;
	s1 =	sshrl.u32 s1, $0x2  }
0xb9: {  	s3 =	sand.u32 $0x4000, s31;
	s1 =	sadd.s32 s1, s30  }
0xba: {  	s0 =	sor.u32 s3, s0;
	s1 =	sshll.u32 s1, $0x11  }
0xbb: {  	s0 =	sor.u32 s1, s0  }
0xbc: {  	s0 =	sadd.s32 $0x8F2B, s0  }
0xbd: {  	[sflag:s0] =	ssyncadd.remote.s32 $0x1  }
0xbe: {  	_ =	sfence.sel $0xFFFF  }
0xbf: {  	[dreg:$0x0] =	wrdreg $0xFFFFFFFF;
	(pc) =	sbr.abs _section_cstart, $3  }
0xc0: {  	[dreg:$0x1] =	wrdreg $0xFFFFFFFF  }
0xc1: {  	_ =	task.clear_ibuf [dreg:s7], $0x2FFFF;
	_ =	strace $0x9FFFFFFF  }
0xc2: {  	(tm) =	ssettm $0x7FFFFFFF  }
0xc3: {  	_ =	shalt  }
tec
execute0_lowered:
.L_overlay_start_1:
0x0: {  	(tag) =	ssettag $0x1  }
0x1: {  	s3 =	rddreg [dreg:$0x0];
	s1 =	srdreg.scid  }
0x2: {  	s0 =	stileid.u32;
	s6 =	rddreg [dreg:$0x1];
	s8 =	simm.s32 $0x1  }
0x3: {  	s9 =	simm.s32 $0x2800;
	s10 =	simm.s32 $0x0;
	s4 =	sand.u32 $0x1, s1  }
0x4: {  	s29 =	sshrl.u32 s0, $0x2;
	s2 =	sshll.u32 s0, $0x8;
	s1 =	rddreg [dreg:$0x2]  }
0x5: {  	s5 =	smul.u32 $0x14000, s29;
	s30 =	sshll.u32 s4, $0x7;
	s2 =	sand.u32 $0x300, s2  }
0x6: {  	s4 =	ssub.s32 $0x2, s4;
	s7 =	sor.u32 s30, s2;
	s2 =	simm.s32 $0x0  }
0x7: {  	s31 =	sshrl.u32 s4, $0x1;
	s5 =	sor.u32 s5, s7;
	[smem:$0x7FF] =	sst s2  }
0x8: {  	s7 =	ssub.s32 s4, s31;
	s5 =	sshrl.u32 s5, $0x3;
	_ =	strace $0x80000047  }
0x9: {  	s6 =	sadd.s32 s5, s6;
	s3 =	sadd.s32 s3, s5;
	s5 =	smax.u32 s7, $0x1  }
0xa: {  	v0 =	vimm.f32 $0.0e+00;
	v1 =	vimm.f32 $1.000000000e+00;
	s7 =	simm.s32 $0x400;
	s4 =	sadd.s32 $0xC000, s6;
	s6 =	simm.s32 $0x80  }
.LBB2_1:
0xb: {  	[tilespmem:s2], [sflag:$0x1] =	stream.strided.gather [hbm4b:s3+s6], $0x2800, s7, s6, $0x38;
	[tilespmem:$0x5000] =	vst v63  }
0xc: {  	_ =	swait.ge [sflag:s8], $0x2800  }
0xd: {  	[sflag:s8] =	ssyncset.done $0x0  }
0xe: {  	s11 =	simm.s32 $0x0;
	[sflag:s8] =	ssyncadd.s32 $0xFFFFD800  }
.LBB2_2:
0xf: {  	p0 =	sne.s32 s11, $0x9FC0  }
.Ltmp0:
0x10: {  	_ = 	snop;
	(pc) =	sbr.rel @p0 .LBB2_2-.Ltmp0, $3  }
0x11: {  	_ =	sdelay $0x1  }
0x12: {  	s12 =	sshra.s32 s11, $0x2  }
0x13: {  	s11 =	sadd.s32 $0x40, s11;
	[tilespmem:s12+$0x2800] =	vst v0  }
0x14: {  	s12 =	simm.s32 $0x0;
	s11 =	simm.s32 $0x40  }
.LBB2_4:
0x15: {  	p0 =	sne.s32 s11, $0x9FC0;
	v2 =	vld [tilespmem:s12+$0x0];
	_ =	sdelay $0x3  }
.Ltmp1:
0x16: {  	(pc) =	sbr.rel @p0 .LBB2_4-.Ltmp1, $2  }
0x17: {  	_ =	sdelay $0x2  }
0x18: {  	s12 =	sshra.s32 s11, $0x2;
	s11 =	sadd.s32 $0x40, s11;
	[tilespmem:v2+s9+$0x0] =	vst.idx.add.f32.msk $0xffff, v1  }
0x19: {  	v2 =	vld [tilespmem:s12+$0x0];
	_ =	sdelay $0x5  }
0x1a: {  	s10 =	sadd.s32 $0x1, s10  }
0x1b: {  	p0 =	sne.s32 s10, s5  }
.Ltmp2:
0x1c: {  	[tilespmem:v2+s9+$0x0] =	vst.idx.add.f32.msk $0xffff, v1;
	(pc) =	sbr.rel @p0 .LBB2_1-.Ltmp2, $4  }
0x1d: {  	[hbm4b:s4+s6] =	stream.strided.scatter [tilespmem:s9], [sflag:$0x1], $0x2800, s7, s6, $0x38;
	[tilespmem:$0x5000] =	vst v63  }
0x1e: {  	_ =	swait.ge [sflag:s8], $0x2800  }
0x1f: {  	[sflag:s8] =	ssyncset.done $0x0  }
0x20: {  	[sflag:s8] =	ssyncadd.s32 $0xFFFFD800  }
0x21: {  	_ =	sfence.sel $0x180000  }
0x22: {  	[bflag:$0x0] =	sbarrier.arrive $0xFFFF  }
0x23: {  	p0 =	sne.s32 s0, $0x0;
	_ =	strace $0x90000047  }
0x24: {  	s0 =	sadd.s32 @!p0 $0x100000, s1;
	[bflag:$0x2] =	sbarrier.arrive $0xFFFF  }
0x25: {  	[sflag:s0] =	ssyncadd.tile.s32 @!p0 $0x1;
	_ =	shalt  }
.Lfunc_end2:
_tile_overlayer_lowered:
.L_overlay_start_2:
0x26: {  	(tag) =	ssettag $0x2  }
0x27: {  	s0 =	rddreg [dreg:$0x0];
	s2 =	stileid.u32  }
0x28: {  	s1 =	rddreg [dreg:$0x1];
	p0 =	sne.s32 s2, $0x0  }
0x29: {  	s3 =	rddreg [dreg:$0x2];
	[bflag:$0x3] =	sbarrier.arrive $0xFFFF;
	s2 =	simm.s32 @!p0 $0x1C02  }
0x2a: {  	[timem:s3], [sflag:s2] =	dma.local @!p0 [hbm:s0], s1  }
0x2b: {  	s0 =	simm.s32 @!p0 $0x2  }
0x2c: {  	_ =	swait.ge @!p0 [sflag:s0], s1  }
0x2d: {  	s1 =	ssub.s32 @!p0 $0x0, s1;
	[sflag:s0] =	ssyncset.done @!p0 $0x0  }
0x2e: {  	[sflag:s0] =	ssyncadd.s32 @!p0 s1  }
0x2f: {  	[bflag:$0x3] =	sbarrier.arrive $0xFFFF  }
0x30: {  	_ =	shalt  }

</sc_bundles>
